<compile_context>
chip_gen: v7x
topology: tpu7x:2x2x1
jax: 0.10.2.dev20260603
libtpu: 0.0.44.dev20260713+nightly
codegen_flags: <defaults>
</compile_context>

<pallas_src>
import functools

import jax
import jax.numpy as jnp
from jax import lax
from jax.experimental import pallas as pl
from jax.experimental.pallas import tpu as pltpu
from jax.experimental.pallas import tpu_sc as plsc

MAXD = 10
V = MAXD + 1
D = 64
N_SIDE = 1024
H = N_SIDE // 2
TOP = N_SIDE // 4
NC = 2
NS = 16
NW = NC * NS
K = 128
NROW = TOP // NW
NKC = TOP * H // (NW * K)
L = 16
NBUF = 4
VP = 16


def _sc_body(dist_hbm, table2_hbm, out_hbm, idx_v, cidx_v, table2_sh, *bufs_and_sems):
    rows = bufs_and_sems[:NBUF]
    sg = bufs_and_sems[NBUF : 2 * NBUF]
    so = bufs_and_sems[2 * NBUF : 3 * NBUF]

    sid = lax.axis_index("s")
    wid = sid * NC + lax.axis_index("c")
    row0 = wid * NKC

    @pl.when(sid == 0)
    def _():
        pltpu.sync_copy(table2_hbm, table2_sh)

    pltpu.sync_copy(dist_hbm.at[pl.ds(wid * NROW, NROW)], idx_v)

    def combine_row(il, carry):
        for g in range(H // L):
            a = idx_v[il, pl.ds(g * L, L)]
            b = idx_v[il, pl.ds(H + g * L, L)]
            a = jnp.minimum(jnp.maximum(a, 0), MAXD)
            b = jnp.minimum(jnp.maximum(b, 0), MAXD)
            cidx_v[il * (H // K) + g // (K // L), pl.ds((g % (K // L)) * L, L)] = (
                a * V + b
            )
        return carry

    lax.fori_loop(0, NROW, combine_row, 0)

    plsc.subcore_barrier()

    def fire_gather(j, b):
        pltpu.async_copy(table2_sh.at[cidx_v.at[j]], rows[b], sg[b])

    def fire_write(j, b):
        pltpu.async_copy(rows[b], out_hbm.at[pl.ds((row0 + j) * K, K)], so[b])

    def wait_gather(j, b):
        pltpu.make_async_copy(table2_sh.at[cidx_v.at[j]], rows[b], sg[b]).wait()

    def wait_write(j, b):
        pltpu.make_async_copy(
            rows[b], out_hbm.at[pl.ds((row0 + j) * K, K)], so[b]
        ).wait()

    for b in range(NBUF):
        fire_gather(b, b)

    def outer(gi, carry):
        g = gi * NBUF
        for b in range(NBUF):
            j = g + b
            wait_gather(j, b)
            fire_write(j, b)
            wait_write(j, b)

            @pl.when(j + NBUF < NKC)
            def _():
                fire_gather(j + NBUF, b)

        return carry

    lax.fori_loop(0, NKC // NBUF, outer, 0)


_gather_call = functools.partial(
    pl.kernel,
    out_type=jax.ShapeDtypeStruct((TOP * H, 2 * D), jnp.float32),
    mesh=plsc.VectorSubcoreMesh(
        core_axis_name="c", subcore_axis_name="s", num_cores=NC, num_subcores=NS
    ),
    scratch_types=(
        [
            pltpu.VMEM((NROW, N_SIDE), jnp.int32),
            pltpu.VMEM((NKC, K), jnp.int32),
            pltpu.VMEM_SHARED((V * V, 2 * D), jnp.float32),
        ]
        + [pltpu.VMEM((K, 2 * D), jnp.float32)] * NBUF
        + [pltpu.SemaphoreType.DMA] * (2 * NBUF)
    ),
)(_sc_body)


BI = 8


def _tc_body(x_ref, d_ref, tt_ref, o_ref):
    i = pl.program_id(0)

    for r in range(BI):

        @pl.when(i * BI + r < TOP)
        def _():
            for c in range(H // 128):
                t = x_ref[pl.ds(r * H + c * 128, 128), :].T
                o_ref[r, :, pl.ds(c * 128, 128)] = t[:D, :]
                o_ref[r, :, pl.ds(H + c * 128, 128)] = t[D:, :]

        @pl.when(i * BI + r >= TOP)
        def _():
            idx = d_ref[r, 0, :]
            idx = jnp.minimum(jnp.maximum(idx, 0), MAXD)
            onehot = (
                lax.broadcasted_iota(jnp.int32, (VP, N_SIDE), 0) == idx[None, :]
            ).astype(jnp.float32)
            o_ref[r] = lax.dot_general(
                tt_ref[...],
                onehot,
                (((1,), (0,)), ((), ())),
                precision=lax.Precision.HIGHEST,
                preferred_element_type=jnp.float32,
            )


_relayout_call = pl.pallas_call(
    _tc_body,
    grid=(N_SIDE // BI,),
    in_specs=[
        pl.BlockSpec((BI * H, 2 * D), lambda i: (jnp.minimum(i, TOP // BI - 1), 0)),
        pl.BlockSpec((BI, 1, N_SIDE), lambda i: (i, 0, 0)),
        pl.BlockSpec((D, VP), lambda i: (0, 0)),
    ],
    out_specs=pl.BlockSpec((BI, D, N_SIDE), lambda i: (i, 0, 0)),
    out_shape=jax.ShapeDtypeStruct((N_SIDE, D, N_SIDE), jnp.float32),
)


def kernel(distance_matrix, table):
    table2 = jnp.concatenate(
        [jnp.repeat(table, V, axis=0), jnp.tile(table, (V, 1))], axis=1
    )
    paired = _gather_call(distance_matrix, table2)
    tableT = jnp.pad(table, ((0, VP - V), (0, 0))).T
    dist3 = distance_matrix.reshape(N_SIDE, 1, N_SIDE)
    out_t = _relayout_call(paired, dist3, tableT)
    return jnp.transpose(out_t, (0, 2, 1))

# --- scband reference (transcript-rebuilt; emitter-appended) ---
"""Pipeline reference for scband-distance-encoding-76046690943370 (READ-ONLY COPY).

The authoritative reference and input builder live on the scoring server;
editing this copy changes nothing except your own understanding.
"""

import jax, jax.numpy as jnp
import numpy as np

MAX_DISTANCE = 10
D_MODEL = 64
N = 1024

def setup_inputs(seed: int = 0) -> dict:
    key = jax.random.key(seed)
    k1, k2 = jax.random.split(key)
    distance_matrix = jax.random.randint(k1, (N, N), 0, 20, dtype=jnp.int64) if jax.config.jax_enable_x64 else jax.random.randint(k1, (N, N), 0, 20, dtype=jnp.int32)
    table = jax.random.normal(k2, (MAX_DISTANCE + 1, D_MODEL), dtype=jnp.float32)
    return {"distance_matrix": distance_matrix, "table": table}

def reference(distance_matrix, table):
    # clamp distances to [0, max_distance]
    distances_clamped = jnp.clip(distance_matrix, 0, MAX_DISTANCE)
    # embedding lookup: gather rows of table
    distance_emb = jnp.take(table, distances_clamped, axis=0)
    return distance_emb

if __name__ == "__main__":
    import jax
    _d = setup_inputs()
    print(jax.jit(kernel)(*tuple(_d.values())))

</pallas_src>

<mosaic_0001>
#map = affine_map<(d0, d1) -> (0, 0)>
module attributes {stable_mosaic.version = 14 : i64} {
  func.func @_sc_body(%arg0: i32, %arg1: i32, %arg2: memref<1024x1024xi32, #tpu.memory_space<hbm>>, %arg3: memref<121x128xf32, #tpu.memory_space<hbm>>, %arg4: memref<131072x128xf32, #tpu.memory_space<hbm>>, %arg5: memref<8x1024xi32, #tpu.memory_space<vmem>>, %arg6: memref<32x128xi32, #tpu.memory_space<vmem>>, %arg7: memref<121x128xf32, #tpu.memory_space<vmem_shared>>, %arg8: memref<128x128xf32, #tpu.memory_space<vmem>>, %arg9: memref<128x128xf32, #tpu.memory_space<vmem>>, %arg10: memref<128x128xf32, #tpu.memory_space<vmem>>, %arg11: memref<128x128xf32, #tpu.memory_space<vmem>>, %arg12: memref<!tpu.dma_semaphore, #tpu.memory_space<semaphore_mem>>, %arg13: memref<!tpu.dma_semaphore, #tpu.memory_space<semaphore_mem>>, %arg14: memref<!tpu.dma_semaphore, #tpu.memory_space<semaphore_mem>>, %arg15: memref<!tpu.dma_semaphore, #tpu.memory_space<semaphore_mem>>, %arg16: memref<!tpu.dma_semaphore, #tpu.memory_space<semaphore_mem>>, %arg17: memref<!tpu.dma_semaphore, #tpu.memory_space<semaphore_mem>>, %arg18: memref<!tpu.dma_semaphore, #tpu.memory_space<semaphore_mem>>, %arg19: memref<!tpu.dma_semaphore, #tpu.memory_space<semaphore_mem>>) attributes {dimension_semantics = [#tpu.dimension_semantics<core_parallel>, #tpu.dimension_semantics<subcore_parallel>], iteration_bounds = array<i64: 2, 16>, scalar_prefetch = 0 : i64, scratch_operands = 15 : i64, tpu.core_type = #tpu.core_type<sc_vector_subcore>, window_params = [{transform_indices = #map}, {transform_indices = #map}, {transform_indices = #map}]} {
    %mul3A = arith.constant 2 : i32
    %mul3A_0 = arith.muli %arg1, %mul3A : i32
    %add3A = arith.addi %mul3A_0, %arg0 : i32
    %mul3A_1 = arith.constant 32 : i32
    %mul3A_2 = arith.muli %add3A, %mul3A_1 : i32
    %eq3A = arith.constant 0 : i32
    %eq3A_3 = arith.cmpi eq, %arg1, %eq3A : i32
    %convert_element_type3A = arith.extui %eq3A_3 : i1 to i32
    %cond3A = arith.constant 0 : i32
    %cond3A_4 = arith.cmpi ne, %convert_element_type3A, %cond3A : i32
    scf.if %cond3A_4 {
      "tpu.region"() ({
        %run_scoped3A = tpu.sem_alloc : memref<!tpu.dma_semaphore, #tpu.memory_space<semaphore_mem>>
        tpu.enqueue_dma source(%arg3 : memref<121x128xf32, #tpu.memory_space<hbm>>) target(%arg7 : memref<121x128xf32, #tpu.memory_space<vmem_shared>>) target_semaphore(%run_scoped3A : memref<!tpu.dma_semaphore, #tpu.memory_space<semaphore_mem>>)
        tpu.wait_dma2 semaphore(%run_scoped3A : memref<!tpu.dma_semaphore, #tpu.memory_space<semaphore_mem>>) src(%arg3 : memref<121x128xf32, #tpu.memory_space<hbm>>) dst(%arg7 : memref<121x128xf32, #tpu.memory_space<vmem_shared>>)
        tpu.yield
      }) : () -> ()
    } else {
    }
    %mul3A_5 = arith.constant 8 : i32
    %mul3A_6 = arith.muli %add3A, %mul3A_5 : i32
    "tpu.region"() ({
      %run_scoped3A = tpu.sem_alloc : memref<!tpu.dma_semaphore, #tpu.memory_space<semaphore_mem>>
      %dma_start3A_45 = arith.constant 0 : i32
      %dma_start3A_46 = tpu.memref_slice %arg2[%mul3A_6, %dma_start3A_45] : memref<1024x1024xi32, #tpu.memory_space<hbm>> -> memref<8x1024xi32, #tpu.memory_space<hbm>>
      %dma_start3A_47 = arith.constant 0 : i32
      %dma_start3A_48 = tpu.memref_slice %arg2[%mul3A_6, %dma_start3A_47] : memref<1024x1024xi32, #tpu.memory_space<hbm>> -> memref<8x1024xi32, #tpu.memory_space<hbm>>
      tpu.enqueue_dma source(%dma_start3A_48 : memref<8x1024xi32, #tpu.memory_space<hbm>>) target(%arg5 : memref<8x1024xi32, #tpu.memory_space<vmem>>) target_semaphore(%run_scoped3A : memref<!tpu.dma_semaphore, #tpu.memory_space<semaphore_mem>>)
      %dma_wait3A = arith.constant 0 : i32
      %dma_wait3A_49 = tpu.memref_slice %arg2[%mul3A_6, %dma_wait3A] : memref<1024x1024xi32, #tpu.memory_space<hbm>> -> memref<8x1024xi32, #tpu.memory_space<hbm>>
      %dma_wait3A_50 = arith.constant 0 : i32
      %dma_wait3A_51 = tpu.memref_slice %arg2[%mul3A_6, %dma_wait3A_50] : memref<1024x1024xi32, #tpu.memory_space<hbm>> -> memref<8x1024xi32, #tpu.memory_space<hbm>>
      tpu.wait_dma2 semaphore(%run_scoped3A : memref<!tpu.dma_semaphore, #tpu.memory_space<semaphore_mem>>) src(%dma_wait3A_51 : memref<8x1024xi32, #tpu.memory_space<hbm>>) dst(%arg5 : memref<8x1024xi32, #tpu.memory_space<vmem>>)
      tpu.yield
    }) : () -> ()
    %scan3A = arith.constant 0 : i32
    %scan3A_7 = arith.constant 0 : i32
    %scan3A_8 = arith.constant 8 : i32
    %scan3A_9 = arith.addi %scan3A_7, %scan3A_8 : i32
    %scan3A_10 = arith.constant 1 : i32
    scf.for %scan3A_45 = %scan3A_7 to %scan3A_9 step %scan3A_10  : i32 {
      %get3A = arith.index_cast %scan3A_45 : i32 to index
      %get3A_46 = arith.constant 0 : index
      %get3A_47 = tpu.vector_load %arg5[%get3A, %get3A_46] {strides = array<i32>} : memref<8x1024xi32, #tpu.memory_space<vmem>>, vector<1x16xi32>,
      %get3A_48 = vector.shape_cast %get3A_47 : vector<1x16xi32> to vector<16xi32>
      %get3A_49 = arith.index_cast %scan3A_45 : i32 to index
      %get3A_50 = arith.constant 512 : index
      %get3A_51 = tpu.vector_load %arg5[%get3A_49, %get3A_50] {strides = array<i32>} : memref<8x1024xi32, #tpu.memory_space<vmem>>, vector<1x16xi32>,
      %get3A_52 = vector.shape_cast %get3A_51 : vector<1x16xi32> to vector<16xi32>
      %max3A = arith.constant 0 : i32
      %max3A_53 = vector.broadcast %max3A : i32 to vector<16xi32>
      %max3A_54 = arith.maxsi %get3A_48, %max3A_53 : vector<16xi32>
      %min3A = arith.constant 10 : i32
      %min3A_55 = vector.broadcast %min3A : i32 to vector<16xi32>
      %min3A_56 = arith.minsi %max3A_54, %min3A_55 : vector<16xi32>
      %max3A_57 = arith.constant 0 : i32
      %max3A_58 = vector.broadcast %max3A_57 : i32 to vector<16xi32>
      %max3A_59 = arith.maxsi %get3A_52, %max3A_58 : vector<16xi32>
      %min3A_60 = arith.constant 10 : i32
      %min3A_61 = vector.broadcast %min3A_60 : i32 to vector<16xi32>
      %min3A_62 = arith.minsi %max3A_59, %min3A_61 : vector<16xi32>
      %mul3A_63 = arith.constant 11 : i32
      %mul3A_64 = vector.broadcast %mul3A_63 : i32 to vector<16xi32>
      %mul3A_65 = arith.muli %min3A_56, %mul3A_64 : vector<16xi32>
      %add3A_66 = arith.addi %mul3A_65, %min3A_62 : vector<16xi32>
      %mul3A_67 = arith.constant 4 : i32
      %mul3A_68 = arith.muli %scan3A_45, %mul3A_67 : i32
      %add3A_69 = arith.constant 0 : i32
      %add3A_70 = arith.addi %mul3A_68, %add3A_69 : i32
      %swap3A = arith.index_cast %add3A_70 : i32 to index
      %swap3A_71 = arith.constant 0 : index
      %swap3A_72 = tpu.vector_load %arg6[%swap3A, %swap3A_71] {strides = array<i32>} : memref<32x128xi32, #tpu.memory_space<vmem>>, vector<1x16xi32>,
      %swap3A_73 = vector.shape_cast %swap3A_72 : vector<1x16xi32> to vector<16xi32>
      %swap3A_74 = vector.shape_cast %add3A_66 : vector<16xi32> to vector<1x16xi32>
      tpu.vector_store %arg6[%swap3A, %swap3A_71], %swap3A_74 {strides = array<i32>} : memref<32x128xi32, #tpu.memory_space<vmem>>, vector<1x16xi32>,
      %get3A_75 = arith.index_cast %scan3A_45 : i32 to index
      %get3A_76 = arith.constant 16 : index
      %get3A_77 = tpu.vector_load %arg5[%get3A_75, %get3A_76] {strides = array<i32>} : memref<8x1024xi32, #tpu.memory_space<vmem>>, vector<1x16xi32>,
      %get3A_78 = vector.shape_cast %get3A_77 : vector<1x16xi32> to vector<16xi32>
      %get3A_79 = arith.index_cast %scan3A_45 : i32 to index
      %get3A_80 = arith.constant 528 : index
      %get3A_81 = tpu.vector_load %arg5[%get3A_79, %get3A_80] {strides = array<i32>} : memref<8x1024xi32, #tpu.memory_space<vmem>>, vector<1x16xi32>,
      %get3A_82 = vector.shape_cast %get3A_81 : vector<1x16xi32> to vector<16xi32>
      %max3A_83 = arith.constant 0 : i32
      %max3A_84 = vector.broadcast %max3A_83 : i32 to vector<16xi32>
      %max3A_85 = arith.maxsi %get3A_78, %max3A_84 : vector<16xi32>
      %min3A_86 = arith.constant 10 : i32
      %min3A_87 = vector.broadcast %min3A_86 : i32 to vector<16xi32>
      %min3A_88 = arith.minsi %max3A_85, %min3A_87 : vector<16xi32>
      %max3A_89 = arith.constant 0 : i32
      %max3A_90 = vector.broadcast %max3A_89 : i32 to vector<16xi32>
      %max3A_91 = arith.maxsi %get3A_82, %max3A_90 : vector<16xi32>
      %min3A_92 = arith.constant 10 : i32
      %min3A_93 = vector.broadcast %min3A_92 : i32 to vector<16xi32>
      %min3A_94 = arith.minsi %max3A_91, %min3A_93 : vector<16xi32>
      %mul3A_95 = arith.constant 11 : i32
      %mul3A_96 = vector.broadcast %mul3A_95 : i32 to vector<16xi32>
      %mul3A_97 = arith.muli %min3A_88, %mul3A_96 : vector<16xi32>
      %add3A_98 = arith.addi %mul3A_97, %min3A_94 : vector<16xi32>
      %mul3A_99 = arith.constant 4 : i32
      %mul3A_100 = arith.muli %scan3A_45, %mul3A_99 : i32
      %add3A_101 = arith.constant 0 : i32
      %add3A_102 = arith.addi %mul3A_100, %add3A_101 : i32
      %swap3A_103 = arith.index_cast %add3A_102 : i32 to index
      %swap3A_104 = arith.constant 16 : index
      %swap3A_105 = tpu.vector_load %arg6[%swap3A_103, %swap3A_104] {strides = array<i32>} : memref<32x128xi32, #tpu.memory_space<vmem>>, vector<1x16xi32>,
      %swap3A_106 = vector.shape_cast %swap3A_105 : vector<1x16xi32> to vector<16xi32>
      %swap3A_107 = vector.shape_cast %add3A_98 : vector<16xi32> to vector<1x16xi32>
      tpu.vector_store %arg6[%swap3A_103, %swap3A_104], %swap3A_107 {strides = array<i32>} : memref<32x128xi32, #tpu.memory_space<vmem>>, vector<1x16xi32>,
      %get3A_108 = arith.index_cast %scan3A_45 : i32 to index
      %get3A_109 = arith.constant 32 : index
      %get3A_110 = tpu.vector_load %arg5[%get3A_108, %get3A_109] {strides = array<i32>} : memref<8x1024xi32, #tpu.memory_space<vmem>>, vector<1x16xi32>,
      %get3A_111 = vector.shape_cast %get3A_110 : vector<1x16xi32> to vector<16xi32>
      %get3A_112 = arith.index_cast %scan3A_45 : i32 to index
      %get3A_113 = arith.constant 544 : index
      %get3A_114 = tpu.vector_load %arg5[%get3A_112, %get3A_113] {strides = array<i32>} : memref<8x1024xi32, #tpu.memory_space<vmem>>, vector<1x16xi32>,
      %get3A_115 = vector.shape_cast %get3A_114 : vector<1x16xi32> to vector<16xi32>
      %max3A_116 = arith.constant 0 : i32
      %max3A_117 = vector.broadcast %max3A_116 : i32 to vector<16xi32>
      %max3A_118 = arith.maxsi %get3A_111, %max3A_117 : vector<16xi32>
      %min3A_119 = arith.constant 10 : i32
      %min3A_120 = vector.broadcast %min3A_119 : i32 to vector<16xi32>
      %min3A_121 = arith.minsi %max3A_118, %min3A_120 : vector<16xi32>
      %max3A_122 = arith.constant 0 : i32
      %max3A_123 = vector.broadcast %max3A_122 : i32 to vector<16xi32>
      %max3A_124 = arith.maxsi %get3A_115, %max3A_123 : vector<16xi32>
      %min3A_125 = arith.constant 10 : i32
      %min3A_126 = vector.broadcast %min3A_125 : i32 to vector<16xi32>
      %min3A_127 = arith.minsi %max3A_124, %min3A_126 : vector<16xi32>
      %mul3A_128 = arith.constant 11 : i32
      %mul3A_129 = vector.broadcast %mul3A_128 : i32 to vector<16xi32>
      %mul3A_130 = arith.muli %min3A_121, %mul3A_129 : vector<16xi32>
      %add3A_131 = arith.addi %mul3A_130, %min3A_127 : vector<16xi32>
      %mul3A_132 = arith.constant 4 : i32
      %mul3A_133 = arith.muli %scan3A_45, %mul3A_132 : i32
      %add3A_134 = arith.constant 0 : i32
      %add3A_135 = arith.addi %mul3A_133, %add3A_134 : i32
      %swap3A_136 = arith.index_cast %add3A_135 : i32 to index
      %swap3A_137 = arith.constant 32 : index
      %swap3A_138 = tpu.vector_load %arg6[%swap3A_136, %swap3A_137] {strides = array<i32>} : memref<32x128xi32, #tpu.memory_space<vmem>>, vector<1x16xi32>,
      %swap3A_139 = vector.shape_cast %swap3A_138 : vector<1x16xi32> to vector<16xi32>
      %swap3A_140 = vector.shape_cast %add3A_131 : vector<16xi32> to vector<1x16xi32>
      tpu.vector_store %arg6[%swap3A_136, %swap3A_137], %swap3A_140 {strides = array<i32>} : memref<32x128xi32, #tpu.memory_space<vmem>>, vector<1x16xi32>,
      %get3A_141 = arith.index_cast %scan3A_45 : i32 to index
      %get3A_142 = arith.constant 48 : index
      %get3A_143 = tpu.vector_load %arg5[%get3A_141, %get3A_142] {strides = array<i32>} : memref<8x1024xi32, #tpu.memory_space<vmem>>, vector<1x16xi32>,
      %get3A_144 = vector.shape_cast %get3A_143 : vector<1x16xi32> to vector<16xi32>
      %get3A_145 = arith.index_cast %scan3A_45 : i32 to index
      %get3A_146 = arith.constant 560 : index
      %get3A_147 = tpu.vector_load %arg5[%get3A_145, %get3A_146] {strides = array<i32>} : memref<8x1024xi32, #tpu.memory_space<vmem>>, vector<1x16xi32>,
      %get3A_148 = vector.shape_cast %get3A_147 : vector<1x16xi32> to vector<16xi32>
      %max3A_149 = arith.constant 0 : i32
      %max3A_150 = vector.broadcast %max3A_149 : i32 to vector<16xi32>
      %max3A_151 = arith.maxsi %get3A_144, %max3A_150 : vector<16xi32>
      %min3A_152 = arith.constant 10 : i32
      %min3A_153 = vector.broadcast %min3A_152 : i32 to vector<16xi32>
      %min3A_154 = arith.minsi %max3A_151, %min3A_153 : vector<16xi32>
      %max3A_155 = arith.constant 0 : i32
      %max3A_156 = vector.broadcast %max3A_155 : i32 to vector<16xi32>
      %max3A_157 = arith.maxsi %get3A_148, %max3A_156 : vector<16xi32>
      %min3A_158 = arith.constant 10 : i32
      %min3A_159 = vector.broadcast %min3A_158 : i32 to vector<16xi32>
      %min3A_160 = arith.minsi %max3A_157, %min3A_159 : vector<16xi32>
      %mul3A_161 = arith.constant 11 : i32
      %mul3A_162 = vector.broadcast %mul3A_161 : i32 to vector<16xi32>
      %mul3A_163 = arith.muli %min3A_154, %mul3A_162 : vector<16xi32>
      %add3A_164 = arith.addi %mul3A_163, %min3A_160 : vector<16xi32>
      %mul3A_165 = arith.constant 4 : i32
      %mul3A_166 = arith.muli %scan3A_45, %mul3A_165 : i32
      %add3A_167 = arith.constant 0 : i32
      %add3A_168 = arith.addi %mul3A_166, %add3A_167 : i32
      %swap3A_169 = arith.index_cast %add3A_168 : i32 to index
      %swap3A_170 = arith.constant 48 : index
      %swap3A_171 = tpu.vector_load %arg6[%swap3A_169, %swap3A_170] {strides = array<i32>} : memref<32x128xi32, #tpu.memory_space<vmem>>, vector<1x16xi32>,
      %swap3A_172 = vector.shape_cast %swap3A_171 : vector<1x16xi32> to vector<16xi32>
      %swap3A_173 = vector.shape_cast %add3A_164 : vector<16xi32> to vector<1x16xi32>
      tpu.vector_store %arg6[%swap3A_169, %swap3A_170], %swap3A_173 {strides = array<i32>} : memref<32x128xi32, #tpu.memory_space<vmem>>, vector<1x16xi32>,
      %get3A_174 = arith.index_cast %scan3A_45 : i32 to index
      %get3A_175 = arith.constant 64 : index
      %get3A_176 = tpu.vector_load %arg5[%get3A_174, %get3A_175] {strides = array<i32>} : memref<8x1024xi32, #tpu.memory_space<vmem>>, vector<1x16xi32>,
      %get3A_177 = vector.shape_cast %get3A_176 : vector<1x16xi32> to vector<16xi32>
      %get3A_178 = arith.index_cast %scan3A_45 : i32 to index
      %get3A_179 = arith.constant 576 : index
      %get3A_180 = tpu.vector_load %arg5[%get3A_178, %get3A_179] {strides = array<i32>} : memref<8x1024xi32, #tpu.memory_space<vmem>>, vector<1x16xi32>,
      %get3A_181 = vector.shape_cast %get3A_180 : vector<1x16xi32> to vector<16xi32>
      %max3A_182 = arith.constant 0 : i32
      %max3A_183 = vector.broadcast %max3A_182 : i32 to vector<16xi32>
      %max3A_184 = arith.maxsi %get3A_177, %max3A_183 : vector<16xi32>
      %min3A_185 = arith.constant 10 : i32
      %min3A_186 = vector.broadcast %min3A_185 : i32 to vector<16xi32>
      %min3A_187 = arith.minsi %max3A_184, %min3A_186 : vector<16xi32>
      %max3A_188 = arith.constant 0 : i32
      %max3A_189 = vector.broadcast %max3A_188 : i32 to vector<16xi32>
      %max3A_190 = arith.maxsi %get3A_181, %max3A_189 : vector<16xi32>
      %min3A_191 = arith.constant 10 : i32
      %min3A_192 = vector.broadcast %min3A_191 : i32 to vector<16xi32>
      %min3A_193 = arith.minsi %max3A_190, %min3A_192 : vector<16xi32>
      %mul3A_194 = arith.constant 11 : i32
      %mul3A_195 = vector.broadcast %mul3A_194 : i32 to vector<16xi32>
      %mul3A_196 = arith.muli %min3A_187, %mul3A_195 : vector<16xi32>
      %add3A_197 = arith.addi %mul3A_196, %min3A_193 : vector<16xi32>
      %mul3A_198 = arith.constant 4 : i32
      %mul3A_199 = arith.muli %scan3A_45, %mul3A_198 : i32
      %add3A_200 = arith.constant 0 : i32
      %add3A_201 = arith.addi %mul3A_199, %add3A_200 : i32
      %swap3A_202 = arith.index_cast %add3A_201 : i32 to index
      %swap3A_203 = arith.constant 64 : index
      %swap3A_204 = tpu.vector_load %arg6[%swap3A_202, %swap3A_203] {strides = array<i32>} : memref<32x128xi32, #tpu.memory_space<vmem>>, vector<1x16xi32>,
      %swap3A_205 = vector.shape_cast %swap3A_204 : vector<1x16xi32> to vector<16xi32>
      %swap3A_206 = vector.shape_cast %add3A_197 : vector<16xi32> to vector<1x16xi32>
      tpu.vector_store %arg6[%swap3A_202, %swap3A_203], %swap3A_206 {strides = array<i32>} : memref<32x128xi32, #tpu.memory_space<vmem>>, vector<1x16xi32>,
      %get3A_207 = arith.index_cast %scan3A_45 : i32 to index
      %get3A_208 = arith.constant 80 : index
      %get3A_209 = tpu.vector_load %arg5[%get3A_207, %get3A_208] {strides = array<i32>} : memref<8x1024xi32, #tpu.memory_space<vmem>>, vector<1x16xi32>,
      %get3A_210 = vector.shape_cast %get3A_209 : vector<1x16xi32> to vector<16xi32>
      %get3A_211 = arith.index_cast %scan3A_45 : i32 to index
      %get3A_212 = arith.constant 592 : index
      %get3A_213 = tpu.vector_load %arg5[%get3A_211, %get3A_212] {strides = array<i32>} : memref<8x1024xi32, #tpu.memory_space<vmem>>, vector<1x16xi32>,
      %get3A_214 = vector.shape_cast %get3A_213 : vector<1x16xi32> to vector<16xi32>
      %max3A_215 = arith.constant 0 : i32
      %max3A_216 = vector.broadcast %max3A_215 : i32 to vector<16xi32>
      %max3A_217 = arith.maxsi %get3A_210, %max3A_216 : vector<16xi32>
      %min3A_218 = arith.constant 10 : i32
      %min3A_219 = vector.broadcast %min3A_218 : i32 to vector<16xi32>
      %min3A_220 = arith.minsi %max3A_217, %min3A_219 : vector<16xi32>
      %max3A_221 = arith.constant 0 : i32
      %max3A_222 = vector.broadcast %max3A_221 : i32 to vector<16xi32>
      %max3A_223 = arith.maxsi %get3A_214, %max3A_222 : vector<16xi32>
      %min3A_224 = arith.constant 10 : i32
      %min3A_225 = vector.broadcast %min3A_224 : i32 to vector<16xi32>
      %min3A_226 = arith.minsi %max3A_223, %min3A_225 : vector<16xi32>
      %mul3A_227 = arith.constant 11 : i32
      %mul3A_228 = vector.broadcast %mul3A_227 : i32 to vector<16xi32>
      %mul3A_229 = arith.muli %min3A_220, %mul3A_228 : vector<16xi32>
      %add3A_230 = arith.addi %mul3A_229, %min3A_226 : vector<16xi32>
      %mul3A_231 = arith.constant 4 : i32
      %mul3A_232 = arith.muli %scan3A_45, %mul3A_231 : i32
      %add3A_233 = arith.constant 0 : i32
      %add3A_234 = arith.addi %mul3A_232, %add3A_233 : i32
      %swap3A_235 = arith.index_cast %add3A_234 : i32 to index
      %swap3A_236 = arith.constant 80 : index
      %swap3A_237 = tpu.vector_load %arg6[%swap3A_235, %swap3A_236] {strides = array<i32>} : memref<32x128xi32, #tpu.memory_space<vmem>>, vector<1x16xi32>,
      %swap3A_238 = vector.shape_cast %swap3A_237 : vector<1x16xi32> to vector<16xi32>
      %swap3A_239 = vector.shape_cast %add3A_230 : vector<16xi32> to vector<1x16xi32>
      tpu.vector_store %arg6[%swap3A_235, %swap3A_236], %swap3A_239 {strides = array<i32>} : memref<32x128xi32, #tpu.memory_space<vmem>>, vector<1x16xi32>,
      %get3A_240 = arith.index_cast %scan3A_45 : i32 to index
      %get3A_241 = arith.constant 96 : index
      %get3A_242 = tpu.vector_load %arg5[%get3A_240, %get3A_241] {strides = array<i32>} : memref<8x1024xi32, #tpu.memory_space<vmem>>, vector<1x16xi32>,
      %get3A_243 = vector.shape_cast %get3A_242 : vector<1x16xi32> to vector<16xi32>
      %get3A_244 = arith.index_cast %scan3A_45 : i32 to index
      %get3A_245 = arith.constant 608 : index
      %get3A_246 = tpu.vector_load %arg5[%get3A_244, %get3A_245] {strides = array<i32>} : memref<8x1024xi32, #tpu.memory_space<vmem>>, vector<1x16xi32>,
      %get3A_247 = vector.shape_cast %get3A_246 : vector<1x16xi32> to vector<16xi32>
      %max3A_248 = arith.constant 0 : i32
      %max3A_249 = vector.broadcast %max3A_248 : i32 to vector<16xi32>
      %max3A_250 = arith.maxsi %get3A_243, %max3A_249 : vector<16xi32>
      %min3A_251 = arith.constant 10 : i32
      %min3A_252 = vector.broadcast %min3A_251 : i32 to vector<16xi32>
      %min3A_253 = arith.minsi %max3A_250, %min3A_252 : vector<16xi32>
      %max3A_254 = arith.constant 0 : i32
      %max3A_255 = vector.broadcast %max3A_254 : i32 to vector<16xi32>
      %max3A_256 = arith.maxsi %get3A_247, %max3A_255 : vector<16xi32>
      %min3A_257 = arith.constant 10 : i32
      %min3A_258 = vector.broadcast %min3A_257 : i32 to vector<16xi32>
      %min3A_259 = arith.minsi %max3A_256, %min3A_258 : vector<16xi32>
      %mul3A_260 = arith.constant 11 : i32
      %mul3A_261 = vector.broadcast %mul3A_260 : i32 to vector<16xi32>
      %mul3A_262 = arith.muli %min3A_253, %mul3A_261 : vector<16xi32>
      %add3A_263 = arith.addi %mul3A_262, %min3A_259 : vector<16xi32>
      %mul3A_264 = arith.constant 4 : i32
      %mul3A_265 = arith.muli %scan3A_45, %mul3A_264 : i32
      %add3A_266 = arith.constant 0 : i32
      %add3A_267 = arith.addi %mul3A_265, %add3A_266 : i32
      %swap3A_268 = arith.index_cast %add3A_267 : i32 to index
      %swap3A_269 = arith.constant 96 : index
      %swap3A_270 = tpu.vector_load %arg6[%swap3A_268, %swap3A_269] {strides = array<i32>} : memref<32x128xi32, #tpu.memory_space<vmem>>, vector<1x16xi32>,
      %swap3A_271 = vector.shape_cast %swap3A_270 : vector<1x16xi32> to vector<16xi32>
      %swap3A_272 = vector.shape_cast %add3A_263 : vector<16xi32> to vector<1x16xi32>
      tpu.vector_store %arg6[%swap3A_268, %swap3A_269], %swap3A_272 {strides = array<i32>} : memref<32x128xi32, #tpu.memory_space<vmem>>, vector<1x16xi32>,
      %get3A_273 = arith.index_cast %scan3A_45 : i32 to index
      %get3A_274 = arith.constant 112 : index
      %get3A_275 = tpu.vector_load %arg5[%get3A_273, %get3A_274] {strides = array<i32>} : memref<8x1024xi32, #tpu.memory_space<vmem>>, vector<1x16xi32>,
      %get3A_276 = vector.shape_cast %get3A_275 : vector<1x16xi32> to vector<16xi32>
      %get3A_277 = arith.index_cast %scan3A_45 : i32 to index
      %get3A_278 = arith.constant 624 : index
      %get3A_279 = tpu.vector_load %arg5[%get3A_277, %get3A_278] {strides = array<i32>} : memref<8x1024xi32, #tpu.memory_space<vmem>>, vector<1x16xi32>,
      %get3A_280 = vector.shape_cast %get3A_279 : vector<1x16xi32> to vector<16xi32>
      %max3A_281 = arith.constant 0 : i32
      %max3A_282 = vector.broadcast %max3A_281 : i32 to vector<16xi32>
      %max3A_283 = arith.maxsi %get3A_276, %max3A_282 : vector<16xi32>
      %min3A_284 = arith.constant 10 : i32
      %min3A_285 = vector.broadcast %min3A_284 : i32 to vector<16xi32>
      %min3A_286 = arith.minsi %max3A_283, %min3A_285 : vector<16xi32>
      %max3A_287 = arith.constant 0 : i32
      %max3A_288 = vector.broadcast %max3A_287 : i32 to vector<16xi32>
      %max3A_289 = arith.maxsi %get3A_280, %max3A_288 : vector<16xi32>
      %min3A_290 = arith.constant 10 : i32
      %min3A_291 = vector.broadcast %min3A_290 : i32 to vector<16xi32>
      %min3A_292 = arith.minsi %max3A_289, %min3A_291 : vector<16xi32>
      %mul3A_293 = arith.constant 11 : i32
      %mul3A_294 = vector.broadcast %mul3A_293 : i32 to vector<16xi32>
      %mul3A_295 = arith.muli %min3A_286, %mul3A_294 : vector<16xi32>
      %add3A_296 = arith.addi %mul3A_295, %min3A_292 : vector<16xi32>
      %mul3A_297 = arith.constant 4 : i32
      %mul3A_298 = arith.muli %scan3A_45, %mul3A_297 : i32
      %add3A_299 = arith.constant 0 : i32
      %add3A_300 = arith.addi %mul3A_298, %add3A_299 : i32
      %swap3A_301 = arith.index_cast %add3A_300 : i32 to index
      %swap3A_302 = arith.constant 112 : index
      %swap3A_303 = tpu.vector_load %arg6[%swap3A_301, %swap3A_302] {strides = array<i32>} : memref<32x128xi32, #tpu.memory_space<vmem>>, vector<1x16xi32>,
      %swap3A_304 = vector.shape_cast %swap3A_303 : vector<1x16xi32> to vector<16xi32>
      %swap3A_305 = vector.shape_cast %add3A_296 : vector<16xi32> to vector<1x16xi32>
      tpu.vector_store %arg6[%swap3A_301, %swap3A_302], %swap3A_305 {strides = array<i32>} : memref<32x128xi32, #tpu.memory_space<vmem>>, vector<1x16xi32>,
      %get3A_306 = arith.index_cast %scan3A_45 : i32 to index
      %get3A_307 = arith.constant 128 : index
      %get3A_308 = tpu.vector_load %arg5[%get3A_306, %get3A_307] {strides = array<i32>} : memref<8x1024xi32, #tpu.memory_space<vmem>>, vector<1x16xi32>,
      %get3A_309 = vector.shape_cast %get3A_308 : vector<1x16xi32> to vector<16xi32>
      %get3A_310 = arith.index_cast %scan3A_45 : i32 to index
      %get3A_311 = arith.constant 640 : index
      %get3A_312 = tpu.vector_load %arg5[%get3A_310, %get3A_311] {strides = array<i32>} : memref<8x1024xi32, #tpu.memory_space<vmem>>, vector<1x16xi32>,
      %get3A_313 = vector.shape_cast %get3A_312 : vector<1x16xi32> to vector<16xi32>
      %max3A_314 = arith.constant 0 : i32
      %max3A_315 = vector.broadcast %max3A_314 : i32 to vector<16xi32>
      %max3A_316 = arith.maxsi %get3A_309, %max3A_315 : vector<16xi32>
      %min3A_317 = arith.constant 10 : i32
      %min3A_318 = vector.broadcast %min3A_317 : i32 to vector<16xi32>
      %min3A_319 = arith.minsi %max3A_316, %min3A_318 : vector<16xi32>
      %max3A_320 = arith.constant 0 : i32
      %max3A_321 = vector.broadcast %max3A_320 : i32 to vector<16xi32>
      %max3A_322 = arith.maxsi %get3A_313, %max3A_321 : vector<16xi32>
      %min3A_323 = arith.constant 10 : i32
      %min3A_324 = vector.broadcast %min3A_323 : i32 to vector<16xi32>
      %min3A_325 = arith.minsi %max3A_322, %min3A_324 : vector<16xi32>
      %mul3A_326 = arith.constant 11 : i32
      %mul3A_327 = vector.broadcast %mul3A_326 : i32 to vector<16xi32>
      %mul3A_328 = arith.muli %min3A_319, %mul3A_327 : vector<16xi32>
      %add3A_329 = arith.addi %mul3A_328, %min3A_325 : vector<16xi32>
      %mul3A_330 = arith.constant 4 : i32
      %mul3A_331 = arith.muli %scan3A_45, %mul3A_330 : i32
      %add3A_332 = arith.constant 1 : i32
      %add3A_333 = arith.addi %mul3A_331, %add3A_332 : i32
      %swap3A_334 = arith.index_cast %add3A_333 : i32 to index
      %swap3A_335 = arith.constant 0 : index
      %swap3A_336 = tpu.vector_load %arg6[%swap3A_334, %swap3A_335] {strides = array<i32>} : memref<32x128xi32, #tpu.memory_space<vmem>>, vector<1x16xi32>,
      %swap3A_337 = vector.shape_cast %swap3A_336 : vector<1x16xi32> to vector<16xi32>
      %swap3A_338 = vector.shape_cast %add3A_329 : vector<16xi32> to vector<1x16xi32>
      tpu.vector_store %arg6[%swap3A_334, %swap3A_335], %swap3A_338 {strides = array<i32>} : memref<32x128xi32, #tpu.memory_space<vmem>>, vector<1x16xi32>,
      %get3A_339 = arith.index_cast %scan3A_45 : i32 to index
      %get3A_340 = arith.constant 144 : index
      %get3A_341 = tpu.vector_load %arg5[%get3A_339, %get3A_340] {strides = array<i32>} : memref<8x1024xi32, #tpu.memory_space<vmem>>, vector<1x16xi32>,
      %get3A_342 = vector.shape_cast %get3A_341 : vector<1x16xi32> to vector<16xi32>
      %get3A_343 = arith.index_cast %scan3A_45 : i32 to index
      %get3A_344 = arith.constant 656 : index
      %get3A_345 = tpu.vector_load %arg5[%get3A_343, %get3A_344] {strides = array<i32>} : memref<8x1024xi32, #tpu.memory_space<vmem>>, vector<1x16xi32>,
      %get3A_346 = vector.shape_cast %get3A_345 : vector<1x16xi32> to vector<16xi32>
      %max3A_347 = arith.constant 0 : i32
      %max3A_348 = vector.broadcast %max3A_347 : i32 to vector<16xi32>
      %max3A_349 = arith.maxsi %get3A_342, %max3A_348 : vector<16xi32>
      %min3A_350 = arith.constant 10 : i32
      %min3A_351 = vector.broadcast %min3A_350 : i32 to vector<16xi32>
      %min3A_352 = arith.minsi %max3A_349, %min3A_351 : vector<16xi32>
      %max3A_353 = arith.constant 0 : i32
      %max3A_354 = vector.broadcast %max3A_353 : i32 to vector<16xi32>
      %max3A_355 = arith.maxsi %get3A_346, %max3A_354 : vector<16xi32>
      %min3A_356 = arith.constant 10 : i32
      %min3A_357 = vector.broadcast %min3A_356 : i32 to vector<16xi32>
      %min3A_358 = arith.minsi %max3A_355, %min3A_357 : vector<16xi32>
      %mul3A_359 = arith.constant 11 : i32
      %mul3A_360 = vector.broadcast %mul3A_359 : i32 to vector<16xi32>
      %mul3A_361 = arith.muli %min3A_352, %mul3A_360 : vector<16xi32>
      %add3A_362 = arith.addi %mul3A_361, %min3A_358 : vector<16xi32>
      %mul3A_363 = arith.constant 4 : i32
      %mul3A_364 = arith.muli %scan3A_45, %mul3A_363 : i32
      %add3A_365 = arith.constant 1 : i32
      %add3A_366 = arith.addi %mul3A_364, %add3A_365 : i32
      %swap3A_367 = arith.index_cast %add3A_366 : i32 to index
      %swap3A_368 = arith.constant 16 : index
      %swap3A_369 = tpu.vector_load %arg6[%swap3A_367, %swap3A_368] {strides = array<i32>} : memref<32x128xi32, #tpu.memory_space<vmem>>, vector<1x16xi32>,
      %swap3A_370 = vector.shape_cast %swap3A_369 : vector<1x16xi32> to vector<16xi32>
      %swap3A_371 = vector.shape_cast %add3A_362 : vector<16xi32> to vector<1x16xi32>
      tpu.vector_store %arg6[%swap3A_367, %swap3A_368], %swap3A_371 {strides = array<i32>} : memref<32x128xi32, #tpu.memory_space<vmem>>, vector<1x16xi32>,
      %get3A_372 = arith.index_cast %scan3A_45 : i32 to index
      %get3A_373 = arith.constant 160 : index
      %get3A_374 = tpu.vector_load %arg5[%get3A_372, %get3A_373] {strides = array<i32>} : memref<8x1024xi32, #tpu.memory_space<vmem>>, vector<1x16xi32>,
      %get3A_375 = vector.shape_cast %get3A_374 : vector<1x16xi32> to vector<16xi32>
      %get3A_376 = arith.index_cast %scan3A_45 : i32 to index
      %get3A_377 = arith.constant 672 : index
      %get3A_378 = tpu.vector_load %arg5[%get3A_376, %get3A_377] {strides = array<i32>} : memref<8x1024xi32, #tpu.memory_space<vmem>>, vector<1x16xi32>,
      %get3A_379 = vector.shape_cast %get3A_378 : vector<1x16xi32> to vector<16xi32>
      %max3A_380 = arith.constant 0 : i32
      %max3A_381 = vector.broadcast %max3A_380 : i32 to vector<16xi32>
      %max3A_382 = arith.maxsi %get3A_375, %max3A_381 : vector<16xi32>
      %min3A_383 = arith.constant 10 : i32
      %min3A_384 = vector.broadcast %min3A_383 : i32 to vector<16xi32>
      %min3A_385 = arith.minsi %max3A_382, %min3A_384 : vector<16xi32>
      %max3A_386 = arith.constant 0 : i32
      %max3A_387 = vector.broadcast %max3A_386 : i32 to vector<16xi32>
      %max3A_388 = arith.maxsi %get3A_379, %max3A_387 : vector<16xi32>
      %min3A_389 = arith.constant 10 : i32
      %min3A_390 = vector.broadcast %min3A_389 : i32 to vector<16xi32>
      %min3A_391 = arith.minsi %max3A_388, %min3A_390 : vector<16xi32>
      %mul3A_392 = arith.constant 11 : i32
      %mul3A_393 = vector.broadcast %mul3A_392 : i32 to vector<16xi32>
      %mul3A_394 = arith.muli %min3A_385, %mul3A_393 : vector<16xi32>
      %add3A_395 = arith.addi %mul3A_394, %min3A_391 : vector<16xi32>
      %mul3A_396 = arith.constant 4 : i32
      %mul3A_397 = arith.muli %scan3A_45, %mul3A_396 : i32
      %add3A_398 = arith.constant 1 : i32
      %add3A_399 = arith.addi %mul3A_397, %add3A_398 : i32
      %swap3A_400 = arith.index_cast %add3A_399 : i32 to index
      %swap3A_401 = arith.constant 32 : index
      %swap3A_402 = tpu.vector_load %arg6[%swap3A_400, %swap3A_401] {strides = array<i32>} : memref<32x128xi32, #tpu.memory_space<vmem>>, vector<1x16xi32>,
      %swap3A_403 = vector.shape_cast %swap3A_402 : vector<1x16xi32> to vector<16xi32>
      %swap3A_404 = vector.shape_cast %add3A_395 : vector<16xi32> to vector<1x16xi32>
      tpu.vector_store %arg6[%swap3A_400, %swap3A_401], %swap3A_404 {strides = array<i32>} : memref<32x128xi32, #tpu.memory_space<vmem>>, vector<1x16xi32>,
      %get3A_405 = arith.index_cast %scan3A_45 : i32 to index
      %get3A_406 = arith.constant 176 : index
      %get3A_407 = tpu.vector_load %arg5[%get3A_405, %get3A_406] {strides = array<i32>} : memref<8x1024xi32, #tpu.memory_space<vmem>>, vector<1x16xi32>,
      %get3A_408 = vector.shape_cast %get3A_407 : vector<1x16xi32> to vector<16xi32>
      %get3A_409 = arith.index_cast %scan3A_45 : i32 to index
      %get3A_410 = arith.constant 688 : index
      %get3A_411 = tpu.vector_load %arg5[%get3A_409, %get3A_410] {strides = array<i32>} : memref<8x1024xi32, #tpu.memory_space<vmem>>, vector<1x16xi32>,
      %get3A_412 = vector.shape_cast %get3A_411 : vector<1x16xi32> to vector<16xi32>
      %max3A_413 = arith.constant 0 : i32
      %max3A_414 = vector.broadcast %max3A_413 : i32 to vector<16xi32>
      %max3A_415 = arith.maxsi %get3A_408, %max3A_414 : vector<16xi32>
      %min3A_416 = arith.constant 10 : i32
      %min3A_417 = vector.broadcast %min3A_416 : i32 to vector<16xi32>
      %min3A_418 = arith.minsi %max3A_415, %min3A_417 : vector<16xi32>
      %max3A_419 = arith.constant 0 : i32
      %max3A_420 = vector.broadcast %max3A_419 : i32 to vector<16xi32>
      %max3A_421 = arith.maxsi %get3A_412, %max3A_420 : vector<16xi32>
      %min3A_422 = arith.constant 10 : i32
      %min3A_423 = vector.broadcast %min3A_422 : i32 to vector<16xi32>
      %min3A_424 = arith.minsi %max3A_421, %min3A_423 : vector<16xi32>
      %mul3A_425 = arith.constant 11 : i32
      %mul3A_426 = vector.broadcast %mul3A_425 : i32 to vector<16xi32>
      %mul3A_427 = arith.muli %min3A_418, %mul3A_426 : vector<16xi32>
      %add3A_428 = arith.addi %mul3A_427, %min3A_424 : vector<16xi32>
      %mul3A_429 = arith.constant 4 : i32
      %mul3A_430 = arith.muli %scan3A_45, %mul3A_429 : i32
      %add3A_431 = arith.constant 1 : i32
      %add3A_432 = arith.addi %mul3A_430, %add3A_431 : i32
      %swap3A_433 = arith.index_cast %add3A_432 : i32 to index
      %swap3A_434 = arith.constant 48 : index
      %swap3A_435 = tpu.vector_load %arg6[%swap3A_433, %swap3A_434] {strides = array<i32>} : memref<32x128xi32, #tpu.memory_space<vmem>>, vector<1x16xi32>,
      %swap3A_436 = vector.shape_cast %swap3A_435 : vector<1x16xi32> to vector<16xi32>
      %swap3A_437 = vector.shape_cast %add3A_428 : vector<16xi32> to vector<1x16xi32>
      tpu.vector_store %arg6[%swap3A_433, %swap3A_434], %swap3A_437 {strides = array<i32>} : memref<32x128xi32, #tpu.memory_space<vmem>>, vector<1x16xi32>,
      %get3A_438 = arith.index_cast %scan3A_45 : i32 to index
      %get3A_439 = arith.constant 192 : index
      %get3A_440 = tpu.vector_load %arg5[%get3A_438, %get3A_439] {strides = array<i32>} : memref<8x1024xi32, #tpu.memory_space<vmem>>, vector<1x16xi32>,
      %get3A_441 = vector.shape_cast %get3A_440 : vector<1x16xi32> to vector<16xi32>
      %get3A_442 = arith.index_cast %scan3A_45 : i32 to index
      %get3A_443 = arith.constant 704 : index
      %get3A_444 = tpu.vector_load %arg5[%get3A_442, %get3A_443] {strides = array<i32>} : memref<8x1024xi32, #tpu.memory_space<vmem>>, vector<1x16xi32>,
      %get3A_445 = vector.shape_cast %get3A_444 : vector<1x16xi32> to vector<16xi32>
      %max3A_446 = arith.constant 0 : i32
      %max3A_447 = vector.broadcast %max3A_446 : i32 to vector<16xi32>
      %max3A_448 = arith.maxsi %get3A_441, %max3A_447 : vector<16xi32>
      %min3A_449 = arith.constant 10 : i32
      %min3A_450 = vector.broadcast %min3A_449 : i32 to vector<16xi32>
      %min3A_451 = arith.minsi %max3A_448, %min3A_450 : vector<16xi32>
      %max3A_452 = arith.constant 0 : i32
      %max3A_453 = vector.broadcast %max3A_452 : i32 to vector<16xi32>
      %max3A_454 = arith.maxsi %get3A_445, %max3A_453 : vector<16xi32>
      %min3A_455 = arith.constant 10 : i32
      %min3A_456 = vector.broadcast %min3A_455 : i32 to vector<16xi32>
      %min3A_457 = arith.minsi %max3A_454, %min3A_456 : vector<16xi32>
      %mul3A_458 = arith.constant 11 : i32
      %mul3A_459 = vector.broadcast %mul3A_458 : i32 to vector<16xi32>
      %mul3A_460 = arith.muli %min3A_451, %mul3A_459 : vector<16xi32>
      %add3A_461 = arith.addi %mul3A_460, %min3A_457 : vector<16xi32>
      %mul3A_462 = arith.constant 4 : i32
      %mul3A_463 = arith.muli %scan3A_45, %mul3A_462 : i32
      %add3A_464 = arith.constant 1 : i32
      %add3A_465 = arith.addi %mul3A_463, %add3A_464 : i32
      %swap3A_466 = arith.index_cast %add3A_465 : i32 to index
      %swap3A_467 = arith.constant 64 : index
      %swap3A_468 = tpu.vector_load %arg6[%swap3A_466, %swap3A_467] {strides = array<i32>} : memref<32x128xi32, #tpu.memory_space<vmem>>, vector<1x16xi32>,
      %swap3A_469 = vector.shape_cast %swap3A_468 : vector<1x16xi32> to vector<16xi32>
      %swap3A_470 = vector.shape_cast %add3A_461 : vector<16xi32> to vector<1x16xi32>
      tpu.vector_store %arg6[%swap3A_466, %swap3A_467], %swap3A_470 {strides = array<i32>} : memref<32x128xi32, #tpu.memory_space<vmem>>, vector<1x16xi32>,
      %get3A_471 = arith.index_cast %scan3A_45 : i32 to index
      %get3A_472 = arith.constant 208 : index
      %get3A_473 = tpu.vector_load %arg5[%get3A_471, %get3A_472] {strides = array<i32>} : memref<8x1024xi32, #tpu.memory_space<vmem>>, vector<1x16xi32>,
      %get3A_474 = vector.shape_cast %get3A_473 : vector<1x16xi32> to vector<16xi32>
      %get3A_475 = arith.index_cast %scan3A_45 : i32 to index
      %get3A_476 = arith.constant 720 : index
      %get3A_477 = tpu.vector_load %arg5[%get3A_475, %get3A_476] {strides = array<i32>} : memref<8x1024xi32, #tpu.memory_space<vmem>>, vector<1x16xi32>,
      %get3A_478 = vector.shape_cast %get3A_477 : vector<1x16xi32> to vector<16xi32>
      %max3A_479 = arith.constant 0 : i32
      %max3A_480 = vector.broadcast %max3A_479 : i32 to vector<16xi32>
      %max3A_481 = arith.maxsi %get3A_474, %max3A_480 : vector<16xi32>
      %min3A_482 = arith.constant 10 : i32
      %min3A_483 = vector.broadcast %min3A_482 : i32 to vector<16xi32>
      %min3A_484 = arith.minsi %max3A_481, %min3A_483 : vector<16xi32>
      %max3A_485 = arith.constant 0 : i32
      %max3A_486 = vector.broadcast %max3A_485 : i32 to vector<16xi32>
      %max3A_487 = arith.maxsi %get3A_478, %max3A_486 : vector<16xi32>
      %min3A_488 = arith.constant 10 : i32
      %min3A_489 = vector.broadcast %min3A_488 : i32 to vector<16xi32>
      %min3A_490 = arith.minsi %max3A_487, %min3A_489 : vector<16xi32>
      %mul3A_491 = arith.constant 11 : i32
      %mul3A_492 = vector.broadcast %mul3A_491 : i32 to vector<16xi32>
      %mul3A_493 = arith.muli %min3A_484, %mul3A_492 : vector<16xi32>
      %add3A_494 = arith.addi %mul3A_493, %min3A_490 : vector<16xi32>
      %mul3A_495 = arith.constant 4 : i32
      %mul3A_496 = arith.muli %scan3A_45, %mul3A_495 : i32
      %add3A_497 = arith.constant 1 : i32
      %add3A_498 = arith.addi %mul3A_496, %add3A_497 : i32
      %swap3A_499 = arith.index_cast %add3A_498 : i32 to index
      %swap3A_500 = arith.constant 80 : index
      %swap3A_501 = tpu.vector_load %arg6[%swap3A_499, %swap3A_500] {strides = array<i32>} : memref<32x128xi32, #tpu.memory_space<vmem>>, vector<1x16xi32>,
      %swap3A_502 = vector.shape_cast %swap3A_501 : vector<1x16xi32> to vector<16xi32>
      %swap3A_503 = vector.shape_cast %add3A_494 : vector<16xi32> to vector<1x16xi32>
      tpu.vector_store %arg6[%swap3A_499, %swap3A_500], %swap3A_503 {strides = array<i32>} : memref<32x128xi32, #tpu.memory_space<vmem>>, vector<1x16xi32>,
      %get3A_504 = arith.index_cast %scan3A_45 : i32 to index
      %get3A_505 = arith.constant 224 : index
      %get3A_506 = tpu.vector_load %arg5[%get3A_504, %get3A_505] {strides = array<i32>} : memref<8x1024xi32, #tpu.memory_space<vmem>>, vector<1x16xi32>,
      %get3A_507 = vector.shape_cast %get3A_506 : vector<1x16xi32> to vector<16xi32>
      %get3A_508 = arith.index_cast %scan3A_45 : i32 to index
      %get3A_509 = arith.constant 736 : index
      %get3A_510 = tpu.vector_load %arg5[%get3A_508, %get3A_509] {strides = array<i32>} : memref<8x1024xi32, #tpu.memory_space<vmem>>, vector<1x16xi32>,
      %get3A_511 = vector.shape_cast %get3A_510 : vector<1x16xi32> to vector<16xi32>
      %max3A_512 = arith.constant 0 : i32
      %max3A_513 = vector.broadcast %max3A_512 : i32 to vector<16xi32>
      %max3A_514 = arith.maxsi %get3A_507, %max3A_513 : vector<16xi32>
      %min3A_515 = arith.constant 10 : i32
      %min3A_516 = vector.broadcast %min3A_515 : i32 to vector<16xi32>
      %min3A_517 = arith.minsi %max3A_514, %min3A_516 : vector<16xi32>
      %max3A_518 = arith.constant 0 : i32
      %max3A_519 = vector.broadcast %max3A_518 : i32 to vector<16xi32>
      %max3A_520 = arith.maxsi %get3A_511, %max3A_519 : vector<16xi32>
      %min3A_521 = arith.constant 10 : i32
      %min3A_522 = vector.broadcast %min3A_521 : i32 to vector<16xi32>
      %min3A_523 = arith.minsi %max3A_520, %min3A_522 : vector<16xi32>
      %mul3A_524 = arith.constant 11 : i32
      %mul3A_525 = vector.broadcast %mul3A_524 : i32 to vector<16xi32>
      %mul3A_526 = arith.muli %min3A_517, %mul3A_525 : vector<16xi32>
      %add3A_527 = arith.addi %mul3A_526, %min3A_523 : vector<16xi32>
      %mul3A_528 = arith.constant 4 : i32
      %mul3A_529 = arith.muli %scan3A_45, %mul3A_528 : i32
      %add3A_530 = arith.constant 1 : i32
      %add3A_531 = arith.addi %mul3A_529, %add3A_530 : i32
      %swap3A_532 = arith.index_cast %add3A_531 : i32 to index
      %swap3A_533 = arith.constant 96 : index
      %swap3A_534 = tpu.vector_load %arg6[%swap3A_532, %swap3A_533] {strides = array<i32>} : memref<32x128xi32, #tpu.memory_space<vmem>>, vector<1x16xi32>,
      %swap3A_535 = vector.shape_cast %swap3A_534 : vector<1x16xi32> to vector<16xi32>
      %swap3A_536 = vector.shape_cast %add3A_527 : vector<16xi32> to vector<1x16xi32>
      tpu.vector_store %arg6[%swap3A_532, %swap3A_533], %swap3A_536 {strides = array<i32>} : memref<32x128xi32, #tpu.memory_space<vmem>>, vector<1x16xi32>,
      %get3A_537 = arith.index_cast %scan3A_45 : i32 to index
      %get3A_538 = arith.constant 240 : index
      %get3A_539 = tpu.vector_load %arg5[%get3A_537, %get3A_538] {strides = array<i32>} : memref<8x1024xi32, #tpu.memory_space<vmem>>, vector<1x16xi32>,
      %get3A_540 = vector.shape_cast %get3A_539 : vector<1x16xi32> to vector<16xi32>
      %get3A_541 = arith.index_cast %scan3A_45 : i32 to index
      %get3A_542 = arith.constant 752 : index
      %get3A_543 = tpu.vector_load %arg5[%get3A_541, %get3A_542] {strides = array<i32>} : memref<8x1024xi32, #tpu.memory_space<vmem>>, vector<1x16xi32>,
      %get3A_544 = vector.shape_cast %get3A_543 : vector<1x16xi32> to vector<16xi32>
      %max3A_545 = arith.constant 0 : i32
      %max3A_546 = vector.broadcast %max3A_545 : i32 to vector<16xi32>
      %max3A_547 = arith.maxsi %get3A_540, %max3A_546 : vector<16xi32>
      %min3A_548 = arith.constant 10 : i32
      %min3A_549 = vector.broadcast %min3A_548 : i32 to vector<16xi32>
      %min3A_550 = arith.minsi %max3A_547, %min3A_549 : vector<16xi32>
      %max3A_551 = arith.constant 0 : i32
      %max3A_552 = vector.broadcast %max3A_551 : i32 to vector<16xi32>
      %max3A_553 = arith.maxsi %get3A_544, %max3A_552 : vector<16xi32>
      %min3A_554 = arith.constant 10 : i32
      %min3A_555 = vector.broadcast %min3A_554 : i32 to vector<16xi32>
      %min3A_556 = arith.minsi %max3A_553, %min3A_555 : vector<16xi32>
      %mul3A_557 = arith.constant 11 : i32
      %mul3A_558 = vector.broadcast %mul3A_557 : i32 to vector<16xi32>
      %mul3A_559 = arith.muli %min3A_550, %mul3A_558 : vector<16xi32>
      %add3A_560 = arith.addi %mul3A_559, %min3A_556 : vector<16xi32>
      %mul3A_561 = arith.constant 4 : i32
      %mul3A_562 = arith.muli %scan3A_45, %mul3A_561 : i32
      %add3A_563 = arith.constant 1 : i32
      %add3A_564 = arith.addi %mul3A_562, %add3A_563 : i32
      %swap3A_565 = arith.index_cast %add3A_564 : i32 to index
      %swap3A_566 = arith.constant 112 : index
      %swap3A_567 = tpu.vector_load %arg6[%swap3A_565, %swap3A_566] {strides = array<i32>} : memref<32x128xi32, #tpu.memory_space<vmem>>, vector<1x16xi32>,
      %swap3A_568 = vector.shape_cast %swap3A_567 : vector<1x16xi32> to vector<16xi32>
      %swap3A_569 = vector.shape_cast %add3A_560 : vector<16xi32> to vector<1x16xi32>
      tpu.vector_store %arg6[%swap3A_565, %swap3A_566], %swap3A_569 {strides = array<i32>} : memref<32x128xi32, #tpu.memory_space<vmem>>, vector<1x16xi32>,
      %get3A_570 = arith.index_cast %scan3A_45 : i32 to index
      %get3A_571 = arith.constant 256 : index
      %get3A_572 = tpu.vector_load %arg5[%get3A_570, %get3A_571] {strides = array<i32>} : memref<8x1024xi32, #tpu.memory_space<vmem>>, vector<1x16xi32>,
      %get3A_573 = vector.shape_cast %get3A_572 : vector<1x16xi32> to vector<16xi32>
      %get3A_574 = arith.index_cast %scan3A_45 : i32 to index
      %get3A_575 = arith.constant 768 : index
      %get3A_576 = tpu.vector_load %arg5[%get3A_574, %get3A_575] {strides = array<i32>} : memref<8x1024xi32, #tpu.memory_space<vmem>>, vector<1x16xi32>,
      %get3A_577 = vector.shape_cast %get3A_576 : vector<1x16xi32> to vector<16xi32>
      %max3A_578 = arith.constant 0 : i32
      %max3A_579 = vector.broadcast %max3A_578 : i32 to vector<16xi32>
      %max3A_580 = arith.maxsi %get3A_573, %max3A_579 : vector<16xi32>
      %min3A_581 = arith.constant 10 : i32
      %min3A_582 = vector.broadcast %min3A_581 : i32 to vector<16xi32>
      %min3A_583 = arith.minsi %max3A_580, %min3A_582 : vector<16xi32>
      %max3A_584 = arith.constant 0 : i32
      %max3A_585 = vector.broadcast %max3A_584 : i32 to vector<16xi32>
      %max3A_586 = arith.maxsi %get3A_577, %max3A_585 : vector<16xi32>
      %min3A_587 = arith.constant 10 : i32
      %min3A_588 = vector.broadcast %min3A_587 : i32 to vector<16xi32>
      %min3A_589 = arith.minsi %max3A_586, %min3A_588 : vector<16xi32>
      %mul3A_590 = arith.constant 11 : i32
      %mul3A_591 = vector.broadcast %mul3A_590 : i32 to vector<16xi32>
      %mul3A_592 = arith.muli %min3A_583, %mul3A_591 : vector<16xi32>
      %add3A_593 = arith.addi %mul3A_592, %min3A_589 : vector<16xi32>
      %mul3A_594 = arith.constant 4 : i32
      %mul3A_595 = arith.muli %scan3A_45, %mul3A_594 : i32
      %add3A_596 = arith.constant 2 : i32
      %add3A_597 = arith.addi %mul3A_595, %add3A_596 : i32
      %swap3A_598 = arith.index_cast %add3A_597 : i32 to index
      %swap3A_599 = arith.constant 0 : index
      %swap3A_600 = tpu.vector_load %arg6[%swap3A_598, %swap3A_599] {strides = array<i32>} : memref<32x128xi32, #tpu.memory_space<vmem>>, vector<1x16xi32>,
      %swap3A_601 = vector.shape_cast %swap3A_600 : vector<1x16xi32> to vector<16xi32>
      %swap3A_602 = vector.shape_cast %add3A_593 : vector<16xi32> to vector<1x16xi32>
      tpu.vector_store %arg6[%swap3A_598, %swap3A_599], %swap3A_602 {strides = array<i32>} : memref<32x128xi32, #tpu.memory_space<vmem>>, vector<1x16xi32>,
      %get3A_603 = arith.index_cast %scan3A_45 : i32 to index
      %get3A_604 = arith.constant 272 : index
      %get3A_605 = tpu.vector_load %arg5[%get3A_603, %get3A_604] {strides = array<i32>} : memref<8x1024xi32, #tpu.memory_space<vmem>>, vector<1x16xi32>,
      %get3A_606 = vector.shape_cast %get3A_605 : vector<1x16xi32> to vector<16xi32>
      %get3A_607 = arith.index_cast %scan3A_45 : i32 to index
      %get3A_608 = arith.constant 784 : index
      %get3A_609 = tpu.vector_load %arg5[%get3A_607, %get3A_608] {strides = array<i32>} : memref<8x1024xi32, #tpu.memory_space<vmem>>, vector<1x16xi32>,
      %get3A_610 = vector.shape_cast %get3A_609 : vector<1x16xi32> to vector<16xi32>
      %max3A_611 = arith.constant 0 : i32
      %max3A_612 = vector.broadcast %max3A_611 : i32 to vector<16xi32>
      %max3A_613 = arith.maxsi %get3A_606, %max3A_612 : vector<16xi32>
      %min3A_614 = arith.constant 10 : i32
      %min3A_615 = vector.broadcast %min3A_614 : i32 to vector<16xi32>
      %min3A_616 = arith.minsi %max3A_613, %min3A_615 : vector<16xi32>
      %max3A_617 = arith.constant 0 : i32
      %max3A_618 = vector.broadcast %max3A_617 : i32 to vector<16xi32>
      %max3A_619 = arith.maxsi %get3A_610, %max3A_618 : vector<16xi32>
      %min3A_620 = arith.constant 10 : i32
      %min3A_621 = vector.broadcast %min3A_620 : i32 to vector<16xi32>
      %min3A_622 = arith.minsi %max3A_619, %min3A_621 : vector<16xi32>
      %mul3A_623 = arith.constant 11 : i32
      %mul3A_624 = vector.broadcast %mul3A_623 : i32 to vector<16xi32>
      %mul3A_625 = arith.muli %min3A_616, %mul3A_624 : vector<16xi32>
      %add3A_626 = arith.addi %mul3A_625, %min3A_622 : vector<16xi32>
      %mul3A_627 = arith.constant 4 : i32
      %mul3A_628 = arith.muli %scan3A_45, %mul3A_627 : i32
      %add3A_629 = arith.constant 2 : i32
      %add3A_630 = arith.addi %mul3A_628, %add3A_629 : i32
      %swap3A_631 = arith.index_cast %add3A_630 : i32 to index
      %swap3A_632 = arith.constant 16 : index
      %swap3A_633 = tpu.vector_load %arg6[%swap3A_631, %swap3A_632] {strides = array<i32>} : memref<32x128xi32, #tpu.memory_space<vmem>>, vector<1x16xi32>,
      %swap3A_634 = vector.shape_cast %swap3A_633 : vector<1x16xi32> to vector<16xi32>
      %swap3A_635 = vector.shape_cast %add3A_626 : vector<16xi32> to vector<1x16xi32>
      tpu.vector_store %arg6[%swap3A_631, %swap3A_632], %swap3A_635 {strides = array<i32>} : memref<32x128xi32, #tpu.memory_space<vmem>>, vector<1x16xi32>,
      %get3A_636 = arith.index_cast %scan3A_45 : i32 to index
      %get3A_637 = arith.constant 288 : index
      %get3A_638 = tpu.vector_load %arg5[%get3A_636, %get3A_637] {strides = array<i32>} : memref<8x1024xi32, #tpu.memory_space<vmem>>, vector<1x16xi32>,
      %get3A_639 = vector.shape_cast %get3A_638 : vector<1x16xi32> to vector<16xi32>
      %get3A_640 = arith.index_cast %scan3A_45 : i32 to index
      %get3A_641 = arith.constant 800 : index
      %get3A_642 = tpu.vector_load %arg5[%get3A_640, %get3A_641] {strides = array<i32>} : memref<8x1024xi32, #tpu.memory_space<vmem>>, vector<1x16xi32>,
      %get3A_643 = vector.shape_cast %get3A_642 : vector<1x16xi32> to vector<16xi32>
      %max3A_644 = arith.constant 0 : i32
      %max3A_645 = vector.broadcast %max3A_644 : i32 to vector<16xi32>
      %max3A_646 = arith.maxsi %get3A_639, %max3A_645 : vector<16xi32>
      %min3A_647 = arith.constant 10 : i32
      %min3A_648 = vector.broadcast %min3A_647 : i32 to vector<16xi32>
      %min3A_649 = arith.minsi %max3A_646, %min3A_648 : vector<16xi32>
      %max3A_650 = arith.constant 0 : i32
      %max3A_651 = vector.broadcast %max3A_650 : i32 to vector<16xi32>
      %max3A_652 = arith.maxsi %get3A_643, %max3A_651 : vector<16xi32>
      %min3A_653 = arith.constant 10 : i32
      %min3A_654 = vector.broadcast %min3A_653 : i32 to vector<16xi32>
      %min3A_655 = arith.minsi %max3A_652, %min3A_654 : vector<16xi32>
      %mul3A_656 = arith.constant 11 : i32
      %mul3A_657 = vector.broadcast %mul3A_656 : i32 to vector<16xi32>
      %mul3A_658 = arith.muli %min3A_649, %mul3A_657 : vector<16xi32>
      %add3A_659 = arith.addi %mul3A_658, %min3A_655 : vector<16xi32>
      %mul3A_660 = arith.constant 4 : i32
      %mul3A_661 = arith.muli %scan3A_45, %mul3A_660 : i32
      %add3A_662 = arith.constant 2 : i32
      %add3A_663 = arith.addi %mul3A_661, %add3A_662 : i32
      %swap3A_664 = arith.index_cast %add3A_663 : i32 to index
      %swap3A_665 = arith.constant 32 : index
      %swap3A_666 = tpu.vector_load %arg6[%swap3A_664, %swap3A_665] {strides = array<i32>} : memref<32x128xi32, #tpu.memory_space<vmem>>, vector<1x16xi32>,
      %swap3A_667 = vector.shape_cast %swap3A_666 : vector<1x16xi32> to vector<16xi32>
      %swap3A_668 = vector.shape_cast %add3A_659 : vector<16xi32> to vector<1x16xi32>
      tpu.vector_store %arg6[%swap3A_664, %swap3A_665], %swap3A_668 {strides = array<i32>} : memref<32x128xi32, #tpu.memory_space<vmem>>, vector<1x16xi32>,
      %get3A_669 = arith.index_cast %scan3A_45 : i32 to index
      %get3A_670 = arith.constant 304 : index
      %get3A_671 = tpu.vector_load %arg5[%get3A_669, %get3A_670] {strides = array<i32>} : memref<8x1024xi32, #tpu.memory_space<vmem>>, vector<1x16xi32>,
      %get3A_672 = vector.shape_cast %get3A_671 : vector<1x16xi32> to vector<16xi32>
      %get3A_673 = arith.index_cast %scan3A_45 : i32 to index
      %get3A_674 = arith.constant 816 : index
      %get3A_675 = tpu.vector_load %arg5[%get3A_673, %get3A_674] {strides = array<i32>} : memref<8x1024xi32, #tpu.memory_space<vmem>>, vector<1x16xi32>,
      %get3A_676 = vector.shape_cast %get3A_675 : vector<1x16xi32> to vector<16xi32>
      %max3A_677 = arith.constant 0 : i32
      %max3A_678 = vector.broadcast %max3A_677 : i32 to vector<16xi32>
      %max3A_679 = arith.maxsi %get3A_672, %max3A_678 : vector<16xi32>
      %min3A_680 = arith.constant 10 : i32
      %min3A_681 = vector.broadcast %min3A_680 : i32 to vector<16xi32>
      %min3A_682 = arith.minsi %max3A_679, %min3A_681 : vector<16xi32>
      %max3A_683 = arith.constant 0 : i32
      %max3A_684 = vector.broadcast %max3A_683 : i32 to vector<16xi32>
      %max3A_685 = arith.maxsi %get3A_676, %max3A_684 : vector<16xi32>
      %min3A_686 = arith.constant 10 : i32
      %min3A_687 = vector.broadcast %min3A_686 : i32 to vector<16xi32>
      %min3A_688 = arith.minsi %max3A_685, %min3A_687 : vector<16xi32>
      %mul3A_689 = arith.constant 11 : i32
      %mul3A_690 = vector.broadcast %mul3A_689 : i32 to vector<16xi32>
      %mul3A_691 = arith.muli %min3A_682, %mul3A_690 : vector<16xi32>
      %add3A_692 = arith.addi %mul3A_691, %min3A_688 : vector<16xi32>
      %mul3A_693 = arith.constant 4 : i32
      %mul3A_694 = arith.muli %scan3A_45, %mul3A_693 : i32
      %add3A_695 = arith.constant 2 : i32
      %add3A_696 = arith.addi %mul3A_694, %add3A_695 : i32
      %swap3A_697 = arith.index_cast %add3A_696 : i32 to index
      %swap3A_698 = arith.constant 48 : index
      %swap3A_699 = tpu.vector_load %arg6[%swap3A_697, %swap3A_698] {strides = array<i32>} : memref<32x128xi32, #tpu.memory_space<vmem>>, vector<1x16xi32>,
      %swap3A_700 = vector.shape_cast %swap3A_699 : vector<1x16xi32> to vector<16xi32>
      %swap3A_701 = vector.shape_cast %add3A_692 : vector<16xi32> to vector<1x16xi32>
      tpu.vector_store %arg6[%swap3A_697, %swap3A_698], %swap3A_701 {strides = array<i32>} : memref<32x128xi32, #tpu.memory_space<vmem>>, vector<1x16xi32>,
      %get3A_702 = arith.index_cast %scan3A_45 : i32 to index
      %get3A_703 = arith.constant 320 : index
      %get3A_704 = tpu.vector_load %arg5[%get3A_702, %get3A_703] {strides = array<i32>} : memref<8x1024xi32, #tpu.memory_space<vmem>>, vector<1x16xi32>,
      %get3A_705 = vector.shape_cast %get3A_704 : vector<1x16xi32> to vector<16xi32>
      %get3A_706 = arith.index_cast %scan3A_45 : i32 to index
      %get3A_707 = arith.constant 832 : index
      %get3A_708 = tpu.vector_load %arg5[%get3A_706, %get3A_707] {strides = array<i32>} : memref<8x1024xi32, #tpu.memory_space<vmem>>, vector<1x16xi32>,
      %get3A_709 = vector.shape_cast %get3A_708 : vector<1x16xi32> to vector<16xi32>
      %max3A_710 = arith.constant 0 : i32
      %max3A_711 = vector.broadcast %max3A_710 : i32 to vector<16xi32>
      %max3A_712 = arith.maxsi %get3A_705, %max3A_711 : vector<16xi32>
      %min3A_713 = arith.constant 10 : i32
      %min3A_714 = vector.broadcast %min3A_713 : i32 to vector<16xi32>
      %min3A_715 = arith.minsi %max3A_712, %min3A_714 : vector<16xi32>
      %max3A_716 = arith.constant 0 : i32
      %max3A_717 = vector.broadcast %max3A_716 : i32 to vector<16xi32>
      %max3A_718 = arith.maxsi %get3A_709, %max3A_717 : vector<16xi32>
      %min3A_719 = arith.constant 10 : i32
      %min3A_720 = vector.broadcast %min3A_719 : i32 to vector<16xi32>
      %min3A_721 = arith.minsi %max3A_718, %min3A_720 : vector<16xi32>
      %mul3A_722 = arith.constant 11 : i32
      %mul3A_723 = vector.broadcast %mul3A_722 : i32 to vector<16xi32>
      %mul3A_724 = arith.muli %min3A_715, %mul3A_723 : vector<16xi32>
      %add3A_725 = arith.addi %mul3A_724, %min3A_721 : vector<16xi32>
      %mul3A_726 = arith.constant 4 : i32
      %mul3A_727 = arith.muli %scan3A_45, %mul3A_726 : i32
      %add3A_728 = arith.constant 2 : i32
      %add3A_729 = arith.addi %mul3A_727, %add3A_728 : i32
      %swap3A_730 = arith.index_cast %add3A_729 : i32 to index
      %swap3A_731 = arith.constant 64 : index
      %swap3A_732 = tpu.vector_load %arg6[%swap3A_730, %swap3A_731] {strides = array<i32>} : memref<32x128xi32, #tpu.memory_space<vmem>>, vector<1x16xi32>,
      %swap3A_733 = vector.shape_cast %swap3A_732 : vector<1x16xi32> to vector<16xi32>
      %swap3A_734 = vector.shape_cast %add3A_725 : vector<16xi32> to vector<1x16xi32>
      tpu.vector_store %arg6[%swap3A_730, %swap3A_731], %swap3A_734 {strides = array<i32>} : memref<32x128xi32, #tpu.memory_space<vmem>>, vector<1x16xi32>,
      %get3A_735 = arith.index_cast %scan3A_45 : i32 to index
      %get3A_736 = arith.constant 336 : index
      %get3A_737 = tpu.vector_load %arg5[%get3A_735, %get3A_736] {strides = array<i32>} : memref<8x1024xi32, #tpu.memory_space<vmem>>, vector<1x16xi32>,
      %get3A_738 = vector.shape_cast %get3A_737 : vector<1x16xi32> to vector<16xi32>
      %get3A_739 = arith.index_cast %scan3A_45 : i32 to index
      %get3A_740 = arith.constant 848 : index
      %get3A_741 = tpu.vector_load %arg5[%get3A_739, %get3A_740] {strides = array<i32>} : memref<8x1024xi32, #tpu.memory_space<vmem>>, vector<1x16xi32>,
      %get3A_742 = vector.shape_cast %get3A_741 : vector<1x16xi32> to vector<16xi32>
      %max3A_743 = arith.constant 0 : i32
      %max3A_744 = vector.broadcast %max3A_743 : i32 to vector<16xi32>
      %max3A_745 = arith.maxsi %get3A_738, %max3A_744 : vector<16xi32>
      %min3A_746 = arith.constant 10 : i32
      %min3A_747 = vector.broadcast %min3A_746 : i32 to vector<16xi32>
      %min3A_748 = arith.minsi %max3A_745, %min3A_747 : vector<16xi32>
      %max3A_749 = arith.constant 0 : i32
      %max3A_750 = vector.broadcast %max3A_749 : i32 to vector<16xi32>
      %max3A_751 = arith.maxsi %get3A_742, %max3A_750 : vector<16xi32>
      %min3A_752 = arith.constant 10 : i32
      %min3A_753 = vector.broadcast %min3A_752 : i32 to vector<16xi32>
      %min3A_754 = arith.minsi %max3A_751, %min3A_753 : vector<16xi32>
      %mul3A_755 = arith.constant 11 : i32
      %mul3A_756 = vector.broadcast %mul3A_755 : i32 to vector<16xi32>
      %mul3A_757 = arith.muli %min3A_748, %mul3A_756 : vector<16xi32>
      %add3A_758 = arith.addi %mul3A_757, %min3A_754 : vector<16xi32>
      %mul3A_759 = arith.constant 4 : i32
      %mul3A_760 = arith.muli %scan3A_45, %mul3A_759 : i32
      %add3A_761 = arith.constant 2 : i32
      %add3A_762 = arith.addi %mul3A_760, %add3A_761 : i32
      %swap3A_763 = arith.index_cast %add3A_762 : i32 to index
      %swap3A_764 = arith.constant 80 : index
      %swap3A_765 = tpu.vector_load %arg6[%swap3A_763, %swap3A_764] {strides = array<i32>} : memref<32x128xi32, #tpu.memory_space<vmem>>, vector<1x16xi32>,
      %swap3A_766 = vector.shape_cast %swap3A_765 : vector<1x16xi32> to vector<16xi32>
      %swap3A_767 = vector.shape_cast %add3A_758 : vector<16xi32> to vector<1x16xi32>
      tpu.vector_store %arg6[%swap3A_763, %swap3A_764], %swap3A_767 {strides = array<i32>} : memref<32x128xi32, #tpu.memory_space<vmem>>, vector<1x16xi32>,
      %get3A_768 = arith.index_cast %scan3A_45 : i32 to index
      %get3A_769 = arith.constant 352 : index
      %get3A_770 = tpu.vector_load %arg5[%get3A_768, %get3A_769] {strides = array<i32>} : memref<8x1024xi32, #tpu.memory_space<vmem>>, vector<1x16xi32>,
      %get3A_771 = vector.shape_cast %get3A_770 : vector<1x16xi32> to vector<16xi32>
      %get3A_772 = arith.index_cast %scan3A_45 : i32 to index
      %get3A_773 = arith.constant 864 : index
      %get3A_774 = tpu.vector_load %arg5[%get3A_772, %get3A_773] {strides = array<i32>} : memref<8x1024xi32, #tpu.memory_space<vmem>>, vector<1x16xi32>,
      %get3A_775 = vector.shape_cast %get3A_774 : vector<1x16xi32> to vector<16xi32>
      %max3A_776 = arith.constant 0 : i32
      %max3A_777 = vector.broadcast %max3A_776 : i32 to vector<16xi32>
      %max3A_778 = arith.maxsi %get3A_771, %max3A_777 : vector<16xi32>
      %min3A_779 = arith.constant 10 : i32
      %min3A_780 = vector.broadcast %min3A_779 : i32 to vector<16xi32>
      %min3A_781 = arith.minsi %max3A_778, %min3A_780 : vector<16xi32>
      %max3A_782 = arith.constant 0 : i32
      %max3A_783 = vector.broadcast %max3A_782 : i32 to vector<16xi32>
      %max3A_784 = arith.maxsi %get3A_775, %max3A_783 : vector<16xi32>
      %min3A_785 = arith.constant 10 : i32
      %min3A_786 = vector.broadcast %min3A_785 : i32 to vector<16xi32>
      %min3A_787 = arith.minsi %max3A_784, %min3A_786 : vector<16xi32>
      %mul3A_788 = arith.constant 11 : i32
      %mul3A_789 = vector.broadcast %mul3A_788 : i32 to vector<16xi32>
      %mul3A_790 = arith.muli %min3A_781, %mul3A_789 : vector<16xi32>
      %add3A_791 = arith.addi %mul3A_790, %min3A_787 : vector<16xi32>
      %mul3A_792 = arith.constant 4 : i32
      %mul3A_793 = arith.muli %scan3A_45, %mul3A_792 : i32
      %add3A_794 = arith.constant 2 : i32
      %add3A_795 = arith.addi %mul3A_793, %add3A_794 : i32
      %swap3A_796 = arith.index_cast %add3A_795 : i32 to index
      %swap3A_797 = arith.constant 96 : index
      %swap3A_798 = tpu.vector_load %arg6[%swap3A_796, %swap3A_797] {strides = array<i32>} : memref<32x128xi32, #tpu.memory_space<vmem>>, vector<1x16xi32>,
      %swap3A_799 = vector.shape_cast %swap3A_798 : vector<1x16xi32> to vector<16xi32>
      %swap3A_800 = vector.shape_cast %add3A_791 : vector<16xi32> to vector<1x16xi32>
      tpu.vector_store %arg6[%swap3A_796, %swap3A_797], %swap3A_800 {strides = array<i32>} : memref<32x128xi32, #tpu.memory_space<vmem>>, vector<1x16xi32>,
      %get3A_801 = arith.index_cast %scan3A_45 : i32 to index
      %get3A_802 = arith.constant 368 : index
      %get3A_803 = tpu.vector_load %arg5[%get3A_801, %get3A_802] {strides = array<i32>} : memref<8x1024xi32, #tpu.memory_space<vmem>>, vector<1x16xi32>,
      %get3A_804 = vector.shape_cast %get3A_803 : vector<1x16xi32> to vector<16xi32>
      %get3A_805 = arith.index_cast %scan3A_45 : i32 to index
      %get3A_806 = arith.constant 880 : index
      %get3A_807 = tpu.vector_load %arg5[%get3A_805, %get3A_806] {strides = array<i32>} : memref<8x1024xi32, #tpu.memory_space<vmem>>, vector<1x16xi32>,
      %get3A_808 = vector.shape_cast %get3A_807 : vector<1x16xi32> to vector<16xi32>
      %max3A_809 = arith.constant 0 : i32
      %max3A_810 = vector.broadcast %max3A_809 : i32 to vector<16xi32>
      %max3A_811 = arith.maxsi %get3A_804, %max3A_810 : vector<16xi32>
      %min3A_812 = arith.constant 10 : i32
      %min3A_813 = vector.broadcast %min3A_812 : i32 to vector<16xi32>
      %min3A_814 = arith.minsi %max3A_811, %min3A_813 : vector<16xi32>
      %max3A_815 = arith.constant 0 : i32
      %max3A_816 = vector.broadcast %max3A_815 : i32 to vector<16xi32>
      %max3A_817 = arith.maxsi %get3A_808, %max3A_816 : vector<16xi32>
      %min3A_818 = arith.constant 10 : i32
      %min3A_819 = vector.broadcast %min3A_818 : i32 to vector<16xi32>
      %min3A_820 = arith.minsi %max3A_817, %min3A_819 : vector<16xi32>
      %mul3A_821 = arith.constant 11 : i32
      %mul3A_822 = vector.broadcast %mul3A_821 : i32 to vector<16xi32>
      %mul3A_823 = arith.muli %min3A_814, %mul3A_822 : vector<16xi32>
      %add3A_824 = arith.addi %mul3A_823, %min3A_820 : vector<16xi32>
      %mul3A_825 = arith.constant 4 : i32
      %mul3A_826 = arith.muli %scan3A_45, %mul3A_825 : i32
      %add3A_827 = arith.constant 2 : i32
      %add3A_828 = arith.addi %mul3A_826, %add3A_827 : i32
      %swap3A_829 = arith.index_cast %add3A_828 : i32 to index
      %swap3A_830 = arith.constant 112 : index
      %swap3A_831 = tpu.vector_load %arg6[%swap3A_829, %swap3A_830] {strides = array<i32>} : memref<32x128xi32, #tpu.memory_space<vmem>>, vector<1x16xi32>,
      %swap3A_832 = vector.shape_cast %swap3A_831 : vector<1x16xi32> to vector<16xi32>
      %swap3A_833 = vector.shape_cast %add3A_824 : vector<16xi32> to vector<1x16xi32>
      tpu.vector_store %arg6[%swap3A_829, %swap3A_830], %swap3A_833 {strides = array<i32>} : memref<32x128xi32, #tpu.memory_space<vmem>>, vector<1x16xi32>,
      %get3A_834 = arith.index_cast %scan3A_45 : i32 to index
      %get3A_835 = arith.constant 384 : index
      %get3A_836 = tpu.vector_load %arg5[%get3A_834, %get3A_835] {strides = array<i32>} : memref<8x1024xi32, #tpu.memory_space<vmem>>, vector<1x16xi32>,
      %get3A_837 = vector.shape_cast %get3A_836 : vector<1x16xi32> to vector<16xi32>
      %get3A_838 = arith.index_cast %scan3A_45 : i32 to index
      %get3A_839 = arith.constant 896 : index
      %get3A_840 = tpu.vector_load %arg5[%get3A_838, %get3A_839] {strides = array<i32>} : memref<8x1024xi32, #tpu.memory_space<vmem>>, vector<1x16xi32>,
      %get3A_841 = vector.shape_cast %get3A_840 : vector<1x16xi32> to vector<16xi32>
      %max3A_842 = arith.constant 0 : i32
      %max3A_843 = vector.broadcast %max3A_842 : i32 to vector<16xi32>
      %max3A_844 = arith.maxsi %get3A_837, %max3A_843 : vector<16xi32>
      %min3A_845 = arith.constant 10 : i32
      %min3A_846 = vector.broadcast %min3A_845 : i32 to vector<16xi32>
      %min3A_847 = arith.minsi %max3A_844, %min3A_846 : vector<16xi32>
      %max3A_848 = arith.constant 0 : i32
      %max3A_849 = vector.broadcast %max3A_848 : i32 to vector<16xi32>
      %max3A_850 = arith.maxsi %get3A_841, %max3A_849 : vector<16xi32>
      %min3A_851 = arith.constant 10 : i32
      %min3A_852 = vector.broadcast %min3A_851 : i32 to vector<16xi32>
      %min3A_853 = arith.minsi %max3A_850, %min3A_852 : vector<16xi32>
      %mul3A_854 = arith.constant 11 : i32
      %mul3A_855 = vector.broadcast %mul3A_854 : i32 to vector<16xi32>
      %mul3A_856 = arith.muli %min3A_847, %mul3A_855 : vector<16xi32>
      %add3A_857 = arith.addi %mul3A_856, %min3A_853 : vector<16xi32>
      %mul3A_858 = arith.constant 4 : i32
      %mul3A_859 = arith.muli %scan3A_45, %mul3A_858 : i32
      %add3A_860 = arith.constant 3 : i32
      %add3A_861 = arith.addi %mul3A_859, %add3A_860 : i32
      %swap3A_862 = arith.index_cast %add3A_861 : i32 to index
      %swap3A_863 = arith.constant 0 : index
      %swap3A_864 = tpu.vector_load %arg6[%swap3A_862, %swap3A_863] {strides = array<i32>} : memref<32x128xi32, #tpu.memory_space<vmem>>, vector<1x16xi32>,
      %swap3A_865 = vector.shape_cast %swap3A_864 : vector<1x16xi32> to vector<16xi32>
      %swap3A_866 = vector.shape_cast %add3A_857 : vector<16xi32> to vector<1x16xi32>
      tpu.vector_store %arg6[%swap3A_862, %swap3A_863], %swap3A_866 {strides = array<i32>} : memref<32x128xi32, #tpu.memory_space<vmem>>, vector<1x16xi32>,
      %get3A_867 = arith.index_cast %scan3A_45 : i32 to index
      %get3A_868 = arith.constant 400 : index
      %get3A_869 = tpu.vector_load %arg5[%get3A_867, %get3A_868] {strides = array<i32>} : memref<8x1024xi32, #tpu.memory_space<vmem>>, vector<1x16xi32>,
      %get3A_870 = vector.shape_cast %get3A_869 : vector<1x16xi32> to vector<16xi32>
      %get3A_871 = arith.index_cast %scan3A_45 : i32 to index
      %get3A_872 = arith.constant 912 : index
      %get3A_873 = tpu.vector_load %arg5[%get3A_871, %get3A_872] {strides = array<i32>} : memref<8x1024xi32, #tpu.memory_space<vmem>>, vector<1x16xi32>,
      %get3A_874 = vector.shape_cast %get3A_873 : vector<1x16xi32> to vector<16xi32>
      %max3A_875 = arith.constant 0 : i32
      %max3A_876 = vector.broadcast %max3A_875 : i32 to vector<16xi32>
      %max3A_877 = arith.maxsi %get3A_870, %max3A_876 : vector<16xi32>
      %min3A_878 = arith.constant 10 : i32
      %min3A_879 = vector.broadcast %min3A_878 : i32 to vector<16xi32>
      %min3A_880 = arith.minsi %max3A_877, %min3A_879 : vector<16xi32>
      %max3A_881 = arith.constant 0 : i32
      %max3A_882 = vector.broadcast %max3A_881 : i32 to vector<16xi32>
      %max3A_883 = arith.maxsi %get3A_874, %max3A_882 : vector<16xi32>
      %min3A_884 = arith.constant 10 : i32
      %min3A_885 = vector.broadcast %min3A_884 : i32 to vector<16xi32>
      %min3A_886 = arith.minsi %max3A_883, %min3A_885 : vector<16xi32>
      %mul3A_887 = arith.constant 11 : i32
      %mul3A_888 = vector.broadcast %mul3A_887 : i32 to vector<16xi32>
      %mul3A_889 = arith.muli %min3A_880, %mul3A_888 : vector<16xi32>
      %add3A_890 = arith.addi %mul3A_889, %min3A_886 : vector<16xi32>
      %mul3A_891 = arith.constant 4 : i32
      %mul3A_892 = arith.muli %scan3A_45, %mul3A_891 : i32
      %add3A_893 = arith.constant 3 : i32
      %add3A_894 = arith.addi %mul3A_892, %add3A_893 : i32
      %swap3A_895 = arith.index_cast %add3A_894 : i32 to index
      %swap3A_896 = arith.constant 16 : index
      %swap3A_897 = tpu.vector_load %arg6[%swap3A_895, %swap3A_896] {strides = array<i32>} : memref<32x128xi32, #tpu.memory_space<vmem>>, vector<1x16xi32>,
      %swap3A_898 = vector.shape_cast %swap3A_897 : vector<1x16xi32> to vector<16xi32>
      %swap3A_899 = vector.shape_cast %add3A_890 : vector<16xi32> to vector<1x16xi32>
      tpu.vector_store %arg6[%swap3A_895, %swap3A_896], %swap3A_899 {strides = array<i32>} : memref<32x128xi32, #tpu.memory_space<vmem>>, vector<1x16xi32>,
      %get3A_900 = arith.index_cast %scan3A_45 : i32 to index
      %get3A_901 = arith.constant 416 : index
      %get3A_902 = tpu.vector_load %arg5[%get3A_900, %get3A_901] {strides = array<i32>} : memref<8x1024xi32, #tpu.memory_space<vmem>>, vector<1x16xi32>,
      %get3A_903 = vector.shape_cast %get3A_902 : vector<1x16xi32> to vector<16xi32>
      %get3A_904 = arith.index_cast %scan3A_45 : i32 to index
      %get3A_905 = arith.constant 928 : index
      %get3A_906 = tpu.vector_load %arg5[%get3A_904, %get3A_905] {strides = array<i32>} : memref<8x1024xi32, #tpu.memory_space<vmem>>, vector<1x16xi32>,
      %get3A_907 = vector.shape_cast %get3A_906 : vector<1x16xi32> to vector<16xi32>
      %max3A_908 = arith.constant 0 : i32
      %max3A_909 = vector.broadcast %max3A_908 : i32 to vector<16xi32>
      %max3A_910 = arith.maxsi %get3A_903, %max3A_909 : vector<16xi32>
      %min3A_911 = arith.constant 10 : i32
      %min3A_912 = vector.broadcast %min3A_911 : i32 to vector<16xi32>
      %min3A_913 = arith.minsi %max3A_910, %min3A_912 : vector<16xi32>
      %max3A_914 = arith.constant 0 : i32
      %max3A_915 = vector.broadcast %max3A_914 : i32 to vector<16xi32>
      %max3A_916 = arith.maxsi %get3A_907, %max3A_915 : vector<16xi32>
      %min3A_917 = arith.constant 10 : i32
      %min3A_918 = vector.broadcast %min3A_917 : i32 to vector<16xi32>
      %min3A_919 = arith.minsi %max3A_916, %min3A_918 : vector<16xi32>
      %mul3A_920 = arith.constant 11 : i32
      %mul3A_921 = vector.broadcast %mul3A_920 : i32 to vector<16xi32>
      %mul3A_922 = arith.muli %min3A_913, %mul3A_921 : vector<16xi32>
      %add3A_923 = arith.addi %mul3A_922, %min3A_919 : vector<16xi32>
      %mul3A_924 = arith.constant 4 : i32
      %mul3A_925 = arith.muli %scan3A_45, %mul3A_924 : i32
      %add3A_926 = arith.constant 3 : i32
      %add3A_927 = arith.addi %mul3A_925, %add3A_926 : i32
      %swap3A_928 = arith.index_cast %add3A_927 : i32 to index
      %swap3A_929 = arith.constant 32 : index
      %swap3A_930 = tpu.vector_load %arg6[%swap3A_928, %swap3A_929] {strides = array<i32>} : memref<32x128xi32, #tpu.memory_space<vmem>>, vector<1x16xi32>,
      %swap3A_931 = vector.shape_cast %swap3A_930 : vector<1x16xi32> to vector<16xi32>
      %swap3A_932 = vector.shape_cast %add3A_923 : vector<16xi32> to vector<1x16xi32>
      tpu.vector_store %arg6[%swap3A_928, %swap3A_929], %swap3A_932 {strides = array<i32>} : memref<32x128xi32, #tpu.memory_space<vmem>>, vector<1x16xi32>,
      %get3A_933 = arith.index_cast %scan3A_45 : i32 to index
      %get3A_934 = arith.constant 432 : index
      %get3A_935 = tpu.vector_load %arg5[%get3A_933, %get3A_934] {strides = array<i32>} : memref<8x1024xi32, #tpu.memory_space<vmem>>, vector<1x16xi32>,
      %get3A_936 = vector.shape_cast %get3A_935 : vector<1x16xi32> to vector<16xi32>
      %get3A_937 = arith.index_cast %scan3A_45 : i32 to index
      %get3A_938 = arith.constant 944 : index
      %get3A_939 = tpu.vector_load %arg5[%get3A_937, %get3A_938] {strides = array<i32>} : memref<8x1024xi32, #tpu.memory_space<vmem>>, vector<1x16xi32>,
      %get3A_940 = vector.shape_cast %get3A_939 : vector<1x16xi32> to vector<16xi32>
      %max3A_941 = arith.constant 0 : i32
      %max3A_942 = vector.broadcast %max3A_941 : i32 to vector<16xi32>
      %max3A_943 = arith.maxsi %get3A_936, %max3A_942 : vector<16xi32>
      %min3A_944 = arith.constant 10 : i32
      %min3A_945 = vector.broadcast %min3A_944 : i32 to vector<16xi32>
      %min3A_946 = arith.minsi %max3A_943, %min3A_945 : vector<16xi32>
      %max3A_947 = arith.constant 0 : i32
      %max3A_948 = vector.broadcast %max3A_947 : i32 to vector<16xi32>
      %max3A_949 = arith.maxsi %get3A_940, %max3A_948 : vector<16xi32>
      %min3A_950 = arith.constant 10 : i32
      %min3A_951 = vector.broadcast %min3A_950 : i32 to vector<16xi32>
      %min3A_952 = arith.minsi %max3A_949, %min3A_951 : vector<16xi32>
      %mul3A_953 = arith.constant 11 : i32
      %mul3A_954 = vector.broadcast %mul3A_953 : i32 to vector<16xi32>
      %mul3A_955 = arith.muli %min3A_946, %mul3A_954 : vector<16xi32>
      %add3A_956 = arith.addi %mul3A_955, %min3A_952 : vector<16xi32>
      %mul3A_957 = arith.constant 4 : i32
      %mul3A_958 = arith.muli %scan3A_45, %mul3A_957 : i32
      %add3A_959 = arith.constant 3 : i32
      %add3A_960 = arith.addi %mul3A_958, %add3A_959 : i32
      %swap3A_961 = arith.index_cast %add3A_960 : i32 to index
      %swap3A_962 = arith.constant 48 : index
      %swap3A_963 = tpu.vector_load %arg6[%swap3A_961, %swap3A_962] {strides = array<i32>} : memref<32x128xi32, #tpu.memory_space<vmem>>, vector<1x16xi32>,
      %swap3A_964 = vector.shape_cast %swap3A_963 : vector<1x16xi32> to vector<16xi32>
      %swap3A_965 = vector.shape_cast %add3A_956 : vector<16xi32> to vector<1x16xi32>
      tpu.vector_store %arg6[%swap3A_961, %swap3A_962], %swap3A_965 {strides = array<i32>} : memref<32x128xi32, #tpu.memory_space<vmem>>, vector<1x16xi32>,
      %get3A_966 = arith.index_cast %scan3A_45 : i32 to index
      %get3A_967 = arith.constant 448 : index
      %get3A_968 = tpu.vector_load %arg5[%get3A_966, %get3A_967] {strides = array<i32>} : memref<8x1024xi32, #tpu.memory_space<vmem>>, vector<1x16xi32>,
      %get3A_969 = vector.shape_cast %get3A_968 : vector<1x16xi32> to vector<16xi32>
      %get3A_970 = arith.index_cast %scan3A_45 : i32 to index
      %get3A_971 = arith.constant 960 : index
      %get3A_972 = tpu.vector_load %arg5[%get3A_970, %get3A_971] {strides = array<i32>} : memref<8x1024xi32, #tpu.memory_space<vmem>>, vector<1x16xi32>,
      %get3A_973 = vector.shape_cast %get3A_972 : vector<1x16xi32> to vector<16xi32>
      %max3A_974 = arith.constant 0 : i32
      %max3A_975 = vector.broadcast %max3A_974 : i32 to vector<16xi32>
      %max3A_976 = arith.maxsi %get3A_969, %max3A_975 : vector<16xi32>
      %min3A_977 = arith.constant 10 : i32
      %min3A_978 = vector.broadcast %min3A_977 : i32 to vector<16xi32>
      %min3A_979 = arith.minsi %max3A_976, %min3A_978 : vector<16xi32>
      %max3A_980 = arith.constant 0 : i32
      %max3A_981 = vector.broadcast %max3A_980 : i32 to vector<16xi32>
      %max3A_982 = arith.maxsi %get3A_973, %max3A_981 : vector<16xi32>
      %min3A_983 = arith.constant 10 : i32
      %min3A_984 = vector.broadcast %min3A_983 : i32 to vector<16xi32>
      %min3A_985 = arith.minsi %max3A_982, %min3A_984 : vector<16xi32>
      %mul3A_986 = arith.constant 11 : i32
      %mul3A_987 = vector.broadcast %mul3A_986 : i32 to vector<16xi32>
      %mul3A_988 = arith.muli %min3A_979, %mul3A_987 : vector<16xi32>
      %add3A_989 = arith.addi %mul3A_988, %min3A_985 : vector<16xi32>
      %mul3A_990 = arith.constant 4 : i32
      %mul3A_991 = arith.muli %scan3A_45, %mul3A_990 : i32
      %add3A_992 = arith.constant 3 : i32
      %add3A_993 = arith.addi %mul3A_991, %add3A_992 : i32
      %swap3A_994 = arith.index_cast %add3A_993 : i32 to index
      %swap3A_995 = arith.constant 64 : index
      %swap3A_996 = tpu.vector_load %arg6[%swap3A_994, %swap3A_995] {strides = array<i32>} : memref<32x128xi32, #tpu.memory_space<vmem>>, vector<1x16xi32>,
      %swap3A_997 = vector.shape_cast %swap3A_996 : vector<1x16xi32> to vector<16xi32>
      %swap3A_998 = vector.shape_cast %add3A_989 : vector<16xi32> to vector<1x16xi32>
      tpu.vector_store %arg6[%swap3A_994, %swap3A_995], %swap3A_998 {strides = array<i32>} : memref<32x128xi32, #tpu.memory_space<vmem>>, vector<1x16xi32>,
      %get3A_999 = arith.index_cast %scan3A_45 : i32 to index
      %get3A_1000 = arith.constant 464 : index
      %get3A_1001 = tpu.vector_load %arg5[%get3A_999, %get3A_1000] {strides = array<i32>} : memref<8x1024xi32, #tpu.memory_space<vmem>>, vector<1x16xi32>,
      %get3A_1002 = vector.shape_cast %get3A_1001 : vector<1x16xi32> to vector<16xi32>
      %get3A_1003 = arith.index_cast %scan3A_45 : i32 to index
      %get3A_1004 = arith.constant 976 : index
      %get3A_1005 = tpu.vector_load %arg5[%get3A_1003, %get3A_1004] {strides = array<i32>} : memref<8x1024xi32, #tpu.memory_space<vmem>>, vector<1x16xi32>,
      %get3A_1006 = vector.shape_cast %get3A_1005 : vector<1x16xi32> to vector<16xi32>
      %max3A_1007 = arith.constant 0 : i32
      %max3A_1008 = vector.broadcast %max3A_1007 : i32 to vector<16xi32>
      %max3A_1009 = arith.maxsi %get3A_1002, %max3A_1008 : vector<16xi32>
      %min3A_1010 = arith.constant 10 : i32
      %min3A_1011 = vector.broadcast %min3A_1010 : i32 to vector<16xi32>
      %min3A_1012 = arith.minsi %max3A_1009, %min3A_1011 : vector<16xi32>
      %max3A_1013 = arith.constant 0 : i32
      %max3A_1014 = vector.broadcast %max3A_1013 : i32 to vector<16xi32>
      %max3A_1015 = arith.maxsi %get3A_1006, %max3A_1014 : vector<16xi32>
      %min3A_1016 = arith.constant 10 : i32
      %min3A_1017 = vector.broadcast %min3A_1016 : i32 to vector<16xi32>
      %min3A_1018 = arith.minsi %max3A_1015, %min3A_1017 : vector<16xi32>
      %mul3A_1019 = arith.constant 11 : i32
      %mul3A_1020 = vector.broadcast %mul3A_1019 : i32 to vector<16xi32>
      %mul3A_1021 = arith.muli %min3A_1012, %mul3A_1020 : vector<16xi32>
      %add3A_1022 = arith.addi %mul3A_1021, %min3A_1018 : vector<16xi32>
      %mul3A_1023 = arith.constant 4 : i32
      %mul3A_1024 = arith.muli %scan3A_45, %mul3A_1023 : i32
      %add3A_1025 = arith.constant 3 : i32
      %add3A_1026 = arith.addi %mul3A_1024, %add3A_1025 : i32
      %swap3A_1027 = arith.index_cast %add3A_1026 : i32 to index
      %swap3A_1028 = arith.constant 80 : index
      %swap3A_1029 = tpu.vector_load %arg6[%swap3A_1027, %swap3A_1028] {strides = array<i32>} : memref<32x128xi32, #tpu.memory_space<vmem>>, vector<1x16xi32>,
      %swap3A_1030 = vector.shape_cast %swap3A_1029 : vector<1x16xi32> to vector<16xi32>
      %swap3A_1031 = vector.shape_cast %add3A_1022 : vector<16xi32> to vector<1x16xi32>
      tpu.vector_store %arg6[%swap3A_1027, %swap3A_1028], %swap3A_1031 {strides = array<i32>} : memref<32x128xi32, #tpu.memory_space<vmem>>, vector<1x16xi32>,
      %get3A_1032 = arith.index_cast %scan3A_45 : i32 to index
      %get3A_1033 = arith.constant 480 : index
      %get3A_1034 = tpu.vector_load %arg5[%get3A_1032, %get3A_1033] {strides = array<i32>} : memref<8x1024xi32, #tpu.memory_space<vmem>>, vector<1x16xi32>,
      %get3A_1035 = vector.shape_cast %get3A_1034 : vector<1x16xi32> to vector<16xi32>
      %get3A_1036 = arith.index_cast %scan3A_45 : i32 to index
      %get3A_1037 = arith.constant 992 : index
      %get3A_1038 = tpu.vector_load %arg5[%get3A_1036, %get3A_1037] {strides = array<i32>} : memref<8x1024xi32, #tpu.memory_space<vmem>>, vector<1x16xi32>,
      %get3A_1039 = vector.shape_cast %get3A_1038 : vector<1x16xi32> to vector<16xi32>
      %max3A_1040 = arith.constant 0 : i32
      %max3A_1041 = vector.broadcast %max3A_1040 : i32 to vector<16xi32>
      %max3A_1042 = arith.maxsi %get3A_1035, %max3A_1041 : vector<16xi32>
      %min3A_1043 = arith.constant 10 : i32
      %min3A_1044 = vector.broadcast %min3A_1043 : i32 to vector<16xi32>
      %min3A_1045 = arith.minsi %max3A_1042, %min3A_1044 : vector<16xi32>
      %max3A_1046 = arith.constant 0 : i32
      %max3A_1047 = vector.broadcast %max3A_1046 : i32 to vector<16xi32>
      %max3A_1048 = arith.maxsi %get3A_1039, %max3A_1047 : vector<16xi32>
      %min3A_1049 = arith.constant 10 : i32
      %min3A_1050 = vector.broadcast %min3A_1049 : i32 to vector<16xi32>
      %min3A_1051 = arith.minsi %max3A_1048, %min3A_1050 : vector<16xi32>
      %mul3A_1052 = arith.constant 11 : i32
      %mul3A_1053 = vector.broadcast %mul3A_1052 : i32 to vector<16xi32>
      %mul3A_1054 = arith.muli %min3A_1045, %mul3A_1053 : vector<16xi32>
      %add3A_1055 = arith.addi %mul3A_1054, %min3A_1051 : vector<16xi32>
      %mul3A_1056 = arith.constant 4 : i32
      %mul3A_1057 = arith.muli %scan3A_45, %mul3A_1056 : i32
      %add3A_1058 = arith.constant 3 : i32
      %add3A_1059 = arith.addi %mul3A_1057, %add3A_1058 : i32
      %swap3A_1060 = arith.index_cast %add3A_1059 : i32 to index
      %swap3A_1061 = arith.constant 96 : index
      %swap3A_1062 = tpu.vector_load %arg6[%swap3A_1060, %swap3A_1061] {strides = array<i32>} : memref<32x128xi32, #tpu.memory_space<vmem>>, vector<1x16xi32>,
      %swap3A_1063 = vector.shape_cast %swap3A_1062 : vector<1x16xi32> to vector<16xi32>
      %swap3A_1064 = vector.shape_cast %add3A_1055 : vector<16xi32> to vector<1x16xi32>
      tpu.vector_store %arg6[%swap3A_1060, %swap3A_1061], %swap3A_1064 {strides = array<i32>} : memref<32x128xi32, #tpu.memory_space<vmem>>, vector<1x16xi32>,
      %get3A_1065 = arith.index_cast %scan3A_45 : i32 to index
      %get3A_1066 = arith.constant 496 : index
      %get3A_1067 = tpu.vector_load %arg5[%get3A_1065, %get3A_1066] {strides = array<i32>} : memref<8x1024xi32, #tpu.memory_space<vmem>>, vector<1x16xi32>,
      %get3A_1068 = vector.shape_cast %get3A_1067 : vector<1x16xi32> to vector<16xi32>
      %get3A_1069 = arith.index_cast %scan3A_45 : i32 to index
      %get3A_1070 = arith.constant 1008 : index
      %get3A_1071 = tpu.vector_load %arg5[%get3A_1069, %get3A_1070] {strides = array<i32>} : memref<8x1024xi32, #tpu.memory_space<vmem>>, vector<1x16xi32>,
      %get3A_1072 = vector.shape_cast %get3A_1071 : vector<1x16xi32> to vector<16xi32>
      %max3A_1073 = arith.constant 0 : i32
      %max3A_1074 = vector.broadcast %max3A_1073 : i32 to vector<16xi32>
      %max3A_1075 = arith.maxsi %get3A_1068, %max3A_1074 : vector<16xi32>
      %min3A_1076 = arith.constant 10 : i32
      %min3A_1077 = vector.broadcast %min3A_1076 : i32 to vector<16xi32>
      %min3A_1078 = arith.minsi %max3A_1075, %min3A_1077 : vector<16xi32>
      %max3A_1079 = arith.constant 0 : i32
      %max3A_1080 = vector.broadcast %max3A_1079 : i32 to vector<16xi32>
      %max3A_1081 = arith.maxsi %get3A_1072, %max3A_1080 : vector<16xi32>
      %min3A_1082 = arith.constant 10 : i32
      %min3A_1083 = vector.broadcast %min3A_1082 : i32 to vector<16xi32>
      %min3A_1084 = arith.minsi %max3A_1081, %min3A_1083 : vector<16xi32>
      %mul3A_1085 = arith.constant 11 : i32
      %mul3A_1086 = vector.broadcast %mul3A_1085 : i32 to vector<16xi32>
      %mul3A_1087 = arith.muli %min3A_1078, %mul3A_1086 : vector<16xi32>
      %add3A_1088 = arith.addi %mul3A_1087, %min3A_1084 : vector<16xi32>
      %mul3A_1089 = arith.constant 4 : i32
      %mul3A_1090 = arith.muli %scan3A_45, %mul3A_1089 : i32
      %add3A_1091 = arith.constant 3 : i32
      %add3A_1092 = arith.addi %mul3A_1090, %add3A_1091 : i32
      %swap3A_1093 = arith.index_cast %add3A_1092 : i32 to index
      %swap3A_1094 = arith.constant 112 : index
      %swap3A_1095 = tpu.vector_load %arg6[%swap3A_1093, %swap3A_1094] {strides = array<i32>} : memref<32x128xi32, #tpu.memory_space<vmem>>, vector<1x16xi32>,
      %swap3A_1096 = vector.shape_cast %swap3A_1095 : vector<1x16xi32> to vector<16xi32>
      %swap3A_1097 = vector.shape_cast %add3A_1088 : vector<16xi32> to vector<1x16xi32>
      tpu.vector_store %arg6[%swap3A_1093, %swap3A_1094], %swap3A_1097 {strides = array<i32>} : memref<32x128xi32, #tpu.memory_space<vmem>>, vector<1x16xi32>,
    }
    %scan3A_11 = arith.constant 8 : i32
    %barrier3A = arith.constant 0 : index
    tpu.barrier barrier_id(%barrier3A)
    %dma_start3A = arith.constant 0 : i32
    %dma_start3A_12 = arith.constant 0 : i32
    %dma_start3A_13 = tpu.memref_slice %arg6[%dma_start3A, %dma_start3A_12] : memref<32x128xi32, #tpu.memory_space<vmem>> -> memref<1x128xi32, #tpu.memory_space<vmem>>
    %dma_start3A_14 = tpu.memref_squeeze %dma_start3A_13 : memref<1x128xi32, #tpu.memory_space<vmem>> -> memref<128xi32, #tpu.memory_space<vmem>>
    %dma_start3A_15 = arith.constant 0 : i32
    %dma_start3A_16 = arith.constant 0 : i32
    %dma_start3A_17 = tpu.memref_slice %arg7[%dma_start3A_15, %dma_start3A_16] : memref<121x128xf32, #tpu.memory_space<vmem_shared>> -> memref<121x128xf32, #tpu.memory_space<vmem_shared>>
    tpu.enqueue_indirect_dma source(%dma_start3A_17 : memref<121x128xf32, #tpu.memory_space<vmem_shared>>) target(%arg8 : memref<128x128xf32, #tpu.memory_space<vmem>>) offsets(%dma_start3A_14 : memref<128xi32, #tpu.memory_space<vmem>>) semaphore(%arg12 : memref<!tpu.dma_semaphore, #tpu.memory_space<semaphore_mem>>)
    %dma_start3A_18 = arith.constant 1 : i32
    %dma_start3A_19 = arith.constant 0 : i32
    %dma_start3A_20 = tpu.memref_slice %arg6[%dma_start3A_18, %dma_start3A_19] : memref<32x128xi32, #tpu.memory_space<vmem>> -> memref<1x128xi32, #tpu.memory_space<vmem>>
    %dma_start3A_21 = tpu.memref_squeeze %dma_start3A_20 : memref<1x128xi32, #tpu.memory_space<vmem>> -> memref<128xi32, #tpu.memory_space<vmem>>
    %dma_start3A_22 = arith.constant 0 : i32
    %dma_start3A_23 = arith.constant 0 : i32
    %dma_start3A_24 = tpu.memref_slice %arg7[%dma_start3A_22, %dma_start3A_23] : memref<121x128xf32, #tpu.memory_space<vmem_shared>> -> memref<121x128xf32, #tpu.memory_space<vmem_shared>>
    tpu.enqueue_indirect_dma source(%dma_start3A_24 : memref<121x128xf32, #tpu.memory_space<vmem_shared>>) target(%arg9 : memref<128x128xf32, #tpu.memory_space<vmem>>) offsets(%dma_start3A_21 : memref<128xi32, #tpu.memory_space<vmem>>) semaphore(%arg13 : memref<!tpu.dma_semaphore, #tpu.memory_space<semaphore_mem>>)
    %dma_start3A_25 = arith.constant 2 : i32
    %dma_start3A_26 = arith.constant 0 : i32
    %dma_start3A_27 = tpu.memref_slice %arg6[%dma_start3A_25, %dma_start3A_26] : memref<32x128xi32, #tpu.memory_space<vmem>> -> memref<1x128xi32, #tpu.memory_space<vmem>>
    %dma_start3A_28 = tpu.memref_squeeze %dma_start3A_27 : memref<1x128xi32, #tpu.memory_space<vmem>> -> memref<128xi32, #tpu.memory_space<vmem>>
    %dma_start3A_29 = arith.constant 0 : i32
    %dma_start3A_30 = arith.constant 0 : i32
    %dma_start3A_31 = tpu.memref_slice %arg7[%dma_start3A_29, %dma_start3A_30] : memref<121x128xf32, #tpu.memory_space<vmem_shared>> -> memref<121x128xf32, #tpu.memory_space<vmem_shared>>
    tpu.enqueue_indirect_dma source(%dma_start3A_31 : memref<121x128xf32, #tpu.memory_space<vmem_shared>>) target(%arg10 : memref<128x128xf32, #tpu.memory_space<vmem>>) offsets(%dma_start3A_28 : memref<128xi32, #tpu.memory_space<vmem>>) semaphore(%arg14 : memref<!tpu.dma_semaphore, #tpu.memory_space<semaphore_mem>>)
    %dma_start3A_32 = arith.constant 3 : i32
    %dma_start3A_33 = arith.constant 0 : i32
    %dma_start3A_34 = tpu.memref_slice %arg6[%dma_start3A_32, %dma_start3A_33] : memref<32x128xi32, #tpu.memory_space<vmem>> -> memref<1x128xi32, #tpu.memory_space<vmem>>
    %dma_start3A_35 = tpu.memref_squeeze %dma_start3A_34 : memref<1x128xi32, #tpu.memory_space<vmem>> -> memref<128xi32, #tpu.memory_space<vmem>>
    %dma_start3A_36 = arith.constant 0 : i32
    %dma_start3A_37 = arith.constant 0 : i32
    %dma_start3A_38 = tpu.memref_slice %arg7[%dma_start3A_36, %dma_start3A_37] : memref<121x128xf32, #tpu.memory_space<vmem_shared>> -> memref<121x128xf32, #tpu.memory_space<vmem_shared>>
    tpu.enqueue_indirect_dma source(%dma_start3A_38 : memref<121x128xf32, #tpu.memory_space<vmem_shared>>) target(%arg11 : memref<128x128xf32, #tpu.memory_space<vmem>>) offsets(%dma_start3A_35 : memref<128xi32, #tpu.memory_space<vmem>>) semaphore(%arg15 : memref<!tpu.dma_semaphore, #tpu.memory_space<semaphore_mem>>)
    %scan3A_39 = arith.constant 0 : i32
    %scan3A_40 = arith.constant 0 : i32
    %scan3A_41 = arith.constant 8 : i32
    %scan3A_42 = arith.addi %scan3A_40, %scan3A_41 : i32
    %scan3A_43 = arith.constant 1 : i32
    scf.for %scan3A_45 = %scan3A_40 to %scan3A_42 step %scan3A_43  : i32 {
      %mul3A_46 = arith.constant 4 : i32
      %mul3A_47 = arith.muli %scan3A_45, %mul3A_46 : i32
      %add3A_48 = arith.constant 0 : i32
      %add3A_49 = arith.addi %mul3A_47, %add3A_48 : i32
      %dma_wait3A = arith.constant 0 : i32
      %dma_wait3A_50 = tpu.memref_slice %arg6[%add3A_49, %dma_wait3A] : memref<32x128xi32, #tpu.memory_space<vmem>> -> memref<1x128xi32, #tpu.memory_space<vmem>>
      %dma_wait3A_51 = tpu.memref_squeeze %dma_wait3A_50 : memref<1x128xi32, #tpu.memory_space<vmem>> -> memref<128xi32, #tpu.memory_space<vmem>>
      %dma_wait3A_52 = arith.constant 0 : i32
      %dma_wait3A_53 = arith.constant 0 : i32
      %dma_wait3A_54 = tpu.memref_slice %arg7[%dma_wait3A_52, %dma_wait3A_53] : memref<121x128xf32, #tpu.memory_space<vmem_shared>> -> memref<121x128xf32, #tpu.memory_space<vmem_shared>>
      tpu.wait_indirect_dma semaphore(%arg12 : memref<!tpu.dma_semaphore, #tpu.memory_space<semaphore_mem>>) src(%dma_wait3A_54 : memref<121x128xf32, #tpu.memory_space<vmem_shared>>) dst(%arg8 : memref<128x128xf32, #tpu.memory_space<vmem>>)
      %add3A_55 = arith.addi %mul3A_2, %add3A_49 : i32
      %mul3A_56 = arith.constant 128 : i32
      %mul3A_57 = arith.muli %add3A_55, %mul3A_56 : i32
      %dma_start3A_58 = arith.constant 0 : i32
      %dma_start3A_59 = tpu.memref_slice %arg4[%mul3A_57, %dma_start3A_58] : memref<131072x128xf32, #tpu.memory_space<hbm>> -> memref<128x128xf32, #tpu.memory_space<hbm>>
      %dma_start3A_60 = arith.constant 0 : i32
      %dma_start3A_61 = tpu.memref_slice %arg4[%mul3A_57, %dma_start3A_60] : memref<131072x128xf32, #tpu.memory_space<hbm>> -> memref<128x128xf32, #tpu.memory_space<hbm>>
      tpu.enqueue_dma source(%arg8 : memref<128x128xf32, #tpu.memory_space<vmem>>) target(%dma_start3A_61 : memref<128x128xf32, #tpu.memory_space<hbm>>) target_semaphore(%arg16 : memref<!tpu.dma_semaphore, #tpu.memory_space<semaphore_mem>>)
      %add3A_62 = arith.addi %mul3A_2, %add3A_49 : i32
      %mul3A_63 = arith.constant 128 : i32
      %mul3A_64 = arith.muli %add3A_62, %mul3A_63 : i32
      %dma_wait3A_65 = arith.constant 0 : i32
      %dma_wait3A_66 = tpu.memref_slice %arg4[%mul3A_64, %dma_wait3A_65] : memref<131072x128xf32, #tpu.memory_space<hbm>> -> memref<128x128xf32, #tpu.memory_space<hbm>>
      %dma_wait3A_67 = arith.constant 0 : i32
      %dma_wait3A_68 = tpu.memref_slice %arg4[%mul3A_64, %dma_wait3A_67] : memref<131072x128xf32, #tpu.memory_space<hbm>> -> memref<128x128xf32, #tpu.memory_space<hbm>>
      tpu.wait_dma2 semaphore(%arg16 : memref<!tpu.dma_semaphore, #tpu.memory_space<semaphore_mem>>) src(%arg8 : memref<128x128xf32, #tpu.memory_space<vmem>>) dst(%dma_wait3A_68 : memref<128x128xf32, #tpu.memory_space<hbm>>)
      %add3A_69 = arith.constant 4 : i32
      %add3A_70 = arith.addi %add3A_49, %add3A_69 : i32
      %lt3A = arith.constant 32 : i32
      %lt3A_71 = arith.cmpi slt, %add3A_70, %lt3A : i32
      %convert_element_type3A_72 = arith.extui %lt3A_71 : i1 to i32
      %cond3A_73 = arith.constant 0 : i32
      %cond3A_74 = arith.cmpi ne, %convert_element_type3A_72, %cond3A_73 : i32
      scf.if %cond3A_74 {
        %add3A_162 = arith.constant 4 : i32
        %add3A_163 = arith.addi %add3A_49, %add3A_162 : i32
        %dma_start3A_164 = arith.constant 0 : i32
        %dma_start3A_165 = tpu.memref_slice %arg6[%add3A_163, %dma_start3A_164] : memref<32x128xi32, #tpu.memory_space<vmem>> -> memref<1x128xi32, #tpu.memory_space<vmem>>
        %dma_start3A_166 = tpu.memref_squeeze %dma_start3A_165 : memref<1x128xi32, #tpu.memory_space<vmem>> -> memref<128xi32, #tpu.memory_space<vmem>>
        %dma_start3A_167 = arith.constant 0 : i32
        %dma_start3A_168 = arith.constant 0 : i32
        %dma_start3A_169 = tpu.memref_slice %arg7[%dma_start3A_167, %dma_start3A_168] : memref<121x128xf32, #tpu.memory_space<vmem_shared>> -> memref<121x128xf32, #tpu.memory_space<vmem_shared>>
        tpu.enqueue_indirect_dma source(%dma_start3A_169 : memref<121x128xf32, #tpu.memory_space<vmem_shared>>) target(%arg8 : memref<128x128xf32, #tpu.memory_space<vmem>>) offsets(%dma_start3A_166 : memref<128xi32, #tpu.memory_space<vmem>>) semaphore(%arg12 : memref<!tpu.dma_semaphore, #tpu.memory_space<semaphore_mem>>)
      } else {
      }
      %add3A_75 = arith.constant 1 : i32
      %add3A_76 = arith.addi %mul3A_47, %add3A_75 : i32
      %dma_wait3A_77 = arith.constant 0 : i32
      %dma_wait3A_78 = tpu.memref_slice %arg6[%add3A_76, %dma_wait3A_77] : memref<32x128xi32, #tpu.memory_space<vmem>> -> memref<1x128xi32, #tpu.memory_space<vmem>>
      %dma_wait3A_79 = tpu.memref_squeeze %dma_wait3A_78 : memref<1x128xi32, #tpu.memory_space<vmem>> -> memref<128xi32, #tpu.memory_space<vmem>>
      %dma_wait3A_80 = arith.constant 0 : i32
      %dma_wait3A_81 = arith.constant 0 : i32
      %dma_wait3A_82 = tpu.memref_slice %arg7[%dma_wait3A_80, %dma_wait3A_81] : memref<121x128xf32, #tpu.memory_space<vmem_shared>> -> memref<121x128xf32, #tpu.memory_space<vmem_shared>>
      tpu.wait_indirect_dma semaphore(%arg13 : memref<!tpu.dma_semaphore, #tpu.memory_space<semaphore_mem>>) src(%dma_wait3A_82 : memref<121x128xf32, #tpu.memory_space<vmem_shared>>) dst(%arg9 : memref<128x128xf32, #tpu.memory_space<vmem>>)
      %add3A_83 = arith.addi %mul3A_2, %add3A_76 : i32
      %mul3A_84 = arith.constant 128 : i32
      %mul3A_85 = arith.muli %add3A_83, %mul3A_84 : i32
      %dma_start3A_86 = arith.constant 0 : i32
      %dma_start3A_87 = tpu.memref_slice %arg4[%mul3A_85, %dma_start3A_86] : memref<131072x128xf32, #tpu.memory_space<hbm>> -> memref<128x128xf32, #tpu.memory_space<hbm>>
      %dma_start3A_88 = arith.constant 0 : i32
      %dma_start3A_89 = tpu.memref_slice %arg4[%mul3A_85, %dma_start3A_88] : memref<131072x128xf32, #tpu.memory_space<hbm>> -> memref<128x128xf32, #tpu.memory_space<hbm>>
      tpu.enqueue_dma source(%arg9 : memref<128x128xf32, #tpu.memory_space<vmem>>) target(%dma_start3A_89 : memref<128x128xf32, #tpu.memory_space<hbm>>) target_semaphore(%arg17 : memref<!tpu.dma_semaphore, #tpu.memory_space<semaphore_mem>>)
      %add3A_90 = arith.addi %mul3A_2, %add3A_76 : i32
      %mul3A_91 = arith.constant 128 : i32
      %mul3A_92 = arith.muli %add3A_90, %mul3A_91 : i32
      %dma_wait3A_93 = arith.constant 0 : i32
      %dma_wait3A_94 = tpu.memref_slice %arg4[%mul3A_92, %dma_wait3A_93] : memref<131072x128xf32, #tpu.memory_space<hbm>> -> memref<128x128xf32, #tpu.memory_space<hbm>>
      %dma_wait3A_95 = arith.constant 0 : i32
      %dma_wait3A_96 = tpu.memref_slice %arg4[%mul3A_92, %dma_wait3A_95] : memref<131072x128xf32, #tpu.memory_space<hbm>> -> memref<128x128xf32, #tpu.memory_space<hbm>>
      tpu.wait_dma2 semaphore(%arg17 : memref<!tpu.dma_semaphore, #tpu.memory_space<semaphore_mem>>) src(%arg9 : memref<128x128xf32, #tpu.memory_space<vmem>>) dst(%dma_wait3A_96 : memref<128x128xf32, #tpu.memory_space<hbm>>)
      %add3A_97 = arith.constant 4 : i32
      %add3A_98 = arith.addi %add3A_76, %add3A_97 : i32
      %lt3A_99 = arith.constant 32 : i32
      %lt3A_100 = arith.cmpi slt, %add3A_98, %lt3A_99 : i32
      %convert_element_type3A_101 = arith.extui %lt3A_100 : i1 to i32
      %cond3A_102 = arith.constant 0 : i32
      %cond3A_103 = arith.cmpi ne, %convert_element_type3A_101, %cond3A_102 : i32
      scf.if %cond3A_103 {
        %add3A_162 = arith.constant 4 : i32
        %add3A_163 = arith.addi %add3A_76, %add3A_162 : i32
        %dma_start3A_164 = arith.constant 0 : i32
        %dma_start3A_165 = tpu.memref_slice %arg6[%add3A_163, %dma_start3A_164] : memref<32x128xi32, #tpu.memory_space<vmem>> -> memref<1x128xi32, #tpu.memory_space<vmem>>
        %dma_start3A_166 = tpu.memref_squeeze %dma_start3A_165 : memref<1x128xi32, #tpu.memory_space<vmem>> -> memref<128xi32, #tpu.memory_space<vmem>>
        %dma_start3A_167 = arith.constant 0 : i32
        %dma_start3A_168 = arith.constant 0 : i32
        %dma_start3A_169 = tpu.memref_slice %arg7[%dma_start3A_167, %dma_start3A_168] : memref<121x128xf32, #tpu.memory_space<vmem_shared>> -> memref<121x128xf32, #tpu.memory_space<vmem_shared>>
        tpu.enqueue_indirect_dma source(%dma_start3A_169 : memref<121x128xf32, #tpu.memory_space<vmem_shared>>) target(%arg9 : memref<128x128xf32, #tpu.memory_space<vmem>>) offsets(%dma_start3A_166 : memref<128xi32, #tpu.memory_space<vmem>>) semaphore(%arg13 : memref<!tpu.dma_semaphore, #tpu.memory_space<semaphore_mem>>)
      } else {
      }
      %add3A_104 = arith.constant 2 : i32
      %add3A_105 = arith.addi %mul3A_47, %add3A_104 : i32
      %dma_wait3A_106 = arith.constant 0 : i32
      %dma_wait3A_107 = tpu.memref_slice %arg6[%add3A_105, %dma_wait3A_106] : memref<32x128xi32, #tpu.memory_space<vmem>> -> memref<1x128xi32, #tpu.memory_space<vmem>>
      %dma_wait3A_108 = tpu.memref_squeeze %dma_wait3A_107 : memref<1x128xi32, #tpu.memory_space<vmem>> -> memref<128xi32, #tpu.memory_space<vmem>>
      %dma_wait3A_109 = arith.constant 0 : i32
      %dma_wait3A_110 = arith.constant 0 : i32
      %dma_wait3A_111 = tpu.memref_slice %arg7[%dma_wait3A_109, %dma_wait3A_110] : memref<121x128xf32, #tpu.memory_space<vmem_shared>> -> memref<121x128xf32, #tpu.memory_space<vmem_shared>>
      tpu.wait_indirect_dma semaphore(%arg14 : memref<!tpu.dma_semaphore, #tpu.memory_space<semaphore_mem>>) src(%dma_wait3A_111 : memref<121x128xf32, #tpu.memory_space<vmem_shared>>) dst(%arg10 : memref<128x128xf32, #tpu.memory_space<vmem>>)
      %add3A_112 = arith.addi %mul3A_2, %add3A_105 : i32
      %mul3A_113 = arith.constant 128 : i32
      %mul3A_114 = arith.muli %add3A_112, %mul3A_113 : i32
      %dma_start3A_115 = arith.constant 0 : i32
      %dma_start3A_116 = tpu.memref_slice %arg4[%mul3A_114, %dma_start3A_115] : memref<131072x128xf32, #tpu.memory_space<hbm>> -> memref<128x128xf32, #tpu.memory_space<hbm>>
      %dma_start3A_117 = arith.constant 0 : i32
      %dma_start3A_118 = tpu.memref_slice %arg4[%mul3A_114, %dma_start3A_117] : memref<131072x128xf32, #tpu.memory_space<hbm>> -> memref<128x128xf32, #tpu.memory_space<hbm>>
      tpu.enqueue_dma source(%arg10 : memref<128x128xf32, #tpu.memory_space<vmem>>) target(%dma_start3A_118 : memref<128x128xf32, #tpu.memory_space<hbm>>) target_semaphore(%arg18 : memref<!tpu.dma_semaphore, #tpu.memory_space<semaphore_mem>>)
      %add3A_119 = arith.addi %mul3A_2, %add3A_105 : i32
      %mul3A_120 = arith.constant 128 : i32
      %mul3A_121 = arith.muli %add3A_119, %mul3A_120 : i32
      %dma_wait3A_122 = arith.constant 0 : i32
      %dma_wait3A_123 = tpu.memref_slice %arg4[%mul3A_121, %dma_wait3A_122] : memref<131072x128xf32, #tpu.memory_space<hbm>> -> memref<128x128xf32, #tpu.memory_space<hbm>>
      %dma_wait3A_124 = arith.constant 0 : i32
      %dma_wait3A_125 = tpu.memref_slice %arg4[%mul3A_121, %dma_wait3A_124] : memref<131072x128xf32, #tpu.memory_space<hbm>> -> memref<128x128xf32, #tpu.memory_space<hbm>>
      tpu.wait_dma2 semaphore(%arg18 : memref<!tpu.dma_semaphore, #tpu.memory_space<semaphore_mem>>) src(%arg10 : memref<128x128xf32, #tpu.memory_space<vmem>>) dst(%dma_wait3A_125 : memref<128x128xf32, #tpu.memory_space<hbm>>)
      %add3A_126 = arith.constant 4 : i32
      %add3A_127 = arith.addi %add3A_105, %add3A_126 : i32
      %lt3A_128 = arith.constant 32 : i32
      %lt3A_129 = arith.cmpi slt, %add3A_127, %lt3A_128 : i32
      %convert_element_type3A_130 = arith.extui %lt3A_129 : i1 to i32
      %cond3A_131 = arith.constant 0 : i32
      %cond3A_132 = arith.cmpi ne, %convert_element_type3A_130, %cond3A_131 : i32
      scf.if %cond3A_132 {
        %add3A_162 = arith.constant 4 : i32
        %add3A_163 = arith.addi %add3A_105, %add3A_162 : i32
        %dma_start3A_164 = arith.constant 0 : i32
        %dma_start3A_165 = tpu.memref_slice %arg6[%add3A_163, %dma_start3A_164] : memref<32x128xi32, #tpu.memory_space<vmem>> -> memref<1x128xi32, #tpu.memory_space<vmem>>
        %dma_start3A_166 = tpu.memref_squeeze %dma_start3A_165 : memref<1x128xi32, #tpu.memory_space<vmem>> -> memref<128xi32, #tpu.memory_space<vmem>>
        %dma_start3A_167 = arith.constant 0 : i32
        %dma_start3A_168 = arith.constant 0 : i32
        %dma_start3A_169 = tpu.memref_slice %arg7[%dma_start3A_167, %dma_start3A_168] : memref<121x128xf32, #tpu.memory_space<vmem_shared>> -> memref<121x128xf32, #tpu.memory_space<vmem_shared>>
        tpu.enqueue_indirect_dma source(%dma_start3A_169 : memref<121x128xf32, #tpu.memory_space<vmem_shared>>) target(%arg10 : memref<128x128xf32, #tpu.memory_space<vmem>>) offsets(%dma_start3A_166 : memref<128xi32, #tpu.memory_space<vmem>>) semaphore(%arg14 : memref<!tpu.dma_semaphore, #tpu.memory_space<semaphore_mem>>)
      } else {
      }
      %add3A_133 = arith.constant 3 : i32
      %add3A_134 = arith.addi %mul3A_47, %add3A_133 : i32
      %dma_wait3A_135 = arith.constant 0 : i32
      %dma_wait3A_136 = tpu.memref_slice %arg6[%add3A_134, %dma_wait3A_135] : memref<32x128xi32, #tpu.memory_space<vmem>> -> memref<1x128xi32, #tpu.memory_space<vmem>>
      %dma_wait3A_137 = tpu.memref_squeeze %dma_wait3A_136 : memref<1x128xi32, #tpu.memory_space<vmem>> -> memref<128xi32, #tpu.memory_space<vmem>>
      %dma_wait3A_138 = arith.constant 0 : i32
      %dma_wait3A_139 = arith.constant 0 : i32
      %dma_wait3A_140 = tpu.memref_slice %arg7[%dma_wait3A_138, %dma_wait3A_139] : memref<121x128xf32, #tpu.memory_space<vmem_shared>> -> memref<121x128xf32, #tpu.memory_space<vmem_shared>>
      tpu.wait_indirect_dma semaphore(%arg15 : memref<!tpu.dma_semaphore, #tpu.memory_space<semaphore_mem>>) src(%dma_wait3A_140 : memref<121x128xf32, #tpu.memory_space<vmem_shared>>) dst(%arg11 : memref<128x128xf32, #tpu.memory_space<vmem>>)
      %add3A_141 = arith.addi %mul3A_2, %add3A_134 : i32
      %mul3A_142 = arith.constant 128 : i32
      %mul3A_143 = arith.muli %add3A_141, %mul3A_142 : i32
      %dma_start3A_144 = arith.constant 0 : i32
      %dma_start3A_145 = tpu.memref_slice %arg4[%mul3A_143, %dma_start3A_144] : memref<131072x128xf32, #tpu.memory_space<hbm>> -> memref<128x128xf32, #tpu.memory_space<hbm>>
      %dma_start3A_146 = arith.constant 0 : i32
      %dma_start3A_147 = tpu.memref_slice %arg4[%mul3A_143, %dma_start3A_146] : memref<131072x128xf32, #tpu.memory_space<hbm>> -> memref<128x128xf32, #tpu.memory_space<hbm>>
      tpu.enqueue_dma source(%arg11 : memref<128x128xf32, #tpu.memory_space<vmem>>) target(%dma_start3A_147 : memref<128x128xf32, #tpu.memory_space<hbm>>) target_semaphore(%arg19 : memref<!tpu.dma_semaphore, #tpu.memory_space<semaphore_mem>>)
      %add3A_148 = arith.addi %mul3A_2, %add3A_134 : i32
      %mul3A_149 = arith.constant 128 : i32
      %mul3A_150 = arith.muli %add3A_148, %mul3A_149 : i32
      %dma_wait3A_151 = arith.constant 0 : i32
      %dma_wait3A_152 = tpu.memref_slice %arg4[%mul3A_150, %dma_wait3A_151] : memref<131072x128xf32, #tpu.memory_space<hbm>> -> memref<128x128xf32, #tpu.memory_space<hbm>>
      %dma_wait3A_153 = arith.constant 0 : i32
      %dma_wait3A_154 = tpu.memref_slice %arg4[%mul3A_150, %dma_wait3A_153] : memref<131072x128xf32, #tpu.memory_space<hbm>> -> memref<128x128xf32, #tpu.memory_space<hbm>>
      tpu.wait_dma2 semaphore(%arg19 : memref<!tpu.dma_semaphore, #tpu.memory_space<semaphore_mem>>) src(%arg11 : memref<128x128xf32, #tpu.memory_space<vmem>>) dst(%dma_wait3A_154 : memref<128x128xf32, #tpu.memory_space<hbm>>)
      %add3A_155 = arith.constant 4 : i32
      %add3A_156 = arith.addi %add3A_134, %add3A_155 : i32
      %lt3A_157 = arith.constant 32 : i32
      %lt3A_158 = arith.cmpi slt, %add3A_156, %lt3A_157 : i32
      %convert_element_type3A_159 = arith.extui %lt3A_158 : i1 to i32
      %cond3A_160 = arith.constant 0 : i32
      %cond3A_161 = arith.cmpi ne, %convert_element_type3A_159, %cond3A_160 : i32
      scf.if %cond3A_161 {
        %add3A_162 = arith.constant 4 : i32
        %add3A_163 = arith.addi %add3A_134, %add3A_162 : i32
        %dma_start3A_164 = arith.constant 0 : i32
        %dma_start3A_165 = tpu.memref_slice %arg6[%add3A_163, %dma_start3A_164] : memref<32x128xi32, #tpu.memory_space<vmem>> -> memref<1x128xi32, #tpu.memory_space<vmem>>
        %dma_start3A_166 = tpu.memref_squeeze %dma_start3A_165 : memref<1x128xi32, #tpu.memory_space<vmem>> -> memref<128xi32, #tpu.memory_space<vmem>>
        %dma_start3A_167 = arith.constant 0 : i32
        %dma_start3A_168 = arith.constant 0 : i32
        %dma_start3A_169 = tpu.memref_slice %arg7[%dma_start3A_167, %dma_start3A_168] : memref<121x128xf32, #tpu.memory_space<vmem_shared>> -> memref<121x128xf32, #tpu.memory_space<vmem_shared>>
        tpu.enqueue_indirect_dma source(%dma_start3A_169 : memref<121x128xf32, #tpu.memory_space<vmem_shared>>) target(%arg11 : memref<128x128xf32, #tpu.memory_space<vmem>>) offsets(%dma_start3A_166 : memref<128xi32, #tpu.memory_space<vmem>>) semaphore(%arg15 : memref<!tpu.dma_semaphore, #tpu.memory_space<semaphore_mem>>)
      } else {
      }
    }
    %scan3A_44 = arith.constant 8 : i32
    return
  }
}

module attributes {stable_mosaic.version = 14 : i64} {
  func.func @_tc_body(%arg0: i32, %arg1: memref<4096x128xf32, #tpu.memory_space<vmem>>, %arg2: memref<8x1x1024xi32, #tpu.memory_space<vmem>>, %arg3: memref<64x16xf32, #tpu.memory_space<vmem>>, %arg4: memref<8x64x1024xf32, #tpu.memory_space<vmem>>) attributes {dimension_semantics = [#tpu.dimension_semantics<arbitrary>], iteration_bounds = array<i64: 128>, scalar_prefetch = 0 : i64, scratch_operands = 0 : i64, tpu.core_type = #tpu.core_type<tc>, window_params = [{transform_indices = @transform_0, window_bounds = array<i64: 4096, 128>}, {transform_indices = @transform_1, window_bounds = array<i64: 8, 1, 1024>}, {pipeline_mode = #tpu.pipeline_mode<synchronous>, transform_indices = @transform_2, window_bounds = array<i64: 64, 16>}, {transform_indices = @transform_3, window_bounds = array<i64: 8, 64, 1024>}]} {
    %mul3A = arith.constant 8 : i32
    %mul3A_0 = arith.muli %arg0, %mul3A : i32
    %add3A = arith.constant 0 : i32
    %add3A_1 = arith.addi %mul3A_0, %add3A : i32
    %lt3A = arith.constant 256 : i32
    %lt3A_2 = arith.cmpi slt, %add3A_1, %lt3A : i32
    %convert_element_type3A = arith.extui %lt3A_2 : i1 to i32
    %cond3A = arith.constant 0 : i32
    %cond3A_3 = arith.cmpi ne, %convert_element_type3A, %cond3A : i32
    scf.if %cond3A_3 {
      %get3A = arith.constant 0 : index
      %get3A_138 = arith.constant 0 : index
      %get3A_139 = vector.load %arg1[%get3A, %get3A_138] : memref<4096x128xf32, #tpu.memory_space<vmem>>, vector<128x128xf32>
      %transpose3A = tpu.transpose %get3A_139, [1, 0] : vector<128x128xf32> -> vector<128x128xf32>
      %slice3A = vector.extract_strided_slice %transpose3A {offsets = [0, 0], sizes = [64, 128], strides = [1, 1]} : vector<128x128xf32> to vector<64x128xf32>
      %swap3A = arith.constant 0 : index
      %swap3A_140 = arith.constant 0 : index
      %swap3A_141 = arith.constant 0 : index
      %swap3A_142 = vector.load %arg4[%swap3A, %swap3A_140, %swap3A_141] : memref<8x64x1024xf32, #tpu.memory_space<vmem>>, vector<1x64x128xf32>
      %swap3A_143 = vector.shape_cast %swap3A_142 : vector<1x64x128xf32> to vector<64x128xf32>
      %swap3A_144 = vector.shape_cast %slice3A : vector<64x128xf32> to vector<1x64x128xf32>
      tpu.vector_store %arg4[%swap3A, %swap3A_140, %swap3A_141], %swap3A_144 {strides = array<i32>} : memref<8x64x1024xf32, #tpu.memory_space<vmem>>, vector<1x64x128xf32>,
      %slice3A_145 = vector.extract_strided_slice %transpose3A {offsets = [64, 0], sizes = [64, 128], strides = [1, 1]} : vector<128x128xf32> to vector<64x128xf32>
      %swap3A_146 = arith.constant 0 : index
      %swap3A_147 = arith.constant 0 : index
      %swap3A_148 = arith.constant 512 : index
      %swap3A_149 = vector.load %arg4[%swap3A_146, %swap3A_147, %swap3A_148] : memref<8x64x1024xf32, #tpu.memory_space<vmem>>, vector<1x64x128xf32>
      %swap3A_150 = vector.shape_cast %swap3A_149 : vector<1x64x128xf32> to vector<64x128xf32>
      %swap3A_151 = vector.shape_cast %slice3A_145 : vector<64x128xf32> to vector<1x64x128xf32>
      tpu.vector_store %arg4[%swap3A_146, %swap3A_147, %swap3A_148], %swap3A_151 {strides = array<i32>} : memref<8x64x1024xf32, #tpu.memory_space<vmem>>, vector<1x64x128xf32>,
      %get3A_152 = arith.constant 128 : index
      %get3A_153 = arith.constant 0 : index
      %get3A_154 = vector.load %arg1[%get3A_152, %get3A_153] : memref<4096x128xf32, #tpu.memory_space<vmem>>, vector<128x128xf32>
      %transpose3A_155 = tpu.transpose %get3A_154, [1, 0] : vector<128x128xf32> -> vector<128x128xf32>
      %slice3A_156 = vector.extract_strided_slice %transpose3A_155 {offsets = [0, 0], sizes = [64, 128], strides = [1, 1]} : vector<128x128xf32> to vector<64x128xf32>
      %swap3A_157 = arith.constant 0 : index
      %swap3A_158 = arith.constant 0 : index
      %swap3A_159 = arith.constant 128 : index
      %swap3A_160 = vector.load %arg4[%swap3A_157, %swap3A_158, %swap3A_159] : memref<8x64x1024xf32, #tpu.memory_space<vmem>>, vector<1x64x128xf32>
      %swap3A_161 = vector.shape_cast %swap3A_160 : vector<1x64x128xf32> to vector<64x128xf32>
      %swap3A_162 = vector.shape_cast %slice3A_156 : vector<64x128xf32> to vector<1x64x128xf32>
      tpu.vector_store %arg4[%swap3A_157, %swap3A_158, %swap3A_159], %swap3A_162 {strides = array<i32>} : memref<8x64x1024xf32, #tpu.memory_space<vmem>>, vector<1x64x128xf32>,
      %slice3A_163 = vector.extract_strided_slice %transpose3A_155 {offsets = [64, 0], sizes = [64, 128], strides = [1, 1]} : vector<128x128xf32> to vector<64x128xf32>
      %swap3A_164 = arith.constant 0 : index
      %swap3A_165 = arith.constant 0 : index
      %swap3A_166 = arith.constant 640 : index
      %swap3A_167 = vector.load %arg4[%swap3A_164, %swap3A_165, %swap3A_166] : memref<8x64x1024xf32, #tpu.memory_space<vmem>>, vector<1x64x128xf32>
      %swap3A_168 = vector.shape_cast %swap3A_167 : vector<1x64x128xf32> to vector<64x128xf32>
      %swap3A_169 = vector.shape_cast %slice3A_163 : vector<64x128xf32> to vector<1x64x128xf32>
      tpu.vector_store %arg4[%swap3A_164, %swap3A_165, %swap3A_166], %swap3A_169 {strides = array<i32>} : memref<8x64x1024xf32, #tpu.memory_space<vmem>>, vector<1x64x128xf32>,
      %get3A_170 = arith.constant 256 : index
      %get3A_171 = arith.constant 0 : index
      %get3A_172 = vector.load %arg1[%get3A_170, %get3A_171] : memref<4096x128xf32, #tpu.memory_space<vmem>>, vector<128x128xf32>
      %transpose3A_173 = tpu.transpose %get3A_172, [1, 0] : vector<128x128xf32> -> vector<128x128xf32>
      %slice3A_174 = vector.extract_strided_slice %transpose3A_173 {offsets = [0, 0], sizes = [64, 128], strides = [1, 1]} : vector<128x128xf32> to vector<64x128xf32>
      %swap3A_175 = arith.constant 0 : index
      %swap3A_176 = arith.constant 0 : index
      %swap3A_177 = arith.constant 256 : index
      %swap3A_178 = vector.load %arg4[%swap3A_175, %swap3A_176, %swap3A_177] : memref<8x64x1024xf32, #tpu.memory_space<vmem>>, vector<1x64x128xf32>
      %swap3A_179 = vector.shape_cast %swap3A_178 : vector<1x64x128xf32> to vector<64x128xf32>
      %swap3A_180 = vector.shape_cast %slice3A_174 : vector<64x128xf32> to vector<1x64x128xf32>
      tpu.vector_store %arg4[%swap3A_175, %swap3A_176, %swap3A_177], %swap3A_180 {strides = array<i32>} : memref<8x64x1024xf32, #tpu.memory_space<vmem>>, vector<1x64x128xf32>,
      %slice3A_181 = vector.extract_strided_slice %transpose3A_173 {offsets = [64, 0], sizes = [64, 128], strides = [1, 1]} : vector<128x128xf32> to vector<64x128xf32>
      %swap3A_182 = arith.constant 0 : index
      %swap3A_183 = arith.constant 0 : index
      %swap3A_184 = arith.constant 768 : index
      %swap3A_185 = vector.load %arg4[%swap3A_182, %swap3A_183, %swap3A_184] : memref<8x64x1024xf32, #tpu.memory_space<vmem>>, vector<1x64x128xf32>
      %swap3A_186 = vector.shape_cast %swap3A_185 : vector<1x64x128xf32> to vector<64x128xf32>
      %swap3A_187 = vector.shape_cast %slice3A_181 : vector<64x128xf32> to vector<1x64x128xf32>
      tpu.vector_store %arg4[%swap3A_182, %swap3A_183, %swap3A_184], %swap3A_187 {strides = array<i32>} : memref<8x64x1024xf32, #tpu.memory_space<vmem>>, vector<1x64x128xf32>,
      %get3A_188 = arith.constant 384 : index
      %get3A_189 = arith.constant 0 : index
      %get3A_190 = vector.load %arg1[%get3A_188, %get3A_189] : memref<4096x128xf32, #tpu.memory_space<vmem>>, vector<128x128xf32>
      %transpose3A_191 = tpu.transpose %get3A_190, [1, 0] : vector<128x128xf32> -> vector<128x128xf32>
      %slice3A_192 = vector.extract_strided_slice %transpose3A_191 {offsets = [0, 0], sizes = [64, 128], strides = [1, 1]} : vector<128x128xf32> to vector<64x128xf32>
      %swap3A_193 = arith.constant 0 : index
      %swap3A_194 = arith.constant 0 : index
      %swap3A_195 = arith.constant 384 : index
      %swap3A_196 = vector.load %arg4[%swap3A_193, %swap3A_194, %swap3A_195] : memref<8x64x1024xf32, #tpu.memory_space<vmem>>, vector<1x64x128xf32>
      %swap3A_197 = vector.shape_cast %swap3A_196 : vector<1x64x128xf32> to vector<64x128xf32>
      %swap3A_198 = vector.shape_cast %slice3A_192 : vector<64x128xf32> to vector<1x64x128xf32>
      tpu.vector_store %arg4[%swap3A_193, %swap3A_194, %swap3A_195], %swap3A_198 {strides = array<i32>} : memref<8x64x1024xf32, #tpu.memory_space<vmem>>, vector<1x64x128xf32>,
      %slice3A_199 = vector.extract_strided_slice %transpose3A_191 {offsets = [64, 0], sizes = [64, 128], strides = [1, 1]} : vector<128x128xf32> to vector<64x128xf32>
      %swap3A_200 = arith.constant 0 : index
      %swap3A_201 = arith.constant 0 : index
      %swap3A_202 = arith.constant 896 : index
      %swap3A_203 = vector.load %arg4[%swap3A_200, %swap3A_201, %swap3A_202] : memref<8x64x1024xf32, #tpu.memory_space<vmem>>, vector<1x64x128xf32>
      %swap3A_204 = vector.shape_cast %swap3A_203 : vector<1x64x128xf32> to vector<64x128xf32>
      %swap3A_205 = vector.shape_cast %slice3A_199 : vector<64x128xf32> to vector<1x64x128xf32>
      tpu.vector_store %arg4[%swap3A_200, %swap3A_201, %swap3A_202], %swap3A_205 {strides = array<i32>} : memref<8x64x1024xf32, #tpu.memory_space<vmem>>, vector<1x64x128xf32>,
    } else {
    }
    %mul3A_4 = arith.constant 8 : i32
    %mul3A_5 = arith.muli %arg0, %mul3A_4 : i32
    %add3A_6 = arith.constant 0 : i32
    %add3A_7 = arith.addi %mul3A_5, %add3A_6 : i32
    %ge3A = arith.constant 256 : i32
    %ge3A_8 = arith.cmpi sge, %add3A_7, %ge3A : i32
    %convert_element_type3A_9 = arith.extui %ge3A_8 : i1 to i32
    %cond3A_10 = arith.constant 0 : i32
    %cond3A_11 = arith.cmpi ne, %convert_element_type3A_9, %cond3A_10 : i32
    scf.if %cond3A_11 {
      %get3A = arith.constant 0 : index
      %get3A_138 = arith.constant 0 : index
      %get3A_139 = arith.constant 0 : index
      %get3A_140 = vector.load %arg2[%get3A, %get3A_138, %get3A_139] : memref<8x1x1024xi32, #tpu.memory_space<vmem>>, vector<1x1x1024xi32>
      %get3A_141 = vector.shape_cast %get3A_140 : vector<1x1x1024xi32> to vector<1024xi32>
      %max3A = arith.constant 0 : i32
      %max3A_142 = vector.broadcast %max3A : i32 to vector<1024xi32>
      %max3A_143 = arith.maxsi %get3A_141, %max3A_142 : vector<1024xi32>
      %min3A = arith.constant 10 : i32
      %min3A_144 = vector.broadcast %min3A : i32 to vector<1024xi32>
      %min3A_145 = arith.minsi %max3A_143, %min3A_144 : vector<1024xi32>
      %iota3A = tpu.iota {dimensions = array<i32: 0>} : vector<16x1024xi32>
      %broadcast_in_dim3A = vector.shape_cast %min3A_145 : vector<1024xi32> to vector<1x1024xi32>
      %eq3A = vector.broadcast %broadcast_in_dim3A : vector<1x1024xi32> to vector<16x1024xi32>
      %eq3A_146 = arith.cmpi eq, %iota3A, %eq3A : vector<16x1024xi32>
      %convert_element_type3A_147 = arith.extui %eq3A_146 : vector<16x1024xi1> to vector<16x1024xi32>
      %convert_element_type3A_148 = arith.sitofp %convert_element_type3A_147 : vector<16x1024xi32> to vector<16x1024xf32>
      %get3A_149 = arith.constant 0 : index
      %get3A_150 = arith.constant 0 : index
      %get3A_151 = vector.load %arg3[%get3A_149, %get3A_150] : memref<64x16xf32, #tpu.memory_space<vmem>>, vector<64x16xf32>
      %dot_general3A = arith.constant dense<0.000000e+00> : vector<64x1024xf32>
      %dot_general3A_152 = tpu.matmul %get3A_151, %convert_element_type3A_148, %dot_general3A {dimension_numbers = #tpu.dot_dimension_numbers<[1], [0], [0], [1], [0, 0, 1, 1], [], []>, precision = #tpu.contract_precision<fp32>, transpose_lhs_hint = false} : vector<64x16xf32>, vector<16x1024xf32>, vector<64x1024xf32> -> vector<64x1024xf32>
      %swap3A = arith.constant 0 : index
      %swap3A_153 = arith.constant 0 : index
      %swap3A_154 = arith.constant 0 : index
      %swap3A_155 = vector.load %arg4[%swap3A, %swap3A_153, %swap3A_154] : memref<8x64x1024xf32, #tpu.memory_space<vmem>>, vector<1x64x1024xf32>
      %swap3A_156 = vector.shape_cast %swap3A_155 : vector<1x64x1024xf32> to vector<64x1024xf32>
      %swap3A_157 = vector.shape_cast %dot_general3A_152 : vector<64x1024xf32> to vector<1x64x1024xf32>
      tpu.vector_store %arg4[%swap3A, %swap3A_153, %swap3A_154], %swap3A_157 {strides = array<i32>} : memref<8x64x1024xf32, #tpu.memory_space<vmem>>, vector<1x64x1024xf32>,
    } else {
    }
    %mul3A_12 = arith.constant 8 : i32
    %mul3A_13 = arith.muli %arg0, %mul3A_12 : i32
    %add3A_14 = arith.constant 1 : i32
    %add3A_15 = arith.addi %mul3A_13, %add3A_14 : i32
    %lt3A_16 = arith.constant 256 : i32
    %lt3A_17 = arith.cmpi slt, %add3A_15, %lt3A_16 : i32
    %convert_element_type3A_18 = arith.extui %lt3A_17 : i1 to i32
    %cond3A_19 = arith.constant 0 : i32
    %cond3A_20 = arith.cmpi ne, %convert_element_type3A_18, %cond3A_19 : i32
    scf.if %cond3A_20 {
      %get3A = arith.constant 512 : index
      %get3A_138 = arith.constant 0 : index
      %get3A_139 = vector.load %arg1[%get3A, %get3A_138] : memref<4096x128xf32, #tpu.memory_space<vmem>>, vector<128x128xf32>
      %transpose3A = tpu.transpose %get3A_139, [1, 0] : vector<128x128xf32> -> vector<128x128xf32>
      %slice3A = vector.extract_strided_slice %transpose3A {offsets = [0, 0], sizes = [64, 128], strides = [1, 1]} : vector<128x128xf32> to vector<64x128xf32>
      %swap3A = arith.constant 1 : index
      %swap3A_140 = arith.constant 0 : index
      %swap3A_141 = arith.constant 0 : index
      %swap3A_142 = vector.load %arg4[%swap3A, %swap3A_140, %swap3A_141] : memref<8x64x1024xf32, #tpu.memory_space<vmem>>, vector<1x64x128xf32>
      %swap3A_143 = vector.shape_cast %swap3A_142 : vector<1x64x128xf32> to vector<64x128xf32>
      %swap3A_144 = vector.shape_cast %slice3A : vector<64x128xf32> to vector<1x64x128xf32>
      tpu.vector_store %arg4[%swap3A, %swap3A_140, %swap3A_141], %swap3A_144 {strides = array<i32>} : memref<8x64x1024xf32, #tpu.memory_space<vmem>>, vector<1x64x128xf32>,
      %slice3A_145 = vector.extract_strided_slice %transpose3A {offsets = [64, 0], sizes = [64, 128], strides = [1, 1]} : vector<128x128xf32> to vector<64x128xf32>
      %swap3A_146 = arith.constant 1 : index
      %swap3A_147 = arith.constant 0 : index
      %swap3A_148 = arith.constant 512 : index
      %swap3A_149 = vector.load %arg4[%swap3A_146, %swap3A_147, %swap3A_148] : memref<8x64x1024xf32, #tpu.memory_space<vmem>>, vector<1x64x128xf32>
      %swap3A_150 = vector.shape_cast %swap3A_149 : vector<1x64x128xf32> to vector<64x128xf32>
      %swap3A_151 = vector.shape_cast %slice3A_145 : vector<64x128xf32> to vector<1x64x128xf32>
      tpu.vector_store %arg4[%swap3A_146, %swap3A_147, %swap3A_148], %swap3A_151 {strides = array<i32>} : memref<8x64x1024xf32, #tpu.memory_space<vmem>>, vector<1x64x128xf32>,
      %get3A_152 = arith.constant 640 : index
      %get3A_153 = arith.constant 0 : index
      %get3A_154 = vector.load %arg1[%get3A_152, %get3A_153] : memref<4096x128xf32, #tpu.memory_space<vmem>>, vector<128x128xf32>
      %transpose3A_155 = tpu.transpose %get3A_154, [1, 0] : vector<128x128xf32> -> vector<128x128xf32>
      %slice3A_156 = vector.extract_strided_slice %transpose3A_155 {offsets = [0, 0], sizes = [64, 128], strides = [1, 1]} : vector<128x128xf32> to vector<64x128xf32>
      %swap3A_157 = arith.constant 1 : index
      %swap3A_158 = arith.constant 0 : index
      %swap3A_159 = arith.constant 128 : index
      %swap3A_160 = vector.load %arg4[%swap3A_157, %swap3A_158, %swap3A_159] : memref<8x64x1024xf32, #tpu.memory_space<vmem>>, vector<1x64x128xf32>
      %swap3A_161 = vector.shape_cast %swap3A_160 : vector<1x64x128xf32> to vector<64x128xf32>
      %swap3A_162 = vector.shape_cast %slice3A_156 : vector<64x128xf32> to vector<1x64x128xf32>
      tpu.vector_store %arg4[%swap3A_157, %swap3A_158, %swap3A_159], %swap3A_162 {strides = array<i32>} : memref<8x64x1024xf32, #tpu.memory_space<vmem>>, vector<1x64x128xf32>,
      %slice3A_163 = vector.extract_strided_slice %transpose3A_155 {offsets = [64, 0], sizes = [64, 128], strides = [1, 1]} : vector<128x128xf32> to vector<64x128xf32>
      %swap3A_164 = arith.constant 1 : index
      %swap3A_165 = arith.constant 0 : index
      %swap3A_166 = arith.constant 640 : index
      %swap3A_167 = vector.load %arg4[%swap3A_164, %swap3A_165, %swap3A_166] : memref<8x64x1024xf32, #tpu.memory_space<vmem>>, vector<1x64x128xf32>
      %swap3A_168 = vector.shape_cast %swap3A_167 : vector<1x64x128xf32> to vector<64x128xf32>
      %swap3A_169 = vector.shape_cast %slice3A_163 : vector<64x128xf32> to vector<1x64x128xf32>
      tpu.vector_store %arg4[%swap3A_164, %swap3A_165, %swap3A_166], %swap3A_169 {strides = array<i32>} : memref<8x64x1024xf32, #tpu.memory_space<vmem>>, vector<1x64x128xf32>,
      %get3A_170 = arith.constant 768 : index
      %get3A_171 = arith.constant 0 : index
      %get3A_172 = vector.load %arg1[%get3A_170, %get3A_171] : memref<4096x128xf32, #tpu.memory_space<vmem>>, vector<128x128xf32>
      %transpose3A_173 = tpu.transpose %get3A_172, [1, 0] : vector<128x128xf32> -> vector<128x128xf32>
      %slice3A_174 = vector.extract_strided_slice %transpose3A_173 {offsets = [0, 0], sizes = [64, 128], strides = [1, 1]} : vector<128x128xf32> to vector<64x128xf32>
      %swap3A_175 = arith.constant 1 : index
      %swap3A_176 = arith.constant 0 : index
      %swap3A_177 = arith.constant 256 : index
      %swap3A_178 = vector.load %arg4[%swap3A_175, %swap3A_176, %swap3A_177] : memref<8x64x1024xf32, #tpu.memory_space<vmem>>, vector<1x64x128xf32>
      %swap3A_179 = vector.shape_cast %swap3A_178 : vector<1x64x128xf32> to vector<64x128xf32>
      %swap3A_180 = vector.shape_cast %slice3A_174 : vector<64x128xf32> to vector<1x64x128xf32>
      tpu.vector_store %arg4[%swap3A_175, %swap3A_176, %swap3A_177], %swap3A_180 {strides = array<i32>} : memref<8x64x1024xf32, #tpu.memory_space<vmem>>, vector<1x64x128xf32>,
      %slice3A_181 = vector.extract_strided_slice %transpose3A_173 {offsets = [64, 0], sizes = [64, 128], strides = [1, 1]} : vector<128x128xf32> to vector<64x128xf32>
      %swap3A_182 = arith.constant 1 : index
      %swap3A_183 = arith.constant 0 : index
      %swap3A_184 = arith.constant 768 : index
      %swap3A_185 = vector.load %arg4[%swap3A_182, %swap3A_183, %swap3A_184] : memref<8x64x1024xf32, #tpu.memory_space<vmem>>, vector<1x64x128xf32>
      %swap3A_186 = vector.shape_cast %swap3A_185 : vector<1x64x128xf32> to vector<64x128xf32>
      %swap3A_187 = vector.shape_cast %slice3A_181 : vector<64x128xf32> to vector<1x64x128xf32>
      tpu.vector_store %arg4[%swap3A_182, %swap3A_183, %swap3A_184], %swap3A_187 {strides = array<i32>} : memref<8x64x1024xf32, #tpu.memory_space<vmem>>, vector<1x64x128xf32>,
      %get3A_188 = arith.constant 896 : index
      %get3A_189 = arith.constant 0 : index
      %get3A_190 = vector.load %arg1[%get3A_188, %get3A_189] : memref<4096x128xf32, #tpu.memory_space<vmem>>, vector<128x128xf32>
      %transpose3A_191 = tpu.transpose %get3A_190, [1, 0] : vector<128x128xf32> -> vector<128x128xf32>
      %slice3A_192 = vector.extract_strided_slice %transpose3A_191 {offsets = [0, 0], sizes = [64, 128], strides = [1, 1]} : vector<128x128xf32> to vector<64x128xf32>
      %swap3A_193 = arith.constant 1 : index
      %swap3A_194 = arith.constant 0 : index
      %swap3A_195 = arith.constant 384 : index
      %swap3A_196 = vector.load %arg4[%swap3A_193, %swap3A_194, %swap3A_195] : memref<8x64x1024xf32, #tpu.memory_space<vmem>>, vector<1x64x128xf32>
      %swap3A_197 = vector.shape_cast %swap3A_196 : vector<1x64x128xf32> to vector<64x128xf32>
      %swap3A_198 = vector.shape_cast %slice3A_192 : vector<64x128xf32> to vector<1x64x128xf32>
      tpu.vector_store %arg4[%swap3A_193, %swap3A_194, %swap3A_195], %swap3A_198 {strides = array<i32>} : memref<8x64x1024xf32, #tpu.memory_space<vmem>>, vector<1x64x128xf32>,
      %slice3A_199 = vector.extract_strided_slice %transpose3A_191 {offsets = [64, 0], sizes = [64, 128], strides = [1, 1]} : vector<128x128xf32> to vector<64x128xf32>
      %swap3A_200 = arith.constant 1 : index
      %swap3A_201 = arith.constant 0 : index
      %swap3A_202 = arith.constant 896 : index
      %swap3A_203 = vector.load %arg4[%swap3A_200, %swap3A_201, %swap3A_202] : memref<8x64x1024xf32, #tpu.memory_space<vmem>>, vector<1x64x128xf32>
      %swap3A_204 = vector.shape_cast %swap3A_203 : vector<1x64x128xf32> to vector<64x128xf32>
      %swap3A_205 = vector.shape_cast %slice3A_199 : vector<64x128xf32> to vector<1x64x128xf32>
      tpu.vector_store %arg4[%swap3A_200, %swap3A_201, %swap3A_202], %swap3A_205 {strides = array<i32>} : memref<8x64x1024xf32, #tpu.memory_space<vmem>>, vector<1x64x128xf32>,
    } else {
    }
    %mul3A_21 = arith.constant 8 : i32
    %mul3A_22 = arith.muli %arg0, %mul3A_21 : i32
    %add3A_23 = arith.constant 1 : i32
    %add3A_24 = arith.addi %mul3A_22, %add3A_23 : i32
    %ge3A_25 = arith.constant 256 : i32
    %ge3A_26 = arith.cmpi sge, %add3A_24, %ge3A_25 : i32
    %convert_element_type3A_27 = arith.extui %ge3A_26 : i1 to i32
    %cond3A_28 = arith.constant 0 : i32
    %cond3A_29 = arith.cmpi ne, %convert_element_type3A_27, %cond3A_28 : i32
    scf.if %cond3A_29 {
      %get3A = arith.constant 1 : index
      %get3A_138 = arith.constant 0 : index
      %get3A_139 = arith.constant 0 : index
      %get3A_140 = vector.load %arg2[%get3A, %get3A_138, %get3A_139] : memref<8x1x1024xi32, #tpu.memory_space<vmem>>, vector<1x1x1024xi32>
      %get3A_141 = vector.shape_cast %get3A_140 : vector<1x1x1024xi32> to vector<1024xi32>
      %max3A = arith.constant 0 : i32
      %max3A_142 = vector.broadcast %max3A : i32 to vector<1024xi32>
      %max3A_143 = arith.maxsi %get3A_141, %max3A_142 : vector<1024xi32>
      %min3A = arith.constant 10 : i32
      %min3A_144 = vector.broadcast %min3A : i32 to vector<1024xi32>
      %min3A_145 = arith.minsi %max3A_143, %min3A_144 : vector<1024xi32>
      %iota3A = tpu.iota {dimensions = array<i32: 0>} : vector<16x1024xi32>
      %broadcast_in_dim3A = vector.shape_cast %min3A_145 : vector<1024xi32> to vector<1x1024xi32>
      %eq3A = vector.broadcast %broadcast_in_dim3A : vector<1x1024xi32> to vector<16x1024xi32>
      %eq3A_146 = arith.cmpi eq, %iota3A, %eq3A : vector<16x1024xi32>
      %convert_element_type3A_147 = arith.extui %eq3A_146 : vector<16x1024xi1> to vector<16x1024xi32>
      %convert_element_type3A_148 = arith.sitofp %convert_element_type3A_147 : vector<16x1024xi32> to vector<16x1024xf32>
      %get3A_149 = arith.constant 0 : index
      %get3A_150 = arith.constant 0 : index
      %get3A_151 = vector.load %arg3[%get3A_149, %get3A_150] : memref<64x16xf32, #tpu.memory_space<vmem>>, vector<64x16xf32>
      %dot_general3A = arith.constant dense<0.000000e+00> : vector<64x1024xf32>
      %dot_general3A_152 = tpu.matmul %get3A_151, %convert_element_type3A_148, %dot_general3A {dimension_numbers = #tpu.dot_dimension_numbers<[1], [0], [0], [1], [0, 0, 1, 1], [], []>, precision = #tpu.contract_precision<fp32>, transpose_lhs_hint = false} : vector<64x16xf32>, vector<16x1024xf32>, vector<64x1024xf32> -> vector<64x1024xf32>
      %swap3A = arith.constant 1 : index
      %swap3A_153 = arith.constant 0 : index
      %swap3A_154 = arith.constant 0 : index
      %swap3A_155 = vector.load %arg4[%swap3A, %swap3A_153, %swap3A_154] : memref<8x64x1024xf32, #tpu.memory_space<vmem>>, vector<1x64x1024xf32>
      %swap3A_156 = vector.shape_cast %swap3A_155 : vector<1x64x1024xf32> to vector<64x1024xf32>
      %swap3A_157 = vector.shape_cast %dot_general3A_152 : vector<64x1024xf32> to vector<1x64x1024xf32>
      tpu.vector_store %arg4[%swap3A, %swap3A_153, %swap3A_154], %swap3A_157 {strides = array<i32>} : memref<8x64x1024xf32, #tpu.memory_space<vmem>>, vector<1x64x1024xf32>,
    } else {
    }
    %mul3A_30 = arith.constant 8 : i32
    %mul3A_31 = arith.muli %arg0, %mul3A_30 : i32
    %add3A_32 = arith.constant 2 : i32
    %add3A_33 = arith.addi %mul3A_31, %add3A_32 : i32
    %lt3A_34 = arith.constant 256 : i32
    %lt3A_35 = arith.cmpi slt, %add3A_33, %lt3A_34 : i32
    %convert_element_type3A_36 = arith.extui %lt3A_35 : i1 to i32
    %cond3A_37 = arith.constant 0 : i32
    %cond3A_38 = arith.cmpi ne, %convert_element_type3A_36, %cond3A_37 : i32
    scf.if %cond3A_38 {
      %get3A = arith.constant 1024 : index
      %get3A_138 = arith.constant 0 : index
      %get3A_139 = vector.load %arg1[%get3A, %get3A_138] : memref<4096x128xf32, #tpu.memory_space<vmem>>, vector<128x128xf32>
      %transpose3A = tpu.transpose %get3A_139, [1, 0] : vector<128x128xf32> -> vector<128x128xf32>
      %slice3A = vector.extract_strided_slice %transpose3A {offsets = [0, 0], sizes = [64, 128], strides = [1, 1]} : vector<128x128xf32> to vector<64x128xf32>
      %swap3A = arith.constant 2 : index
      %swap3A_140 = arith.constant 0 : index
      %swap3A_141 = arith.constant 0 : index
      %swap3A_142 = vector.load %arg4[%swap3A, %swap3A_140, %swap3A_141] : memref<8x64x1024xf32, #tpu.memory_space<vmem>>, vector<1x64x128xf32>
      %swap3A_143 = vector.shape_cast %swap3A_142 : vector<1x64x128xf32> to vector<64x128xf32>
      %swap3A_144 = vector.shape_cast %slice3A : vector<64x128xf32> to vector<1x64x128xf32>
      tpu.vector_store %arg4[%swap3A, %swap3A_140, %swap3A_141], %swap3A_144 {strides = array<i32>} : memref<8x64x1024xf32, #tpu.memory_space<vmem>>, vector<1x64x128xf32>,
      %slice3A_145 = vector.extract_strided_slice %transpose3A {offsets = [64, 0], sizes = [64, 128], strides = [1, 1]} : vector<128x128xf32> to vector<64x128xf32>
      %swap3A_146 = arith.constant 2 : index
      %swap3A_147 = arith.constant 0 : index
      %swap3A_148 = arith.constant 512 : index
      %swap3A_149 = vector.load %arg4[%swap3A_146, %swap3A_147, %swap3A_148] : memref<8x64x1024xf32, #tpu.memory_space<vmem>>, vector<1x64x128xf32>
      %swap3A_150 = vector.shape_cast %swap3A_149 : vector<1x64x128xf32> to vector<64x128xf32>
      %swap3A_151 = vector.shape_cast %slice3A_145 : vector<64x128xf32> to vector<1x64x128xf32>
      tpu.vector_store %arg4[%swap3A_146, %swap3A_147, %swap3A_148], %swap3A_151 {strides = array<i32>} : memref<8x64x1024xf32, #tpu.memory_space<vmem>>, vector<1x64x128xf32>,
      %get3A_152 = arith.constant 1152 : index
      %get3A_153 = arith.constant 0 : index
      %get3A_154 = vector.load %arg1[%get3A_152, %get3A_153] : memref<4096x128xf32, #tpu.memory_space<vmem>>, vector<128x128xf32>
      %transpose3A_155 = tpu.transpose %get3A_154, [1, 0] : vector<128x128xf32> -> vector<128x128xf32>
      %slice3A_156 = vector.extract_strided_slice %transpose3A_155 {offsets = [0, 0], sizes = [64, 128], strides = [1, 1]} : vector<128x128xf32> to vector<64x128xf32>
      %swap3A_157 = arith.constant 2 : index
      %swap3A_158 = arith.constant 0 : index
      %swap3A_159 = arith.constant 128 : index
      %swap3A_160 = vector.load %arg4[%swap3A_157, %swap3A_158, %swap3A_159] : memref<8x64x1024xf32, #tpu.memory_space<vmem>>, vector<1x64x128xf32>
      %swap3A_161 = vector.shape_cast %swap3A_160 : vector<1x64x128xf32> to vector<64x128xf32>
      %swap3A_162 = vector.shape_cast %slice3A_156 : vector<64x128xf32> to vector<1x64x128xf32>
      tpu.vector_store %arg4[%swap3A_157, %swap3A_158, %swap3A_159], %swap3A_162 {strides = array<i32>} : memref<8x64x1024xf32, #tpu.memory_space<vmem>>, vector<1x64x128xf32>,
      %slice3A_163 = vector.extract_strided_slice %transpose3A_155 {offsets = [64, 0], sizes = [64, 128], strides = [1, 1]} : vector<128x128xf32> to vector<64x128xf32>
      %swap3A_164 = arith.constant 2 : index
      %swap3A_165 = arith.constant 0 : index
      %swap3A_166 = arith.constant 640 : index
      %swap3A_167 = vector.load %arg4[%swap3A_164, %swap3A_165, %swap3A_166] : memref<8x64x1024xf32, #tpu.memory_space<vmem>>, vector<1x64x128xf32>
      %swap3A_168 = vector.shape_cast %swap3A_167 : vector<1x64x128xf32> to vector<64x128xf32>
      %swap3A_169 = vector.shape_cast %slice3A_163 : vector<64x128xf32> to vector<1x64x128xf32>
      tpu.vector_store %arg4[%swap3A_164, %swap3A_165, %swap3A_166], %swap3A_169 {strides = array<i32>} : memref<8x64x1024xf32, #tpu.memory_space<vmem>>, vector<1x64x128xf32>,
      %get3A_170 = arith.constant 1280 : index
      %get3A_171 = arith.constant 0 : index
      %get3A_172 = vector.load %arg1[%get3A_170, %get3A_171] : memref<4096x128xf32, #tpu.memory_space<vmem>>, vector<128x128xf32>
      %transpose3A_173 = tpu.transpose %get3A_172, [1, 0] : vector<128x128xf32> -> vector<128x128xf32>
      %slice3A_174 = vector.extract_strided_slice %transpose3A_173 {offsets = [0, 0], sizes = [64, 128], strides = [1, 1]} : vector<128x128xf32> to vector<64x128xf32>
      %swap3A_175 = arith.constant 2 : index
      %swap3A_176 = arith.constant 0 : index
      %swap3A_177 = arith.constant 256 : index
      %swap3A_178 = vector.load %arg4[%swap3A_175, %swap3A_176, %swap3A_177] : memref<8x64x1024xf32, #tpu.memory_space<vmem>>, vector<1x64x128xf32>
      %swap3A_179 = vector.shape_cast %swap3A_178 : vector<1x64x128xf32> to vector<64x128xf32>
      %swap3A_180 = vector.shape_cast %slice3A_174 : vector<64x128xf32> to vector<1x64x128xf32>
      tpu.vector_store %arg4[%swap3A_175, %swap3A_176, %swap3A_177], %swap3A_180 {strides = array<i32>} : memref<8x64x1024xf32, #tpu.memory_space<vmem>>, vector<1x64x128xf32>,
      %slice3A_181 = vector.extract_strided_slice %transpose3A_173 {offsets = [64, 0], sizes = [64, 128], strides = [1, 1]} : vector<128x128xf32> to vector<64x128xf32>
      %swap3A_182 = arith.constant 2 : index
      %swap3A_183 = arith.constant 0 : index
      %swap3A_184 = arith.constant 768 : index
      %swap3A_185 = vector.load %arg4[%swap3A_182, %swap3A_183, %swap3A_184] : memref<8x64x1024xf32, #tpu.memory_space<vmem>>, vector<1x64x128xf32>
      %swap3A_186 = vector.shape_cast %swap3A_185 : vector<1x64x128xf32> to vector<64x128xf32>
      %swap3A_187 = vector.shape_cast %slice3A_181 : vector<64x128xf32> to vector<1x64x128xf32>
      tpu.vector_store %arg4[%swap3A_182, %swap3A_183, %swap3A_184], %swap3A_187 {strides = array<i32>} : memref<8x64x1024xf32, #tpu.memory_space<vmem>>, vector<1x64x128xf32>,
      %get3A_188 = arith.constant 1408 : index
      %get3A_189 = arith.constant 0 : index
      %get3A_190 = vector.load %arg1[%get3A_188, %get3A_189] : memref<4096x128xf32, #tpu.memory_space<vmem>>, vector<128x128xf32>
      %transpose3A_191 = tpu.transpose %get3A_190, [1, 0] : vector<128x128xf32> -> vector<128x128xf32>
      %slice3A_192 = vector.extract_strided_slice %transpose3A_191 {offsets = [0, 0], sizes = [64, 128], strides = [1, 1]} : vector<128x128xf32> to vector<64x128xf32>
      %swap3A_193 = arith.constant 2 : index
      %swap3A_194 = arith.constant 0 : index
      %swap3A_195 = arith.constant 384 : index
      %swap3A_196 = vector.load %arg4[%swap3A_193, %swap3A_194, %swap3A_195] : memref<8x64x1024xf32, #tpu.memory_space<vmem>>, vector<1x64x128xf32>
      %swap3A_197 = vector.shape_cast %swap3A_196 : vector<1x64x128xf32> to vector<64x128xf32>
      %swap3A_198 = vector.shape_cast %slice3A_192 : vector<64x128xf32> to vector<1x64x128xf32>
      tpu.vector_store %arg4[%swap3A_193, %swap3A_194, %swap3A_195], %swap3A_198 {strides = array<i32>} : memref<8x64x1024xf32, #tpu.memory_space<vmem>>, vector<1x64x128xf32>,
      %slice3A_199 = vector.extract_strided_slice %transpose3A_191 {offsets = [64, 0], sizes = [64, 128], strides = [1, 1]} : vector<128x128xf32> to vector<64x128xf32>
      %swap3A_200 = arith.constant 2 : index
      %swap3A_201 = arith.constant 0 : index
      %swap3A_202 = arith.constant 896 : index
      %swap3A_203 = vector.load %arg4[%swap3A_200, %swap3A_201, %swap3A_202] : memref<8x64x1024xf32, #tpu.memory_space<vmem>>, vector<1x64x128xf32>
      %swap3A_204 = vector.shape_cast %swap3A_203 : vector<1x64x128xf32> to vector<64x128xf32>
      %swap3A_205 = vector.shape_cast %slice3A_199 : vector<64x128xf32> to vector<1x64x128xf32>
      tpu.vector_store %arg4[%swap3A_200, %swap3A_201, %swap3A_202], %swap3A_205 {strides = array<i32>} : memref<8x64x1024xf32, #tpu.memory_space<vmem>>, vector<1x64x128xf32>,
    } else {
    }
    %mul3A_39 = arith.constant 8 : i32
    %mul3A_40 = arith.muli %arg0, %mul3A_39 : i32
    %add3A_41 = arith.constant 2 : i32
    %add3A_42 = arith.addi %mul3A_40, %add3A_41 : i32
    %ge3A_43 = arith.constant 256 : i32
    %ge3A_44 = arith.cmpi sge, %add3A_42, %ge3A_43 : i32
    %convert_element_type3A_45 = arith.extui %ge3A_44 : i1 to i32
    %cond3A_46 = arith.constant 0 : i32
    %cond3A_47 = arith.cmpi ne, %convert_element_type3A_45, %cond3A_46 : i32
    scf.if %cond3A_47 {
      %get3A = arith.constant 2 : index
      %get3A_138 = arith.constant 0 : index
      %get3A_139 = arith.constant 0 : index
      %get3A_140 = vector.load %arg2[%get3A, %get3A_138, %get3A_139] : memref<8x1x1024xi32, #tpu.memory_space<vmem>>, vector<1x1x1024xi32>
      %get3A_141 = vector.shape_cast %get3A_140 : vector<1x1x1024xi32> to vector<1024xi32>
      %max3A = arith.constant 0 : i32
      %max3A_142 = vector.broadcast %max3A : i32 to vector<1024xi32>
      %max3A_143 = arith.maxsi %get3A_141, %max3A_142 : vector<1024xi32>
      %min3A = arith.constant 10 : i32
      %min3A_144 = vector.broadcast %min3A : i32 to vector<1024xi32>
      %min3A_145 = arith.minsi %max3A_143, %min3A_144 : vector<1024xi32>
      %iota3A = tpu.iota {dimensions = array<i32: 0>} : vector<16x1024xi32>
      %broadcast_in_dim3A = vector.shape_cast %min3A_145 : vector<1024xi32> to vector<1x1024xi32>
      %eq3A = vector.broadcast %broadcast_in_dim3A : vector<1x1024xi32> to vector<16x1024xi32>
      %eq3A_146 = arith.cmpi eq, %iota3A, %eq3A : vector<16x1024xi32>
      %convert_element_type3A_147 = arith.extui %eq3A_146 : vector<16x1024xi1> to vector<16x1024xi32>
      %convert_element_type3A_148 = arith.sitofp %convert_element_type3A_147 : vector<16x1024xi32> to vector<16x1024xf32>
      %get3A_149 = arith.constant 0 : index
      %get3A_150 = arith.constant 0 : index
      %get3A_151 = vector.load %arg3[%get3A_149, %get3A_150] : memref<64x16xf32, #tpu.memory_space<vmem>>, vector<64x16xf32>
      %dot_general3A = arith.constant dense<0.000000e+00> : vector<64x1024xf32>
      %dot_general3A_152 = tpu.matmul %get3A_151, %convert_element_type3A_148, %dot_general3A {dimension_numbers = #tpu.dot_dimension_numbers<[1], [0], [0], [1], [0, 0, 1, 1], [], []>, precision = #tpu.contract_precision<fp32>, transpose_lhs_hint = false} : vector<64x16xf32>, vector<16x1024xf32>, vector<64x1024xf32> -> vector<64x1024xf32>
      %swap3A = arith.constant 2 : index
      %swap3A_153 = arith.constant 0 : index
      %swap3A_154 = arith.constant 0 : index
      %swap3A_155 = vector.load %arg4[%swap3A, %swap3A_153, %swap3A_154] : memref<8x64x1024xf32, #tpu.memory_space<vmem>>, vector<1x64x1024xf32>
      %swap3A_156 = vector.shape_cast %swap3A_155 : vector<1x64x1024xf32> to vector<64x1024xf32>
      %swap3A_157 = vector.shape_cast %dot_general3A_152 : vector<64x1024xf32> to vector<1x64x1024xf32>
      tpu.vector_store %arg4[%swap3A, %swap3A_153, %swap3A_154], %swap3A_157 {strides = array<i32>} : memref<8x64x1024xf32, #tpu.memory_space<vmem>>, vector<1x64x1024xf32>,
    } else {
    }
    %mul3A_48 = arith.constant 8 : i32
    %mul3A_49 = arith.muli %arg0, %mul3A_48 : i32
    %add3A_50 = arith.constant 3 : i32
    %add3A_51 = arith.addi %mul3A_49, %add3A_50 : i32
    %lt3A_52 = arith.constant 256 : i32
    %lt3A_53 = arith.cmpi slt, %add3A_51, %lt3A_52 : i32
    %convert_element_type3A_54 = arith.extui %lt3A_53 : i1 to i32
    %cond3A_55 = arith.constant 0 : i32
    %cond3A_56 = arith.cmpi ne, %convert_element_type3A_54, %cond3A_55 : i32
    scf.if %cond3A_56 {
      %get3A = arith.constant 1536 : index
      %get3A_138 = arith.constant 0 : index
      %get3A_139 = vector.load %arg1[%get3A, %get3A_138] : memref<4096x128xf32, #tpu.memory_space<vmem>>, vector<128x128xf32>
      %transpose3A = tpu.transpose %get3A_139, [1, 0] : vector<128x128xf32> -> vector<128x128xf32>
      %slice3A = vector.extract_strided_slice %transpose3A {offsets = [0, 0], sizes = [64, 128], strides = [1, 1]} : vector<128x128xf32> to vector<64x128xf32>
      %swap3A = arith.constant 3 : index
      %swap3A_140 = arith.constant 0 : index
      %swap3A_141 = arith.constant 0 : index
      %swap3A_142 = vector.load %arg4[%swap3A, %swap3A_140, %swap3A_141] : memref<8x64x1024xf32, #tpu.memory_space<vmem>>, vector<1x64x128xf32>
      %swap3A_143 = vector.shape_cast %swap3A_142 : vector<1x64x128xf32> to vector<64x128xf32>
      %swap3A_144 = vector.shape_cast %slice3A : vector<64x128xf32> to vector<1x64x128xf32>
      tpu.vector_store %arg4[%swap3A, %swap3A_140, %swap3A_141], %swap3A_144 {strides = array<i32>} : memref<8x64x1024xf32, #tpu.memory_space<vmem>>, vector<1x64x128xf32>,
      %slice3A_145 = vector.extract_strided_slice %transpose3A {offsets = [64, 0], sizes = [64, 128], strides = [1, 1]} : vector<128x128xf32> to vector<64x128xf32>
      %swap3A_146 = arith.constant 3 : index
      %swap3A_147 = arith.constant 0 : index
      %swap3A_148 = arith.constant 512 : index
      %swap3A_149 = vector.load %arg4[%swap3A_146, %swap3A_147, %swap3A_148] : memref<8x64x1024xf32, #tpu.memory_space<vmem>>, vector<1x64x128xf32>
      %swap3A_150 = vector.shape_cast %swap3A_149 : vector<1x64x128xf32> to vector<64x128xf32>
      %swap3A_151 = vector.shape_cast %slice3A_145 : vector<64x128xf32> to vector<1x64x128xf32>
      tpu.vector_store %arg4[%swap3A_146, %swap3A_147, %swap3A_148], %swap3A_151 {strides = array<i32>} : memref<8x64x1024xf32, #tpu.memory_space<vmem>>, vector<1x64x128xf32>,
      %get3A_152 = arith.constant 1664 : index
      %get3A_153 = arith.constant 0 : index
      %get3A_154 = vector.load %arg1[%get3A_152, %get3A_153] : memref<4096x128xf32, #tpu.memory_space<vmem>>, vector<128x128xf32>
      %transpose3A_155 = tpu.transpose %get3A_154, [1, 0] : vector<128x128xf32> -> vector<128x128xf32>
      %slice3A_156 = vector.extract_strided_slice %transpose3A_155 {offsets = [0, 0], sizes = [64, 128], strides = [1, 1]} : vector<128x128xf32> to vector<64x128xf32>
      %swap3A_157 = arith.constant 3 : index
      %swap3A_158 = arith.constant 0 : index
      %swap3A_159 = arith.constant 128 : index
      %swap3A_160 = vector.load %arg4[%swap3A_157, %swap3A_158, %swap3A_159] : memref<8x64x1024xf32, #tpu.memory_space<vmem>>, vector<1x64x128xf32>
      %swap3A_161 = vector.shape_cast %swap3A_160 : vector<1x64x128xf32> to vector<64x128xf32>
      %swap3A_162 = vector.shape_cast %slice3A_156 : vector<64x128xf32> to vector<1x64x128xf32>
      tpu.vector_store %arg4[%swap3A_157, %swap3A_158, %swap3A_159], %swap3A_162 {strides = array<i32>} : memref<8x64x1024xf32, #tpu.memory_space<vmem>>, vector<1x64x128xf32>,
      %slice3A_163 = vector.extract_strided_slice %transpose3A_155 {offsets = [64, 0], sizes = [64, 128], strides = [1, 1]} : vector<128x128xf32> to vector<64x128xf32>
      %swap3A_164 = arith.constant 3 : index
      %swap3A_165 = arith.constant 0 : index
      %swap3A_166 = arith.constant 640 : index
      %swap3A_167 = vector.load %arg4[%swap3A_164, %swap3A_165, %swap3A_166] : memref<8x64x1024xf32, #tpu.memory_space<vmem>>, vector<1x64x128xf32>
      %swap3A_168 = vector.shape_cast %swap3A_167 : vector<1x64x128xf32> to vector<64x128xf32>
      %swap3A_169 = vector.shape_cast %slice3A_163 : vector<64x128xf32> to vector<1x64x128xf32>
      tpu.vector_store %arg4[%swap3A_164, %swap3A_165, %swap3A_166], %swap3A_169 {strides = array<i32>} : memref<8x64x1024xf32, #tpu.memory_space<vmem>>, vector<1x64x128xf32>,
      %get3A_170 = arith.constant 1792 : index
      %get3A_171 = arith.constant 0 : index
      %get3A_172 = vector.load %arg1[%get3A_170, %get3A_171] : memref<4096x128xf32, #tpu.memory_space<vmem>>, vector<128x128xf32>
      %transpose3A_173 = tpu.transpose %get3A_172, [1, 0] : vector<128x128xf32> -> vector<128x128xf32>
      %slice3A_174 = vector.extract_strided_slice %transpose3A_173 {offsets = [0, 0], sizes = [64, 128], strides = [1, 1]} : vector<128x128xf32> to vector<64x128xf32>
      %swap3A_175 = arith.constant 3 : index
      %swap3A_176 = arith.constant 0 : index
      %swap3A_177 = arith.constant 256 : index
      %swap3A_178 = vector.load %arg4[%swap3A_175, %swap3A_176, %swap3A_177] : memref<8x64x1024xf32, #tpu.memory_space<vmem>>, vector<1x64x128xf32>
      %swap3A_179 = vector.shape_cast %swap3A_178 : vector<1x64x128xf32> to vector<64x128xf32>
      %swap3A_180 = vector.shape_cast %slice3A_174 : vector<64x128xf32> to vector<1x64x128xf32>
      tpu.vector_store %arg4[%swap3A_175, %swap3A_176, %swap3A_177], %swap3A_180 {strides = array<i32>} : memref<8x64x1024xf32, #tpu.memory_space<vmem>>, vector<1x64x128xf32>,
      %slice3A_181 = vector.extract_strided_slice %transpose3A_173 {offsets = [64, 0], sizes = [64, 128], strides = [1, 1]} : vector<128x128xf32> to vector<64x128xf32>
      %swap3A_182 = arith.constant 3 : index
      %swap3A_183 = arith.constant 0 : index
      %swap3A_184 = arith.constant 768 : index
      %swap3A_185 = vector.load %arg4[%swap3A_182, %swap3A_183, %swap3A_184] : memref<8x64x1024xf32, #tpu.memory_space<vmem>>, vector<1x64x128xf32>
      %swap3A_186 = vector.shape_cast %swap3A_185 : vector<1x64x128xf32> to vector<64x128xf32>
      %swap3A_187 = vector.shape_cast %slice3A_181 : vector<64x128xf32> to vector<1x64x128xf32>
      tpu.vector_store %arg4[%swap3A_182, %swap3A_183, %swap3A_184], %swap3A_187 {strides = array<i32>} : memref<8x64x1024xf32, #tpu.memory_space<vmem>>, vector<1x64x128xf32>,
      %get3A_188 = arith.constant 1920 : index
      %get3A_189 = arith.constant 0 : index
      %get3A_190 = vector.load %arg1[%get3A_188, %get3A_189] : memref<4096x128xf32, #tpu.memory_space<vmem>>, vector<128x128xf32>
      %transpose3A_191 = tpu.transpose %get3A_190, [1, 0] : vector<128x128xf32> -> vector<128x128xf32>
      %slice3A_192 = vector.extract_strided_slice %transpose3A_191 {offsets = [0, 0], sizes = [64, 128], strides = [1, 1]} : vector<128x128xf32> to vector<64x128xf32>
      %swap3A_193 = arith.constant 3 : index
      %swap3A_194 = arith.constant 0 : index
      %swap3A_195 = arith.constant 384 : index
      %swap3A_196 = vector.load %arg4[%swap3A_193, %swap3A_194, %swap3A_195] : memref<8x64x1024xf32, #tpu.memory_space<vmem>>, vector<1x64x128xf32>
      %swap3A_197 = vector.shape_cast %swap3A_196 : vector<1x64x128xf32> to vector<64x128xf32>
      %swap3A_198 = vector.shape_cast %slice3A_192 : vector<64x128xf32> to vector<1x64x128xf32>
      tpu.vector_store %arg4[%swap3A_193, %swap3A_194, %swap3A_195], %swap3A_198 {strides = array<i32>} : memref<8x64x1024xf32, #tpu.memory_space<vmem>>, vector<1x64x128xf32>,
      %slice3A_199 = vector.extract_strided_slice %transpose3A_191 {offsets = [64, 0], sizes = [64, 128], strides = [1, 1]} : vector<128x128xf32> to vector<64x128xf32>
      %swap3A_200 = arith.constant 3 : index
      %swap3A_201 = arith.constant 0 : index
      %swap3A_202 = arith.constant 896 : index
      %swap3A_203 = vector.load %arg4[%swap3A_200, %swap3A_201, %swap3A_202] : memref<8x64x1024xf32, #tpu.memory_space<vmem>>, vector<1x64x128xf32>
      %swap3A_204 = vector.shape_cast %swap3A_203 : vector<1x64x128xf32> to vector<64x128xf32>
      %swap3A_205 = vector.shape_cast %slice3A_199 : vector<64x128xf32> to vector<1x64x128xf32>
      tpu.vector_store %arg4[%swap3A_200, %swap3A_201, %swap3A_202], %swap3A_205 {strides = array<i32>} : memref<8x64x1024xf32, #tpu.memory_space<vmem>>, vector<1x64x128xf32>,
    } else {
    }
    %mul3A_57 = arith.constant 8 : i32
    %mul3A_58 = arith.muli %arg0, %mul3A_57 : i32
    %add3A_59 = arith.constant 3 : i32
    %add3A_60 = arith.addi %mul3A_58, %add3A_59 : i32
    %ge3A_61 = arith.constant 256 : i32
    %ge3A_62 = arith.cmpi sge, %add3A_60, %ge3A_61 : i32
    %convert_element_type3A_63 = arith.extui %ge3A_62 : i1 to i32
    %cond3A_64 = arith.constant 0 : i32
    %cond3A_65 = arith.cmpi ne, %convert_element_type3A_63, %cond3A_64 : i32
    scf.if %cond3A_65 {
      %get3A = arith.constant 3 : index
      %get3A_138 = arith.constant 0 : index
      %get3A_139 = arith.constant 0 : index
      %get3A_140 = vector.load %arg2[%get3A, %get3A_138, %get3A_139] : memref<8x1x1024xi32, #tpu.memory_space<vmem>>, vector<1x1x1024xi32>
      %get3A_141 = vector.shape_cast %get3A_140 : vector<1x1x1024xi32> to vector<1024xi32>
      %max3A = arith.constant 0 : i32
      %max3A_142 = vector.broadcast %max3A : i32 to vector<1024xi32>
      %max3A_143 = arith.maxsi %get3A_141, %max3A_142 : vector<1024xi32>
      %min3A = arith.constant 10 : i32
      %min3A_144 = vector.broadcast %min3A : i32 to vector<1024xi32>
      %min3A_145 = arith.minsi %max3A_143, %min3A_144 : vector<1024xi32>
      %iota3A = tpu.iota {dimensions = array<i32: 0>} : vector<16x1024xi32>
      %broadcast_in_dim3A = vector.shape_cast %min3A_145 : vector<1024xi32> to vector<1x1024xi32>
      %eq3A = vector.broadcast %broadcast_in_dim3A : vector<1x1024xi32> to vector<16x1024xi32>
      %eq3A_146 = arith.cmpi eq, %iota3A, %eq3A : vector<16x1024xi32>
      %convert_element_type3A_147 = arith.extui %eq3A_146 : vector<16x1024xi1> to vector<16x1024xi32>
      %convert_element_type3A_148 = arith.sitofp %convert_element_type3A_147 : vector<16x1024xi32> to vector<16x1024xf32>
      %get3A_149 = arith.constant 0 : index
      %get3A_150 = arith.constant 0 : index
      %get3A_151 = vector.load %arg3[%get3A_149, %get3A_150] : memref<64x16xf32, #tpu.memory_space<vmem>>, vector<64x16xf32>
      %dot_general3A = arith.constant dense<0.000000e+00> : vector<64x1024xf32>
      %dot_general3A_152 = tpu.matmul %get3A_151, %convert_element_type3A_148, %dot_general3A {dimension_numbers = #tpu.dot_dimension_numbers<[1], [0], [0], [1], [0, 0, 1, 1], [], []>, precision = #tpu.contract_precision<fp32>, transpose_lhs_hint = false} : vector<64x16xf32>, vector<16x1024xf32>, vector<64x1024xf32> -> vector<64x1024xf32>
      %swap3A = arith.constant 3 : index
      %swap3A_153 = arith.constant 0 : index
      %swap3A_154 = arith.constant 0 : index
      %swap3A_155 = vector.load %arg4[%swap3A, %swap3A_153, %swap3A_154] : memref<8x64x1024xf32, #tpu.memory_space<vmem>>, vector<1x64x1024xf32>
      %swap3A_156 = vector.shape_cast %swap3A_155 : vector<1x64x1024xf32> to vector<64x1024xf32>
      %swap3A_157 = vector.shape_cast %dot_general3A_152 : vector<64x1024xf32> to vector<1x64x1024xf32>
      tpu.vector_store %arg4[%swap3A, %swap3A_153, %swap3A_154], %swap3A_157 {strides = array<i32>} : memref<8x64x1024xf32, #tpu.memory_space<vmem>>, vector<1x64x1024xf32>,
    } else {
    }
    %mul3A_66 = arith.constant 8 : i32
    %mul3A_67 = arith.muli %arg0, %mul3A_66 : i32
    %add3A_68 = arith.constant 4 : i32
    %add3A_69 = arith.addi %mul3A_67, %add3A_68 : i32
    %lt3A_70 = arith.constant 256 : i32
    %lt3A_71 = arith.cmpi slt, %add3A_69, %lt3A_70 : i32
    %convert_element_type3A_72 = arith.extui %lt3A_71 : i1 to i32
    %cond3A_73 = arith.constant 0 : i32
    %cond3A_74 = arith.cmpi ne, %convert_element_type3A_72, %cond3A_73 : i32
    scf.if %cond3A_74 {
      %get3A = arith.constant 2048 : index
      %get3A_138 = arith.constant 0 : index
      %get3A_139 = vector.load %arg1[%get3A, %get3A_138] : memref<4096x128xf32, #tpu.memory_space<vmem>>, vector<128x128xf32>
      %transpose3A = tpu.transpose %get3A_139, [1, 0] : vector<128x128xf32> -> vector<128x128xf32>
      %slice3A = vector.extract_strided_slice %transpose3A {offsets = [0, 0], sizes = [64, 128], strides = [1, 1]} : vector<128x128xf32> to vector<64x128xf32>
      %swap3A = arith.constant 4 : index
      %swap3A_140 = arith.constant 0 : index
      %swap3A_141 = arith.constant 0 : index
      %swap3A_142 = vector.load %arg4[%swap3A, %swap3A_140, %swap3A_141] : memref<8x64x1024xf32, #tpu.memory_space<vmem>>, vector<1x64x128xf32>
      %swap3A_143 = vector.shape_cast %swap3A_142 : vector<1x64x128xf32> to vector<64x128xf32>
      %swap3A_144 = vector.shape_cast %slice3A : vector<64x128xf32> to vector<1x64x128xf32>
      tpu.vector_store %arg4[%swap3A, %swap3A_140, %swap3A_141], %swap3A_144 {strides = array<i32>} : memref<8x64x1024xf32, #tpu.memory_space<vmem>>, vector<1x64x128xf32>,
      %slice3A_145 = vector.extract_strided_slice %transpose3A {offsets = [64, 0], sizes = [64, 128], strides = [1, 1]} : vector<128x128xf32> to vector<64x128xf32>
      %swap3A_146 = arith.constant 4 : index
      %swap3A_147 = arith.constant 0 : index
      %swap3A_148 = arith.constant 512 : index
      %swap3A_149 = vector.load %arg4[%swap3A_146, %swap3A_147, %swap3A_148] : memref<8x64x1024xf32, #tpu.memory_space<vmem>>, vector<1x64x128xf32>
      %swap3A_150 = vector.shape_cast %swap3A_149 : vector<1x64x128xf32> to vector<64x128xf32>
      %swap3A_151 = vector.shape_cast %slice3A_145 : vector<64x128xf32> to vector<1x64x128xf32>
      tpu.vector_store %arg4[%swap3A_146, %swap3A_147, %swap3A_148], %swap3A_151 {strides = array<i32>} : memref<8x64x1024xf32, #tpu.memory_space<vmem>>, vector<1x64x128xf32>,
      %get3A_152 = arith.constant 2176 : index
      %get3A_153 = arith.constant 0 : index
      %get3A_154 = vector.load %arg1[%get3A_152, %get3A_153] : memref<4096x128xf32, #tpu.memory_space<vmem>>, vector<128x128xf32>
      %transpose3A_155 = tpu.transpose %get3A_154, [1, 0] : vector<128x128xf32> -> vector<128x128xf32>
      %slice3A_156 = vector.extract_strided_slice %transpose3A_155 {offsets = [0, 0], sizes = [64, 128], strides = [1, 1]} : vector<128x128xf32> to vector<64x128xf32>
      %swap3A_157 = arith.constant 4 : index
      %swap3A_158 = arith.constant 0 : index
      %swap3A_159 = arith.constant 128 : index
      %swap3A_160 = vector.load %arg4[%swap3A_157, %swap3A_158, %swap3A_159] : memref<8x64x1024xf32, #tpu.memory_space<vmem>>, vector<1x64x128xf32>
      %swap3A_161 = vector.shape_cast %swap3A_160 : vector<1x64x128xf32> to vector<64x128xf32>
      %swap3A_162 = vector.shape_cast %slice3A_156 : vector<64x128xf32> to vector<1x64x128xf32>
      tpu.vector_store %arg4[%swap3A_157, %swap3A_158, %swap3A_159], %swap3A_162 {strides = array<i32>} : memref<8x64x1024xf32, #tpu.memory_space<vmem>>, vector<1x64x128xf32>,
      %slice3A_163 = vector.extract_strided_slice %transpose3A_155 {offsets = [64, 0], sizes = [64, 128], strides = [1, 1]} : vector<128x128xf32> to vector<64x128xf32>
      %swap3A_164 = arith.constant 4 : index
      %swap3A_165 = arith.constant 0 : index
      %swap3A_166 = arith.constant 640 : index
      %swap3A_167 = vector.load %arg4[%swap3A_164, %swap3A_165, %swap3A_166] : memref<8x64x1024xf32, #tpu.memory_space<vmem>>, vector<1x64x128xf32>
      %swap3A_168 = vector.shape_cast %swap3A_167 : vector<1x64x128xf32> to vector<64x128xf32>
      %swap3A_169 = vector.shape_cast %slice3A_163 : vector<64x128xf32> to vector<1x64x128xf32>
      tpu.vector_store %arg4[%swap3A_164, %swap3A_165, %swap3A_166], %swap3A_169 {strides = array<i32>} : memref<8x64x1024xf32, #tpu.memory_space<vmem>>, vector<1x64x128xf32>,
      %get3A_170 = arith.constant 2304 : index
      %get3A_171 = arith.constant 0 : index
      %get3A_172 = vector.load %arg1[%get3A_170, %get3A_171] : memref<4096x128xf32, #tpu.memory_space<vmem>>, vector<128x128xf32>
      %transpose3A_173 = tpu.transpose %get3A_172, [1, 0] : vector<128x128xf32> -> vector<128x128xf32>
      %slice3A_174 = vector.extract_strided_slice %transpose3A_173 {offsets = [0, 0], sizes = [64, 128], strides = [1, 1]} : vector<128x128xf32> to vector<64x128xf32>
      %swap3A_175 = arith.constant 4 : index
      %swap3A_176 = arith.constant 0 : index
      %swap3A_177 = arith.constant 256 : index
      %swap3A_178 = vector.load %arg4[%swap3A_175, %swap3A_176, %swap3A_177] : memref<8x64x1024xf32, #tpu.memory_space<vmem>>, vector<1x64x128xf32>
      %swap3A_179 = vector.shape_cast %swap3A_178 : vector<1x64x128xf32> to vector<64x128xf32>
      %swap3A_180 = vector.shape_cast %slice3A_174 : vector<64x128xf32> to vector<1x64x128xf32>
      tpu.vector_store %arg4[%swap3A_175, %swap3A_176, %swap3A_177], %swap3A_180 {strides = array<i32>} : memref<8x64x1024xf32, #tpu.memory_space<vmem>>, vector<1x64x128xf32>,
      %slice3A_181 = vector.extract_strided_slice %transpose3A_173 {offsets = [64, 0], sizes = [64, 128], strides = [1, 1]} : vector<128x128xf32> to vector<64x128xf32>
      %swap3A_182 = arith.constant 4 : index
      %swap3A_183 = arith.constant 0 : index
      %swap3A_184 = arith.constant 768 : index
      %swap3A_185 = vector.load %arg4[%swap3A_182, %swap3A_183, %swap3A_184] : memref<8x64x1024xf32, #tpu.memory_space<vmem>>, vector<1x64x128xf32>
      %swap3A_186 = vector.shape_cast %swap3A_185 : vector<1x64x128xf32> to vector<64x128xf32>
      %swap3A_187 = vector.shape_cast %slice3A_181 : vector<64x128xf32> to vector<1x64x128xf32>
      tpu.vector_store %arg4[%swap3A_182, %swap3A_183, %swap3A_184], %swap3A_187 {strides = array<i32>} : memref<8x64x1024xf32, #tpu.memory_space<vmem>>, vector<1x64x128xf32>,
      %get3A_188 = arith.constant 2432 : index
      %get3A_189 = arith.constant 0 : index
      %get3A_190 = vector.load %arg1[%get3A_188, %get3A_189] : memref<4096x128xf32, #tpu.memory_space<vmem>>, vector<128x128xf32>
      %transpose3A_191 = tpu.transpose %get3A_190, [1, 0] : vector<128x128xf32> -> vector<128x128xf32>
      %slice3A_192 = vector.extract_strided_slice %transpose3A_191 {offsets = [0, 0], sizes = [64, 128], strides = [1, 1]} : vector<128x128xf32> to vector<64x128xf32>
      %swap3A_193 = arith.constant 4 : index
      %swap3A_194 = arith.constant 0 : index
      %swap3A_195 = arith.constant 384 : index
      %swap3A_196 = vector.load %arg4[%swap3A_193, %swap3A_194, %swap3A_195] : memref<8x64x1024xf32, #tpu.memory_space<vmem>>, vector<1x64x128xf32>
      %swap3A_197 = vector.shape_cast %swap3A_196 : vector<1x64x128xf32> to vector<64x128xf32>
      %swap3A_198 = vector.shape_cast %slice3A_192 : vector<64x128xf32> to vector<1x64x128xf32>
      tpu.vector_store %arg4[%swap3A_193, %swap3A_194, %swap3A_195], %swap3A_198 {strides = array<i32>} : memref<8x64x1024xf32, #tpu.memory_space<vmem>>, vector<1x64x128xf32>,
      %slice3A_199 = vector.extract_strided_slice %transpose3A_191 {offsets = [64, 0], sizes = [64, 128], strides = [1, 1]} : vector<128x128xf32> to vector<64x128xf32>
      %swap3A_200 = arith.constant 4 : index
      %swap3A_201 = arith.constant 0 : index
      %swap3A_202 = arith.constant 896 : index
      %swap3A_203 = vector.load %arg4[%swap3A_200, %swap3A_201, %swap3A_202] : memref<8x64x1024xf32, #tpu.memory_space<vmem>>, vector<1x64x128xf32>
      %swap3A_204 = vector.shape_cast %swap3A_203 : vector<1x64x128xf32> to vector<64x128xf32>
      %swap3A_205 = vector.shape_cast %slice3A_199 : vector<64x128xf32> to vector<1x64x128xf32>
      tpu.vector_store %arg4[%swap3A_200, %swap3A_201, %swap3A_202], %swap3A_205 {strides = array<i32>} : memref<8x64x1024xf32, #tpu.memory_space<vmem>>, vector<1x64x128xf32>,
    } else {
    }
    %mul3A_75 = arith.constant 8 : i32
    %mul3A_76 = arith.muli %arg0, %mul3A_75 : i32
    %add3A_77 = arith.constant 4 : i32
    %add3A_78 = arith.addi %mul3A_76, %add3A_77 : i32
    %ge3A_79 = arith.constant 256 : i32
    %ge3A_80 = arith.cmpi sge, %add3A_78, %ge3A_79 : i32
    %convert_element_type3A_81 = arith.extui %ge3A_80 : i1 to i32
    %cond3A_82 = arith.constant 0 : i32
    %cond3A_83 = arith.cmpi ne, %convert_element_type3A_81, %cond3A_82 : i32
    scf.if %cond3A_83 {
      %get3A = arith.constant 4 : index
      %get3A_138 = arith.constant 0 : index
      %get3A_139 = arith.constant 0 : index
      %get3A_140 = vector.load %arg2[%get3A, %get3A_138, %get3A_139] : memref<8x1x1024xi32, #tpu.memory_space<vmem>>, vector<1x1x1024xi32>
      %get3A_141 = vector.shape_cast %get3A_140 : vector<1x1x1024xi32> to vector<1024xi32>
      %max3A = arith.constant 0 : i32
      %max3A_142 = vector.broadcast %max3A : i32 to vector<1024xi32>
      %max3A_143 = arith.maxsi %get3A_141, %max3A_142 : vector<1024xi32>
      %min3A = arith.constant 10 : i32
      %min3A_144 = vector.broadcast %min3A : i32 to vector<1024xi32>
      %min3A_145 = arith.minsi %max3A_143, %min3A_144 : vector<1024xi32>
      %iota3A = tpu.iota {dimensions = array<i32: 0>} : vector<16x1024xi32>
      %broadcast_in_dim3A = vector.shape_cast %min3A_145 : vector<1024xi32> to vector<1x1024xi32>
      %eq3A = vector.broadcast %broadcast_in_dim3A : vector<1x1024xi32> to vector<16x1024xi32>
      %eq3A_146 = arith.cmpi eq, %iota3A, %eq3A : vector<16x1024xi32>
      %convert_element_type3A_147 = arith.extui %eq3A_146 : vector<16x1024xi1> to vector<16x1024xi32>
      %convert_element_type3A_148 = arith.sitofp %convert_element_type3A_147 : vector<16x1024xi32> to vector<16x1024xf32>
      %get3A_149 = arith.constant 0 : index
      %get3A_150 = arith.constant 0 : index
      %get3A_151 = vector.load %arg3[%get3A_149, %get3A_150] : memref<64x16xf32, #tpu.memory_space<vmem>>, vector<64x16xf32>
      %dot_general3A = arith.constant dense<0.000000e+00> : vector<64x1024xf32>
      %dot_general3A_152 = tpu.matmul %get3A_151, %convert_element_type3A_148, %dot_general3A {dimension_numbers = #tpu.dot_dimension_numbers<[1], [0], [0], [1], [0, 0, 1, 1], [], []>, precision = #tpu.contract_precision<fp32>, transpose_lhs_hint = false} : vector<64x16xf32>, vector<16x1024xf32>, vector<64x1024xf32> -> vector<64x1024xf32>
      %swap3A = arith.constant 4 : index
      %swap3A_153 = arith.constant 0 : index
      %swap3A_154 = arith.constant 0 : index
      %swap3A_155 = vector.load %arg4[%swap3A, %swap3A_153, %swap3A_154] : memref<8x64x1024xf32, #tpu.memory_space<vmem>>, vector<1x64x1024xf32>
      %swap3A_156 = vector.shape_cast %swap3A_155 : vector<1x64x1024xf32> to vector<64x1024xf32>
      %swap3A_157 = vector.shape_cast %dot_general3A_152 : vector<64x1024xf32> to vector<1x64x1024xf32>
      tpu.vector_store %arg4[%swap3A, %swap3A_153, %swap3A_154], %swap3A_157 {strides = array<i32>} : memref<8x64x1024xf32, #tpu.memory_space<vmem>>, vector<1x64x1024xf32>,
    } else {
    }
    %mul3A_84 = arith.constant 8 : i32
    %mul3A_85 = arith.muli %arg0, %mul3A_84 : i32
    %add3A_86 = arith.constant 5 : i32
    %add3A_87 = arith.addi %mul3A_85, %add3A_86 : i32
    %lt3A_88 = arith.constant 256 : i32
    %lt3A_89 = arith.cmpi slt, %add3A_87, %lt3A_88 : i32
    %convert_element_type3A_90 = arith.extui %lt3A_89 : i1 to i32
    %cond3A_91 = arith.constant 0 : i32
    %cond3A_92 = arith.cmpi ne, %convert_element_type3A_90, %cond3A_91 : i32
    scf.if %cond3A_92 {
      %get3A = arith.constant 2560 : index
      %get3A_138 = arith.constant 0 : index
      %get3A_139 = vector.load %arg1[%get3A, %get3A_138] : memref<4096x128xf32, #tpu.memory_space<vmem>>, vector<128x128xf32>
      %transpose3A = tpu.transpose %get3A_139, [1, 0] : vector<128x128xf32> -> vector<128x128xf32>
      %slice3A = vector.extract_strided_slice %transpose3A {offsets = [0, 0], sizes = [64, 128], strides = [1, 1]} : vector<128x128xf32> to vector<64x128xf32>
      %swap3A = arith.constant 5 : index
      %swap3A_140 = arith.constant 0 : index
      %swap3A_141 = arith.constant 0 : index
      %swap3A_142 = vector.load %arg4[%swap3A, %swap3A_140, %swap3A_141] : memref<8x64x1024xf32, #tpu.memory_space<vmem>>, vector<1x64x128xf32>
      %swap3A_143 = vector.shape_cast %swap3A_142 : vector<1x64x128xf32> to vector<64x128xf32>
      %swap3A_144 = vector.shape_cast %slice3A : vector<64x128xf32> to vector<1x64x128xf32>
      tpu.vector_store %arg4[%swap3A, %swap3A_140, %swap3A_141], %swap3A_144 {strides = array<i32>} : memref<8x64x1024xf32, #tpu.memory_space<vmem>>, vector<1x64x128xf32>,
      %slice3A_145 = vector.extract_strided_slice %transpose3A {offsets = [64, 0], sizes = [64, 128], strides = [1, 1]} : vector<128x128xf32> to vector<64x128xf32>
      %swap3A_146 = arith.constant 5 : index
      %swap3A_147 = arith.constant 0 : index
      %swap3A_148 = arith.constant 512 : index
      %swap3A_149 = vector.load %arg4[%swap3A_146, %swap3A_147, %swap3A_148] : memref<8x64x1024xf32, #tpu.memory_space<vmem>>, vector<1x64x128xf32>
      %swap3A_150 = vector.shape_cast %swap3A_149 : vector<1x64x128xf32> to vector<64x128xf32>
      %swap3A_151 = vector.shape_cast %slice3A_145 : vector<64x128xf32> to vector<1x64x128xf32>
      tpu.vector_store %arg4[%swap3A_146, %swap3A_147, %swap3A_148], %swap3A_151 {strides = array<i32>} : memref<8x64x1024xf32, #tpu.memory_space<vmem>>, vector<1x64x128xf32>,
      %get3A_152 = arith.constant 2688 : index
      %get3A_153 = arith.constant 0 : index
      %get3A_154 = vector.load %arg1[%get3A_152, %get3A_153] : memref<4096x128xf32, #tpu.memory_space<vmem>>, vector<128x128xf32>
      %transpose3A_155 = tpu.transpose %get3A_154, [1, 0] : vector<128x128xf32> -> vector<128x128xf32>
      %slice3A_156 = vector.extract_strided_slice %transpose3A_155 {offsets = [0, 0], sizes = [64, 128], strides = [1, 1]} : vector<128x128xf32> to vector<64x128xf32>
      %swap3A_157 = arith.constant 5 : index
      %swap3A_158 = arith.constant 0 : index
      %swap3A_159 = arith.constant 128 : index
      %swap3A_160 = vector.load %arg4[%swap3A_157, %swap3A_158, %swap3A_159] : memref<8x64x1024xf32, #tpu.memory_space<vmem>>, vector<1x64x128xf32>
      %swap3A_161 = vector.shape_cast %swap3A_160 : vector<1x64x128xf32> to vector<64x128xf32>
      %swap3A_162 = vector.shape_cast %slice3A_156 : vector<64x128xf32> to vector<1x64x128xf32>
      tpu.vector_store %arg4[%swap3A_157, %swap3A_158, %swap3A_159], %swap3A_162 {strides = array<i32>} : memref<8x64x1024xf32, #tpu.memory_space<vmem>>, vector<1x64x128xf32>,
      %slice3A_163 = vector.extract_strided_slice %transpose3A_155 {offsets = [64, 0], sizes = [64, 128], strides = [1, 1]} : vector<128x128xf32> to vector<64x128xf32>
      %swap3A_164 = arith.constant 5 : index
      %swap3A_165 = arith.constant 0 : index
      %swap3A_166 = arith.constant 640 : index
      %swap3A_167 = vector.load %arg4[%swap3A_164, %swap3A_165, %swap3A_166] : memref<8x64x1024xf32, #tpu.memory_space<vmem>>, vector<1x64x128xf32>
      %swap3A_168 = vector.shape_cast %swap3A_167 : vector<1x64x128xf32> to vector<64x128xf32>
      %swap3A_169 = vector.shape_cast %slice3A_163 : vector<64x128xf32> to vector<1x64x128xf32>
      tpu.vector_store %arg4[%swap3A_164, %swap3A_165, %swap3A_166], %swap3A_169 {strides = array<i32>} : memref<8x64x1024xf32, #tpu.memory_space<vmem>>, vector<1x64x128xf32>,
      %get3A_170 = arith.constant 2816 : index
      %get3A_171 = arith.constant 0 : index
      %get3A_172 = vector.load %arg1[%get3A_170, %get3A_171] : memref<4096x128xf32, #tpu.memory_space<vmem>>, vector<128x128xf32>
      %transpose3A_173 = tpu.transpose %get3A_172, [1, 0] : vector<128x128xf32> -> vector<128x128xf32>
      %slice3A_174 = vector.extract_strided_slice %transpose3A_173 {offsets = [0, 0], sizes = [64, 128], strides = [1, 1]} : vector<128x128xf32> to vector<64x128xf32>
      %swap3A_175 = arith.constant 5 : index
      %swap3A_176 = arith.constant 0 : index
      %swap3A_177 = arith.constant 256 : index
      %swap3A_178 = vector.load %arg4[%swap3A_175, %swap3A_176, %swap3A_177] : memref<8x64x1024xf32, #tpu.memory_space<vmem>>, vector<1x64x128xf32>
      %swap3A_179 = vector.shape_cast %swap3A_178 : vector<1x64x128xf32> to vector<64x128xf32>
      %swap3A_180 = vector.shape_cast %slice3A_174 : vector<64x128xf32> to vector<1x64x128xf32>
      tpu.vector_store %arg4[%swap3A_175, %swap3A_176, %swap3A_177], %swap3A_180 {strides = array<i32>} : memref<8x64x1024xf32, #tpu.memory_space<vmem>>, vector<1x64x128xf32>,
      %slice3A_181 = vector.extract_strided_slice %transpose3A_173 {offsets = [64, 0], sizes = [64, 128], strides = [1, 1]} : vector<128x128xf32> to vector<64x128xf32>
      %swap3A_182 = arith.constant 5 : index
      %swap3A_183 = arith.constant 0 : index
      %swap3A_184 = arith.constant 768 : index
      %swap3A_185 = vector.load %arg4[%swap3A_182, %swap3A_183, %swap3A_184] : memref<8x64x1024xf32, #tpu.memory_space<vmem>>, vector<1x64x128xf32>
      %swap3A_186 = vector.shape_cast %swap3A_185 : vector<1x64x128xf32> to vector<64x128xf32>
      %swap3A_187 = vector.shape_cast %slice3A_181 : vector<64x128xf32> to vector<1x64x128xf32>
      tpu.vector_store %arg4[%swap3A_182, %swap3A_183, %swap3A_184], %swap3A_187 {strides = array<i32>} : memref<8x64x1024xf32, #tpu.memory_space<vmem>>, vector<1x64x128xf32>,
      %get3A_188 = arith.constant 2944 : index
      %get3A_189 = arith.constant 0 : index
      %get3A_190 = vector.load %arg1[%get3A_188, %get3A_189] : memref<4096x128xf32, #tpu.memory_space<vmem>>, vector<128x128xf32>
      %transpose3A_191 = tpu.transpose %get3A_190, [1, 0] : vector<128x128xf32> -> vector<128x128xf32>
      %slice3A_192 = vector.extract_strided_slice %transpose3A_191 {offsets = [0, 0], sizes = [64, 128], strides = [1, 1]} : vector<128x128xf32> to vector<64x128xf32>
      %swap3A_193 = arith.constant 5 : index
      %swap3A_194 = arith.constant 0 : index
      %swap3A_195 = arith.constant 384 : index
      %swap3A_196 = vector.load %arg4[%swap3A_193, %swap3A_194, %swap3A_195] : memref<8x64x1024xf32, #tpu.memory_space<vmem>>, vector<1x64x128xf32>
      %swap3A_197 = vector.shape_cast %swap3A_196 : vector<1x64x128xf32> to vector<64x128xf32>
      %swap3A_198 = vector.shape_cast %slice3A_192 : vector<64x128xf32> to vector<1x64x128xf32>
      tpu.vector_store %arg4[%swap3A_193, %swap3A_194, %swap3A_195], %swap3A_198 {strides = array<i32>} : memref<8x64x1024xf32, #tpu.memory_space<vmem>>, vector<1x64x128xf32>,
      %slice3A_199 = vector.extract_strided_slice %transpose3A_191 {offsets = [64, 0], sizes = [64, 128], strides = [1, 1]} : vector<128x128xf32> to vector<64x128xf32>
      %swap3A_200 = arith.constant 5 : index
      %swap3A_201 = arith.constant 0 : index
      %swap3A_202 = arith.constant 896 : index
      %swap3A_203 = vector.load %arg4[%swap3A_200, %swap3A_201, %swap3A_202] : memref<8x64x1024xf32, #tpu.memory_space<vmem>>, vector<1x64x128xf32>
      %swap3A_204 = vector.shape_cast %swap3A_203 : vector<1x64x128xf32> to vector<64x128xf32>
      %swap3A_205 = vector.shape_cast %slice3A_199 : vector<64x128xf32> to vector<1x64x128xf32>
      tpu.vector_store %arg4[%swap3A_200, %swap3A_201, %swap3A_202], %swap3A_205 {strides = array<i32>} : memref<8x64x1024xf32, #tpu.memory_space<vmem>>, vector<1x64x128xf32>,
    } else {
    }
    %mul3A_93 = arith.constant 8 : i32
    %mul3A_94 = arith.muli %arg0, %mul3A_93 : i32
    %add3A_95 = arith.constant 5 : i32
    %add3A_96 = arith.addi %mul3A_94, %add3A_95 : i32
    %ge3A_97 = arith.constant 256 : i32
    %ge3A_98 = arith.cmpi sge, %add3A_96, %ge3A_97 : i32
    %convert_element_type3A_99 = arith.extui %ge3A_98 : i1 to i32
    %cond3A_100 = arith.constant 0 : i32
    %cond3A_101 = arith.cmpi ne, %convert_element_type3A_99, %cond3A_100 : i32
    scf.if %cond3A_101 {
      %get3A = arith.constant 5 : index
      %get3A_138 = arith.constant 0 : index
      %get3A_139 = arith.constant 0 : index
      %get3A_140 = vector.load %arg2[%get3A, %get3A_138, %get3A_139] : memref<8x1x1024xi32, #tpu.memory_space<vmem>>, vector<1x1x1024xi32>
      %get3A_141 = vector.shape_cast %get3A_140 : vector<1x1x1024xi32> to vector<1024xi32>
      %max3A = arith.constant 0 : i32
      %max3A_142 = vector.broadcast %max3A : i32 to vector<1024xi32>
      %max3A_143 = arith.maxsi %get3A_141, %max3A_142 : vector<1024xi32>
      %min3A = arith.constant 10 : i32
      %min3A_144 = vector.broadcast %min3A : i32 to vector<1024xi32>
      %min3A_145 = arith.minsi %max3A_143, %min3A_144 : vector<1024xi32>
      %iota3A = tpu.iota {dimensions = array<i32: 0>} : vector<16x1024xi32>
      %broadcast_in_dim3A = vector.shape_cast %min3A_145 : vector<1024xi32> to vector<1x1024xi32>
      %eq3A = vector.broadcast %broadcast_in_dim3A : vector<1x1024xi32> to vector<16x1024xi32>
      %eq3A_146 = arith.cmpi eq, %iota3A, %eq3A : vector<16x1024xi32>
      %convert_element_type3A_147 = arith.extui %eq3A_146 : vector<16x1024xi1> to vector<16x1024xi32>
      %convert_element_type3A_148 = arith.sitofp %convert_element_type3A_147 : vector<16x1024xi32> to vector<16x1024xf32>
      %get3A_149 = arith.constant 0 : index
      %get3A_150 = arith.constant 0 : index
      %get3A_151 = vector.load %arg3[%get3A_149, %get3A_150] : memref<64x16xf32, #tpu.memory_space<vmem>>, vector<64x16xf32>
      %dot_general3A = arith.constant dense<0.000000e+00> : vector<64x1024xf32>
      %dot_general3A_152 = tpu.matmul %get3A_151, %convert_element_type3A_148, %dot_general3A {dimension_numbers = #tpu.dot_dimension_numbers<[1], [0], [0], [1], [0, 0, 1, 1], [], []>, precision = #tpu.contract_precision<fp32>, transpose_lhs_hint = false} : vector<64x16xf32>, vector<16x1024xf32>, vector<64x1024xf32> -> vector<64x1024xf32>
      %swap3A = arith.constant 5 : index
      %swap3A_153 = arith.constant 0 : index
      %swap3A_154 = arith.constant 0 : index
      %swap3A_155 = vector.load %arg4[%swap3A, %swap3A_153, %swap3A_154] : memref<8x64x1024xf32, #tpu.memory_space<vmem>>, vector<1x64x1024xf32>
      %swap3A_156 = vector.shape_cast %swap3A_155 : vector<1x64x1024xf32> to vector<64x1024xf32>
      %swap3A_157 = vector.shape_cast %dot_general3A_152 : vector<64x1024xf32> to vector<1x64x1024xf32>
      tpu.vector_store %arg4[%swap3A, %swap3A_153, %swap3A_154], %swap3A_157 {strides = array<i32>} : memref<8x64x1024xf32, #tpu.memory_space<vmem>>, vector<1x64x1024xf32>,
    } else {
    }
    %mul3A_102 = arith.constant 8 : i32
    %mul3A_103 = arith.muli %arg0, %mul3A_102 : i32
    %add3A_104 = arith.constant 6 : i32
    %add3A_105 = arith.addi %mul3A_103, %add3A_104 : i32
    %lt3A_106 = arith.constant 256 : i32
    %lt3A_107 = arith.cmpi slt, %add3A_105, %lt3A_106 : i32
    %convert_element_type3A_108 = arith.extui %lt3A_107 : i1 to i32
    %cond3A_109 = arith.constant 0 : i32
    %cond3A_110 = arith.cmpi ne, %convert_element_type3A_108, %cond3A_109 : i32
    scf.if %cond3A_110 {
      %get3A = arith.constant 3072 : index
      %get3A_138 = arith.constant 0 : index
      %get3A_139 = vector.load %arg1[%get3A, %get3A_138] : memref<4096x128xf32, #tpu.memory_space<vmem>>, vector<128x128xf32>
      %transpose3A = tpu.transpose %get3A_139, [1, 0] : vector<128x128xf32> -> vector<128x128xf32>
      %slice3A = vector.extract_strided_slice %transpose3A {offsets = [0, 0], sizes = [64, 128], strides = [1, 1]} : vector<128x128xf32> to vector<64x128xf32>
      %swap3A = arith.constant 6 : index
      %swap3A_140 = arith.constant 0 : index
      %swap3A_141 = arith.constant 0 : index
      %swap3A_142 = vector.load %arg4[%swap3A, %swap3A_140, %swap3A_141] : memref<8x64x1024xf32, #tpu.memory_space<vmem>>, vector<1x64x128xf32>
      %swap3A_143 = vector.shape_cast %swap3A_142 : vector<1x64x128xf32> to vector<64x128xf32>
      %swap3A_144 = vector.shape_cast %slice3A : vector<64x128xf32> to vector<1x64x128xf32>
      tpu.vector_store %arg4[%swap3A, %swap3A_140, %swap3A_141], %swap3A_144 {strides = array<i32>} : memref<8x64x1024xf32, #tpu.memory_space<vmem>>, vector<1x64x128xf32>,
      %slice3A_145 = vector.extract_strided_slice %transpose3A {offsets = [64, 0], sizes = [64, 128], strides = [1, 1]} : vector<128x128xf32> to vector<64x128xf32>
      %swap3A_146 = arith.constant 6 : index
      %swap3A_147 = arith.constant 0 : index
      %swap3A_148 = arith.constant 512 : index
      %swap3A_149 = vector.load %arg4[%swap3A_146, %swap3A_147, %swap3A_148] : memref<8x64x1024xf32, #tpu.memory_space<vmem>>, vector<1x64x128xf32>
      %swap3A_150 = vector.shape_cast %swap3A_149 : vector<1x64x128xf32> to vector<64x128xf32>
      %swap3A_151 = vector.shape_cast %slice3A_145 : vector<64x128xf32> to vector<1x64x128xf32>
      tpu.vector_store %arg4[%swap3A_146, %swap3A_147, %swap3A_148], %swap3A_151 {strides = array<i32>} : memref<8x64x1024xf32, #tpu.memory_space<vmem>>, vector<1x64x128xf32>,
      %get3A_152 = arith.constant 3200 : index
      %get3A_153 = arith.constant 0 : index
      %get3A_154 = vector.load %arg1[%get3A_152, %get3A_153] : memref<4096x128xf32, #tpu.memory_space<vmem>>, vector<128x128xf32>
      %transpose3A_155 = tpu.transpose %get3A_154, [1, 0] : vector<128x128xf32> -> vector<128x128xf32>
      %slice3A_156 = vector.extract_strided_slice %transpose3A_155 {offsets = [0, 0], sizes = [64, 128], strides = [1, 1]} : vector<128x128xf32> to vector<64x128xf32>
      %swap3A_157 = arith.constant 6 : index
      %swap3A_158 = arith.constant 0 : index
      %swap3A_159 = arith.constant 128 : index
      %swap3A_160 = vector.load %arg4[%swap3A_157, %swap3A_158, %swap3A_159] : memref<8x64x1024xf32, #tpu.memory_space<vmem>>, vector<1x64x128xf32>
      %swap3A_161 = vector.shape_cast %swap3A_160 : vector<1x64x128xf32> to vector<64x128xf32>
      %swap3A_162 = vector.shape_cast %slice3A_156 : vector<64x128xf32> to vector<1x64x128xf32>
      tpu.vector_store %arg4[%swap3A_157, %swap3A_158, %swap3A_159], %swap3A_162 {strides = array<i32>} : memref<8x64x1024xf32, #tpu.memory_space<vmem>>, vector<1x64x128xf32>,
      %slice3A_163 = vector.extract_strided_slice %transpose3A_155 {offsets = [64, 0], sizes = [64, 128], strides = [1, 1]} : vector<128x128xf32> to vector<64x128xf32>
      %swap3A_164 = arith.constant 6 : index
      %swap3A_165 = arith.constant 0 : index
      %swap3A_166 = arith.constant 640 : index
      %swap3A_167 = vector.load %arg4[%swap3A_164, %swap3A_165, %swap3A_166] : memref<8x64x1024xf32, #tpu.memory_space<vmem>>, vector<1x64x128xf32>
      %swap3A_168 = vector.shape_cast %swap3A_167 : vector<1x64x128xf32> to vector<64x128xf32>
      %swap3A_169 = vector.shape_cast %slice3A_163 : vector<64x128xf32> to vector<1x64x128xf32>
      tpu.vector_store %arg4[%swap3A_164, %swap3A_165, %swap3A_166], %swap3A_169 {strides = array<i32>} : memref<8x64x1024xf32, #tpu.memory_space<vmem>>, vector<1x64x128xf32>,
      %get3A_170 = arith.constant 3328 : index
      %get3A_171 = arith.constant 0 : index
      %get3A_172 = vector.load %arg1[%get3A_170, %get3A_171] : memref<4096x128xf32, #tpu.memory_space<vmem>>, vector<128x128xf32>
      %transpose3A_173 = tpu.transpose %get3A_172, [1, 0] : vector<128x128xf32> -> vector<128x128xf32>
      %slice3A_174 = vector.extract_strided_slice %transpose3A_173 {offsets = [0, 0], sizes = [64, 128], strides = [1, 1]} : vector<128x128xf32> to vector<64x128xf32>
      %swap3A_175 = arith.constant 6 : index
      %swap3A_176 = arith.constant 0 : index
      %swap3A_177 = arith.constant 256 : index
      %swap3A_178 = vector.load %arg4[%swap3A_175, %swap3A_176, %swap3A_177] : memref<8x64x1024xf32, #tpu.memory_space<vmem>>, vector<1x64x128xf32>
      %swap3A_179 = vector.shape_cast %swap3A_178 : vector<1x64x128xf32> to vector<64x128xf32>
      %swap3A_180 = vector.shape_cast %slice3A_174 : vector<64x128xf32> to vector<1x64x128xf32>
      tpu.vector_store %arg4[%swap3A_175, %swap3A_176, %swap3A_177], %swap3A_180 {strides = array<i32>} : memref<8x64x1024xf32, #tpu.memory_space<vmem>>, vector<1x64x128xf32>,
      %slice3A_181 = vector.extract_strided_slice %transpose3A_173 {offsets = [64, 0], sizes = [64, 128], strides = [1, 1]} : vector<128x128xf32> to vector<64x128xf32>
      %swap3A_182 = arith.constant 6 : index
      %swap3A_183 = arith.constant 0 : index
      %swap3A_184 = arith.constant 768 : index
      %swap3A_185 = vector.load %arg4[%swap3A_182, %swap3A_183, %swap3A_184] : memref<8x64x1024xf32, #tpu.memory_space<vmem>>, vector<1x64x128xf32>
      %swap3A_186 = vector.shape_cast %swap3A_185 : vector<1x64x128xf32> to vector<64x128xf32>
      %swap3A_187 = vector.shape_cast %slice3A_181 : vector<64x128xf32> to vector<1x64x128xf32>
      tpu.vector_store %arg4[%swap3A_182, %swap3A_183, %swap3A_184], %swap3A_187 {strides = array<i32>} : memref<8x64x1024xf32, #tpu.memory_space<vmem>>, vector<1x64x128xf32>,
      %get3A_188 = arith.constant 3456 : index
      %get3A_189 = arith.constant 0 : index
      %get3A_190 = vector.load %arg1[%get3A_188, %get3A_189] : memref<4096x128xf32, #tpu.memory_space<vmem>>, vector<128x128xf32>
      %transpose3A_191 = tpu.transpose %get3A_190, [1, 0] : vector<128x128xf32> -> vector<128x128xf32>
      %slice3A_192 = vector.extract_strided_slice %transpose3A_191 {offsets = [0, 0], sizes = [64, 128], strides = [1, 1]} : vector<128x128xf32> to vector<64x128xf32>
      %swap3A_193 = arith.constant 6 : index
      %swap3A_194 = arith.constant 0 : index
      %swap3A_195 = arith.constant 384 : index
      %swap3A_196 = vector.load %arg4[%swap3A_193, %swap3A_194, %swap3A_195] : memref<8x64x1024xf32, #tpu.memory_space<vmem>>, vector<1x64x128xf32>
      %swap3A_197 = vector.shape_cast %swap3A_196 : vector<1x64x128xf32> to vector<64x128xf32>
      %swap3A_198 = vector.shape_cast %slice3A_192 : vector<64x128xf32> to vector<1x64x128xf32>
      tpu.vector_store %arg4[%swap3A_193, %swap3A_194, %swap3A_195], %swap3A_198 {strides = array<i32>} : memref<8x64x1024xf32, #tpu.memory_space<vmem>>, vector<1x64x128xf32>,
      %slice3A_199 = vector.extract_strided_slice %transpose3A_191 {offsets = [64, 0], sizes = [64, 128], strides = [1, 1]} : vector<128x128xf32> to vector<64x128xf32>
      %swap3A_200 = arith.constant 6 : index
      %swap3A_201 = arith.constant 0 : index
      %swap3A_202 = arith.constant 896 : index
      %swap3A_203 = vector.load %arg4[%swap3A_200, %swap3A_201, %swap3A_202] : memref<8x64x1024xf32, #tpu.memory_space<vmem>>, vector<1x64x128xf32>
      %swap3A_204 = vector.shape_cast %swap3A_203 : vector<1x64x128xf32> to vector<64x128xf32>
      %swap3A_205 = vector.shape_cast %slice3A_199 : vector<64x128xf32> to vector<1x64x128xf32>
      tpu.vector_store %arg4[%swap3A_200, %swap3A_201, %swap3A_202], %swap3A_205 {strides = array<i32>} : memref<8x64x1024xf32, #tpu.memory_space<vmem>>, vector<1x64x128xf32>,
    } else {
    }
    %mul3A_111 = arith.constant 8 : i32
    %mul3A_112 = arith.muli %arg0, %mul3A_111 : i32
    %add3A_113 = arith.constant 6 : i32
    %add3A_114 = arith.addi %mul3A_112, %add3A_113 : i32
    %ge3A_115 = arith.constant 256 : i32
    %ge3A_116 = arith.cmpi sge, %add3A_114, %ge3A_115 : i32
    %convert_element_type3A_117 = arith.extui %ge3A_116 : i1 to i32
    %cond3A_118 = arith.constant 0 : i32
    %cond3A_119 = arith.cmpi ne, %convert_element_type3A_117, %cond3A_118 : i32
    scf.if %cond3A_119 {
      %get3A = arith.constant 6 : index
      %get3A_138 = arith.constant 0 : index
      %get3A_139 = arith.constant 0 : index
      %get3A_140 = vector.load %arg2[%get3A, %get3A_138, %get3A_139] : memref<8x1x1024xi32, #tpu.memory_space<vmem>>, vector<1x1x1024xi32>
      %get3A_141 = vector.shape_cast %get3A_140 : vector<1x1x1024xi32> to vector<1024xi32>
      %max3A = arith.constant 0 : i32
      %max3A_142 = vector.broadcast %max3A : i32 to vector<1024xi32>
      %max3A_143 = arith.maxsi %get3A_141, %max3A_142 : vector<1024xi32>
      %min3A = arith.constant 10 : i32
      %min3A_144 = vector.broadcast %min3A : i32 to vector<1024xi32>
      %min3A_145 = arith.minsi %max3A_143, %min3A_144 : vector<1024xi32>
      %iota3A = tpu.iota {dimensions = array<i32: 0>} : vector<16x1024xi32>
      %broadcast_in_dim3A = vector.shape_cast %min3A_145 : vector<1024xi32> to vector<1x1024xi32>
      %eq3A = vector.broadcast %broadcast_in_dim3A : vector<1x1024xi32> to vector<16x1024xi32>
      %eq3A_146 = arith.cmpi eq, %iota3A, %eq3A : vector<16x1024xi32>
      %convert_element_type3A_147 = arith.extui %eq3A_146 : vector<16x1024xi1> to vector<16x1024xi32>
      %convert_element_type3A_148 = arith.sitofp %convert_element_type3A_147 : vector<16x1024xi32> to vector<16x1024xf32>
      %get3A_149 = arith.constant 0 : index
      %get3A_150 = arith.constant 0 : index
      %get3A_151 = vector.load %arg3[%get3A_149, %get3A_150] : memref<64x16xf32, #tpu.memory_space<vmem>>, vector<64x16xf32>
      %dot_general3A = arith.constant dense<0.000000e+00> : vector<64x1024xf32>
      %dot_general3A_152 = tpu.matmul %get3A_151, %convert_element_type3A_148, %dot_general3A {dimension_numbers = #tpu.dot_dimension_numbers<[1], [0], [0], [1], [0, 0, 1, 1], [], []>, precision = #tpu.contract_precision<fp32>, transpose_lhs_hint = false} : vector<64x16xf32>, vector<16x1024xf32>, vector<64x1024xf32> -> vector<64x1024xf32>
      %swap3A = arith.constant 6 : index
      %swap3A_153 = arith.constant 0 : index
      %swap3A_154 = arith.constant 0 : index
      %swap3A_155 = vector.load %arg4[%swap3A, %swap3A_153, %swap3A_154] : memref<8x64x1024xf32, #tpu.memory_space<vmem>>, vector<1x64x1024xf32>
      %swap3A_156 = vector.shape_cast %swap3A_155 : vector<1x64x1024xf32> to vector<64x1024xf32>
      %swap3A_157 = vector.shape_cast %dot_general3A_152 : vector<64x1024xf32> to vector<1x64x1024xf32>
      tpu.vector_store %arg4[%swap3A, %swap3A_153, %swap3A_154], %swap3A_157 {strides = array<i32>} : memref<8x64x1024xf32, #tpu.memory_space<vmem>>, vector<1x64x1024xf32>,
    } else {
    }
    %mul3A_120 = arith.constant 8 : i32
    %mul3A_121 = arith.muli %arg0, %mul3A_120 : i32
    %add3A_122 = arith.constant 7 : i32
    %add3A_123 = arith.addi %mul3A_121, %add3A_122 : i32
    %lt3A_124 = arith.constant 256 : i32
    %lt3A_125 = arith.cmpi slt, %add3A_123, %lt3A_124 : i32
    %convert_element_type3A_126 = arith.extui %lt3A_125 : i1 to i32
    %cond3A_127 = arith.constant 0 : i32
    %cond3A_128 = arith.cmpi ne, %convert_element_type3A_126, %cond3A_127 : i32
    scf.if %cond3A_128 {
      %get3A = arith.constant 3584 : index
      %get3A_138 = arith.constant 0 : index
      %get3A_139 = vector.load %arg1[%get3A, %get3A_138] : memref<4096x128xf32, #tpu.memory_space<vmem>>, vector<128x128xf32>
      %transpose3A = tpu.transpose %get3A_139, [1, 0] : vector<128x128xf32> -> vector<128x128xf32>
      %slice3A = vector.extract_strided_slice %transpose3A {offsets = [0, 0], sizes = [64, 128], strides = [1, 1]} : vector<128x128xf32> to vector<64x128xf32>
      %swap3A = arith.constant 7 : index
      %swap3A_140 = arith.constant 0 : index
      %swap3A_141 = arith.constant 0 : index
      %swap3A_142 = vector.load %arg4[%swap3A, %swap3A_140, %swap3A_141] : memref<8x64x1024xf32, #tpu.memory_space<vmem>>, vector<1x64x128xf32>
      %swap3A_143 = vector.shape_cast %swap3A_142 : vector<1x64x128xf32> to vector<64x128xf32>
      %swap3A_144 = vector.shape_cast %slice3A : vector<64x128xf32> to vector<1x64x128xf32>
      tpu.vector_store %arg4[%swap3A, %swap3A_140, %swap3A_141], %swap3A_144 {strides = array<i32>} : memref<8x64x1024xf32, #tpu.memory_space<vmem>>, vector<1x64x128xf32>,
      %slice3A_145 = vector.extract_strided_slice %transpose3A {offsets = [64, 0], sizes = [64, 128], strides = [1, 1]} : vector<128x128xf32> to vector<64x128xf32>
      %swap3A_146 = arith.constant 7 : index
      %swap3A_147 = arith.constant 0 : index
      %swap3A_148 = arith.constant 512 : index
      %swap3A_149 = vector.load %arg4[%swap3A_146, %swap3A_147, %swap3A_148] : memref<8x64x1024xf32, #tpu.memory_space<vmem>>, vector<1x64x128xf32>
      %swap3A_150 = vector.shape_cast %swap3A_149 : vector<1x64x128xf32> to vector<64x128xf32>
      %swap3A_151 = vector.shape_cast %slice3A_145 : vector<64x128xf32> to vector<1x64x128xf32>
      tpu.vector_store %arg4[%swap3A_146, %swap3A_147, %swap3A_148], %swap3A_151 {strides = array<i32>} : memref<8x64x1024xf32, #tpu.memory_space<vmem>>, vector<1x64x128xf32>,
      %get3A_152 = arith.constant 3712 : index
      %get3A_153 = arith.constant 0 : index
      %get3A_154 = vector.load %arg1[%get3A_152, %get3A_153] : memref<4096x128xf32, #tpu.memory_space<vmem>>, vector<128x128xf32>
      %transpose3A_155 = tpu.transpose %get3A_154, [1, 0] : vector<128x128xf32> -> vector<128x128xf32>
      %slice3A_156 = vector.extract_strided_slice %transpose3A_155 {offsets = [0, 0], sizes = [64, 128], strides = [1, 1]} : vector<128x128xf32> to vector<64x128xf32>
      %swap3A_157 = arith.constant 7 : index
      %swap3A_158 = arith.constant 0 : index
      %swap3A_159 = arith.constant 128 : index
      %swap3A_160 = vector.load %arg4[%swap3A_157, %swap3A_158, %swap3A_159] : memref<8x64x1024xf32, #tpu.memory_space<vmem>>, vector<1x64x128xf32>
      %swap3A_161 = vector.shape_cast %swap3A_160 : vector<1x64x128xf32> to vector<64x128xf32>
      %swap3A_162 = vector.shape_cast %slice3A_156 : vector<64x128xf32> to vector<1x64x128xf32>
      tpu.vector_store %arg4[%swap3A_157, %swap3A_158, %swap3A_159], %swap3A_162 {strides = array<i32>} : memref<8x64x1024xf32, #tpu.memory_space<vmem>>, vector<1x64x128xf32>,
      %slice3A_163 = vector.extract_strided_slice %transpose3A_155 {offsets = [64, 0], sizes = [64, 128], strides = [1, 1]} : vector<128x128xf32> to vector<64x128xf32>
      %swap3A_164 = arith.constant 7 : index
      %swap3A_165 = arith.constant 0 : index
      %swap3A_166 = arith.constant 640 : index
      %swap3A_167 = vector.load %arg4[%swap3A_164, %swap3A_165, %swap3A_166] : memref<8x64x1024xf32, #tpu.memory_space<vmem>>, vector<1x64x128xf32>
      %swap3A_168 = vector.shape_cast %swap3A_167 : vector<1x64x128xf32> to vector<64x128xf32>
      %swap3A_169 = vector.shape_cast %slice3A_163 : vector<64x128xf32> to vector<1x64x128xf32>
      tpu.vector_store %arg4[%swap3A_164, %swap3A_165, %swap3A_166], %swap3A_169 {strides = array<i32>} : memref<8x64x1024xf32, #tpu.memory_space<vmem>>, vector<1x64x128xf32>,
      %get3A_170 = arith.constant 3840 : index
      %get3A_171 = arith.constant 0 : index
      %get3A_172 = vector.load %arg1[%get3A_170, %get3A_171] : memref<4096x128xf32, #tpu.memory_space<vmem>>, vector<128x128xf32>
      %transpose3A_173 = tpu.transpose %get3A_172, [1, 0] : vector<128x128xf32> -> vector<128x128xf32>
      %slice3A_174 = vector.extract_strided_slice %transpose3A_173 {offsets = [0, 0], sizes = [64, 128], strides = [1, 1]} : vector<128x128xf32> to vector<64x128xf32>
      %swap3A_175 = arith.constant 7 : index
      %swap3A_176 = arith.constant 0 : index
      %swap3A_177 = arith.constant 256 : index
      %swap3A_178 = vector.load %arg4[%swap3A_175, %swap3A_176, %swap3A_177] : memref<8x64x1024xf32, #tpu.memory_space<vmem>>, vector<1x64x128xf32>
      %swap3A_179 = vector.shape_cast %swap3A_178 : vector<1x64x128xf32> to vector<64x128xf32>
      %swap3A_180 = vector.shape_cast %slice3A_174 : vector<64x128xf32> to vector<1x64x128xf32>
      tpu.vector_store %arg4[%swap3A_175, %swap3A_176, %swap3A_177], %swap3A_180 {strides = array<i32>} : memref<8x64x1024xf32, #tpu.memory_space<vmem>>, vector<1x64x128xf32>,
      %slice3A_181 = vector.extract_strided_slice %transpose3A_173 {offsets = [64, 0], sizes = [64, 128], strides = [1, 1]} : vector<128x128xf32> to vector<64x128xf32>
      %swap3A_182 = arith.constant 7 : index
      %swap3A_183 = arith.constant 0 : index
      %swap3A_184 = arith.constant 768 : index
      %swap3A_185 = vector.load %arg4[%swap3A_182, %swap3A_183, %swap3A_184] : memref<8x64x1024xf32, #tpu.memory_space<vmem>>, vector<1x64x128xf32>
      %swap3A_186 = vector.shape_cast %swap3A_185 : vector<1x64x128xf32> to vector<64x128xf32>
      %swap3A_187 = vector.shape_cast %slice3A_181 : vector<64x128xf32> to vector<1x64x128xf32>
      tpu.vector_store %arg4[%swap3A_182, %swap3A_183, %swap3A_184], %swap3A_187 {strides = array<i32>} : memref<8x64x1024xf32, #tpu.memory_space<vmem>>, vector<1x64x128xf32>,
      %get3A_188 = arith.constant 3968 : index
      %get3A_189 = arith.constant 0 : index
      %get3A_190 = vector.load %arg1[%get3A_188, %get3A_189] : memref<4096x128xf32, #tpu.memory_space<vmem>>, vector<128x128xf32>
      %transpose3A_191 = tpu.transpose %get3A_190, [1, 0] : vector<128x128xf32> -> vector<128x128xf32>
      %slice3A_192 = vector.extract_strided_slice %transpose3A_191 {offsets = [0, 0], sizes = [64, 128], strides = [1, 1]} : vector<128x128xf32> to vector<64x128xf32>
      %swap3A_193 = arith.constant 7 : index
      %swap3A_194 = arith.constant 0 : index
      %swap3A_195 = arith.constant 384 : index
      %swap3A_196 = vector.load %arg4[%swap3A_193, %swap3A_194, %swap3A_195] : memref<8x64x1024xf32, #tpu.memory_space<vmem>>, vector<1x64x128xf32>
      %swap3A_197 = vector.shape_cast %swap3A_196 : vector<1x64x128xf32> to vector<64x128xf32>
      %swap3A_198 = vector.shape_cast %slice3A_192 : vector<64x128xf32> to vector<1x64x128xf32>
      tpu.vector_store %arg4[%swap3A_193, %swap3A_194, %swap3A_195], %swap3A_198 {strides = array<i32>} : memref<8x64x1024xf32, #tpu.memory_space<vmem>>, vector<1x64x128xf32>,
      %slice3A_199 = vector.extract_strided_slice %transpose3A_191 {offsets = [64, 0], sizes = [64, 128], strides = [1, 1]} : vector<128x128xf32> to vector<64x128xf32>
      %swap3A_200 = arith.constant 7 : index
      %swap3A_201 = arith.constant 0 : index
      %swap3A_202 = arith.constant 896 : index
      %swap3A_203 = vector.load %arg4[%swap3A_200, %swap3A_201, %swap3A_202] : memref<8x64x1024xf32, #tpu.memory_space<vmem>>, vector<1x64x128xf32>
      %swap3A_204 = vector.shape_cast %swap3A_203 : vector<1x64x128xf32> to vector<64x128xf32>
      %swap3A_205 = vector.shape_cast %slice3A_199 : vector<64x128xf32> to vector<1x64x128xf32>
      tpu.vector_store %arg4[%swap3A_200, %swap3A_201, %swap3A_202], %swap3A_205 {strides = array<i32>} : memref<8x64x1024xf32, #tpu.memory_space<vmem>>, vector<1x64x128xf32>,
    } else {
    }
    %mul3A_129 = arith.constant 8 : i32
    %mul3A_130 = arith.muli %arg0, %mul3A_129 : i32
    %add3A_131 = arith.constant 7 : i32
    %add3A_132 = arith.addi %mul3A_130, %add3A_131 : i32
    %ge3A_133 = arith.constant 256 : i32
    %ge3A_134 = arith.cmpi sge, %add3A_132, %ge3A_133 : i32
    %convert_element_type3A_135 = arith.extui %ge3A_134 : i1 to i32
    %cond3A_136 = arith.constant 0 : i32
    %cond3A_137 = arith.cmpi ne, %convert_element_type3A_135, %cond3A_136 : i32
    scf.if %cond3A_137 {
      %get3A = arith.constant 7 : index
      %get3A_138 = arith.constant 0 : index
      %get3A_139 = arith.constant 0 : index
      %get3A_140 = vector.load %arg2[%get3A, %get3A_138, %get3A_139] : memref<8x1x1024xi32, #tpu.memory_space<vmem>>, vector<1x1x1024xi32>
      %get3A_141 = vector.shape_cast %get3A_140 : vector<1x1x1024xi32> to vector<1024xi32>
      %max3A = arith.constant 0 : i32
      %max3A_142 = vector.broadcast %max3A : i32 to vector<1024xi32>
      %max3A_143 = arith.maxsi %get3A_141, %max3A_142 : vector<1024xi32>
      %min3A = arith.constant 10 : i32
      %min3A_144 = vector.broadcast %min3A : i32 to vector<1024xi32>
      %min3A_145 = arith.minsi %max3A_143, %min3A_144 : vector<1024xi32>
      %iota3A = tpu.iota {dimensions = array<i32: 0>} : vector<16x1024xi32>
      %broadcast_in_dim3A = vector.shape_cast %min3A_145 : vector<1024xi32> to vector<1x1024xi32>
      %eq3A = vector.broadcast %broadcast_in_dim3A : vector<1x1024xi32> to vector<16x1024xi32>
      %eq3A_146 = arith.cmpi eq, %iota3A, %eq3A : vector<16x1024xi32>
      %convert_element_type3A_147 = arith.extui %eq3A_146 : vector<16x1024xi1> to vector<16x1024xi32>
      %convert_element_type3A_148 = arith.sitofp %convert_element_type3A_147 : vector<16x1024xi32> to vector<16x1024xf32>
      %get3A_149 = arith.constant 0 : index
      %get3A_150 = arith.constant 0 : index
      %get3A_151 = vector.load %arg3[%get3A_149, %get3A_150] : memref<64x16xf32, #tpu.memory_space<vmem>>, vector<64x16xf32>
      %dot_general3A = arith.constant dense<0.000000e+00> : vector<64x1024xf32>
      %dot_general3A_152 = tpu.matmul %get3A_151, %convert_element_type3A_148, %dot_general3A {dimension_numbers = #tpu.dot_dimension_numbers<[1], [0], [0], [1], [0, 0, 1, 1], [], []>, precision = #tpu.contract_precision<fp32>, transpose_lhs_hint = false} : vector<64x16xf32>, vector<16x1024xf32>, vector<64x1024xf32> -> vector<64x1024xf32>
      %swap3A = arith.constant 7 : index
      %swap3A_153 = arith.constant 0 : index
      %swap3A_154 = arith.constant 0 : index
      %swap3A_155 = vector.load %arg4[%swap3A, %swap3A_153, %swap3A_154] : memref<8x64x1024xf32, #tpu.memory_space<vmem>>, vector<1x64x1024xf32>
      %swap3A_156 = vector.shape_cast %swap3A_155 : vector<1x64x1024xf32> to vector<64x1024xf32>
      %swap3A_157 = vector.shape_cast %dot_general3A_152 : vector<64x1024xf32> to vector<1x64x1024xf32>
      tpu.vector_store %arg4[%swap3A, %swap3A_153, %swap3A_154], %swap3A_157 {strides = array<i32>} : memref<8x64x1024xf32, #tpu.memory_space<vmem>>, vector<1x64x1024xf32>,
    } else {
    }
    return
  }
  func.func @transform_0(%arg0: i32) -> (i32, i32) {
    %min3A = arith.constant 31 : i32
    %min3A_0 = arith.minsi %arg0, %min3A : i32
    %c0_i32 = arith.constant 0 : i32
    %c0_i32_1 = arith.constant 0 : i32
    return %min3A_0, %c0_i32 : i32, i32
  }
  func.func @transform_1(%arg0: i32) -> (i32, i32, i32) {
    %c0_i32 = arith.constant 0 : i32
    %c0_i32_0 = arith.constant 0 : i32
    %c0_i32_1 = arith.constant 0 : i32
    return %arg0, %c0_i32, %c0_i32_0 : i32, i32, i32
  }
  func.func @transform_2(%arg0: i32) -> (i32, i32) {
    %c0_i32 = arith.constant 0 : i32
    %c0_i32_0 = arith.constant 0 : i32
    %c0_i32_1 = arith.constant 0 : i32
    return %c0_i32, %c0_i32_0 : i32, i32
  }
  func.func @transform_3(%arg0: i32) -> (i32, i32, i32) {
    %c0_i32 = arith.constant 0 : i32
    %c0_i32_0 = arith.constant 0 : i32
    %c0_i32_1 = arith.constant 0 : i32
    return %arg0, %c0_i32, %c0_i32_0 : i32, i32, i32
  }
}

</mosaic_0001>

<sc_bundles>
// kernel: kernel.4.cloned.1.call-start
scs
__scs_entry_jumppad:
0x0: {  	(pc) =	sbr.rel $0x88, $3  }
0x1: {  	(tag) =	ssettag $0x0;
	lr =	simm.s32 $0x1  }
0x2: {  	[smem:$0x3F9F] =	sst lr;
	_ =	strace $0xD0000000  }
0x3: {  	_ = 	snop  }
0x4: {  	_ = 	snop  }
0x5: {  	_ = 	snop  }
0x6: {  	_ = 	snop  }
0x7: {  	_ = 	snop  }
__scs_overlays_trampoline_lowered:
0x8: {  	[smem:$0x3FAE] =	sst s0  }
0x9: {  	[smem:$0x3FAF] =	sst s1  }
0xa: {  	[smem:$0x3FB0] =	sst s2  }
0xb: {  	[smem:$0x3FB1] =	sst s3  }
0xc: {  	[smem:$0x3FB2] =	sst s4  }
0xd: {  	[smem:$0x3FB3] =	sst s5  }
0xe: {  	[smem:$0x3FB4] =	sst s6  }
0xf: {  	[smem:$0x3FB5] =	sst s7  }
0x10: {  	[smem:$0x3FB6] =	sst s8  }
0x11: {  	[smem:$0x3FB7] =	sst s9;
	s0 =	simm.s32 @!p0 $0x0  }
0x12: {  	s1 =	sld [smem:$0x3F9D];
	s0 =	simm.s32 @p0 $0x1  }
0x13: {  	[smem:$0x3FB8] =	sst s0;
	s0 =	simm.s32 @!p1 $0x0  }
0x14: {  	s2 =	sld [smem:$0x3F9C];
	s0 =	simm.s32 @p1 $0x1  }
0x15: {  	[smem:$0x3FB9] =	sst s0;
	s0 =	simm.s32 @!p2 $0x0  }
0x16: {  	s3 =	sld [smem:$0x3FDB];
	s0 =	simm.s32 @p2 $0x1  }
0x17: {  	s4 =	simm.s32 $0x1BF5;
	[smem:$0x3FBB] =	sst s0  }
0x18: {  	s0 =	sld [smem:$0x3F9E];
	_ =	swait.ge [sflag:s4], $0x0  }
0x19: {  	s7 =	sld [smem:$0x3F9F]  }
0x1a: {  	s8 =	sadd.s32 $0xFFFFE003, lr  }
0x1b: {  	s9 =	sadd.s32 $0xFFFFFEF7, lr;
	s5 =	simm.s32 $0xFFFFFFFF;
	p2 =	slt.u32 s8, $0xFFFFF086  }
0x1c: {  	p1 =	slt.u32 s9, $0xF7A;
	s5 =	simm.s32 @!p2 $0x0  }
0x1d: {  	s5 =	simm.s32 @p1 $0x1;
	p0 =	seq.s32 s7, s2  }
0x1e: {  	s7 =	smul.u32 @!p0 $0xF7A, s2;
	p2 =	seq.s32 @!p0 s5, $0x0  }
0x1f: {  	s9 =	smul.u32 $0xF7A, s1;
	s8 =	simm.s32 @!p0 $0x1BF5;
	p2 =	por !p2, p0  }
0x20: {  	[sflag:s8] =	ssyncset.s32 @!p0 $0xFFFFF086;
	s6 =	sadd.s32 @!p0 s3, s7;
	s7 =	simm.s32 @!p0 $0x108  }
0x21: {  	s3 =	sadd.s32 s3, s9;
	s6 =	sadd.s32 @!p0 $0x88, s6;
	s7 =	simm.s32 @p2 $0x1082  }
0x22: {  	[simem:s7], [sflag:s8] =	dma.local @!p0 [hbm:s6], $0xF7A  }
0x23: {  	s9 =	sor.u32 $0xD0000000, s2;
	s6 =	simm.s32 $0x108;
	_ =	swait.ge @!p0 [sflag:s8], $0x0  }
0x24: {  	s3 =	sadd.s32 $0x88, s3;
	s6 =	simm.s32 @!p1 $0x1082;
	[sflag:s4] =	ssyncset.s32 $0xFFFFF086  }
0x25: {  	[simem:s6], [sflag:s4] =	dma.local [hbm:s3], $0xF7A  }
0x26: {  	[smem:$0x3F9F] =	sst s1;
	(tag) =	ssettag s2;
	_ =	strace s9  }
0x27: {  	s1 =	sld [smem:$0x3FAF]  }
0x28: {  	s2 =	sld [smem:$0x3FB0]  }
0x29: {  	s4 =	sld [smem:$0x3FB2]  }
0x2a: {  	p0 =	seq.s32 s5, $0x0;
	s5 =	sld [smem:$0x3FB3]  }
0x2b: {  	s6 =	sld [smem:$0x3FB4]  }
0x2c: {  	s7 =	sld [smem:$0x3FB5]  }
0x2d: {  	s3 =	simm.s32 $0x108;
	s8 =	sld [smem:$0x3FB6]  }
0x2e: {  	s3 =	simm.s32 @!p0 $0x1082;
	s9 =	sld [smem:$0x3FB7]  }
0x2f: {  	lr =	sadd.s32 s0, s3;
	s0 =	sld [smem:$0x3FAE]  }
0x30: {  	s3 =	sld [smem:$0x3FB1]  }
0x31: {  	[smem:$0x3FBA] =	sst s10  }
0x32: {  	s10 =	sld [smem:$0x3FB8];
	_ =	sdelay $0x3  }
0x33: {  	p0 =	seq.s32 s10, $0x1;
	s10 =	sld [smem:$0x3FBA];
	_ =	sdelay $0x3  }
0x34: {  	[smem:$0x3FBA] =	sst s10  }
0x35: {  	s10 =	sld [smem:$0x3FB9];
	_ =	sdelay $0x3  }
0x36: {  	p1 =	seq.s32 s10, $0x1;
	s10 =	sld [smem:$0x3FBA];
	_ =	sdelay $0x3  }
0x37: {  	[smem:$0x3FBA] =	sst s10  }
0x38: {  	s10 =	sld [smem:$0x3FBB]  }
0x39: {  	_ = 	snop;
	(pc) =	sbr.ind lr, $3  }
0x3a: {  	_ = 	snop  }
0x3b: {  	_ = 	snop  }
0x3c: {  	p2 =	seq.s32 s10, $0x1;
	s10 =	sld [smem:$0x3FBA]  }
0x3d: {  	_ =	shalt  }
0x3e: {  	_ =	shalt  }
0x3f: {  	_ =	shalt  }
0x40: {  	_ =	shalt  }
0x41: {  	_ =	shalt  }
0x42: {  	_ =	shalt  }
0x43: {  	_ =	shalt  }
0x44: {  	_ =	shalt  }
0x45: {  	_ =	shalt  }
0x46: {  	_ =	shalt  }
0x47: {  	_ =	shalt  }
0x48: {  	_ =	shalt  }
0x49: {  	_ =	shalt  }
0x4a: {  	_ =	shalt  }
0x4b: {  	_ =	shalt  }
0x4c: {  	_ =	shalt  }
0x4d: {  	_ =	shalt  }
0x4e: {  	_ =	shalt  }
0x4f: {  	_ =	shalt  }
0x50: {  	_ =	shalt  }
0x51: {  	_ =	shalt  }
0x52: {  	_ =	shalt  }
0x53: {  	_ =	shalt  }
0x54: {  	_ =	shalt  }
0x55: {  	_ =	shalt  }
0x56: {  	_ =	shalt  }
0x57: {  	_ =	shalt  }
0x58: {  	_ =	shalt  }
0x59: {  	_ =	shalt  }
0x5a: {  	_ =	shalt  }
0x5b: {  	_ =	shalt  }
0x5c: {  	_ =	shalt  }
0x5d: {  	_ =	shalt  }
0x5e: {  	_ =	shalt  }
0x5f: {  	_ =	shalt  }
0x60: {  	_ =	shalt  }
0x61: {  	_ =	shalt  }
0x62: {  	_ =	shalt  }
0x63: {  	_ =	shalt  }
0x64: {  	_ =	shalt  }
0x65: {  	_ =	shalt  }
0x66: {  	_ =	shalt  }
0x67: {  	_ =	shalt  }
0x68: {  	_ =	shalt  }
0x69: {  	_ =	shalt  }
0x6a: {  	_ =	shalt  }
0x6b: {  	_ =	shalt  }
0x6c: {  	_ =	shalt  }
0x6d: {  	_ =	shalt  }
0x6e: {  	_ =	shalt  }
0x6f: {  	_ =	shalt  }
0x70: {  	_ =	shalt  }
0x71: {  	_ =	shalt  }
0x72: {  	_ =	shalt  }
0x73: {  	_ =	shalt  }
0x74: {  	_ =	shalt  }
0x75: {  	_ =	shalt  }
0x76: {  	_ =	shalt  }
0x77: {  	_ =	shalt  }
0x78: {  	_ =	shalt  }
0x79: {  	_ =	shalt  }
0x7a: {  	_ =	shalt  }
0x7b: {  	_ =	shalt  }
0x7c: {  	_ =	shalt  }
0x7d: {  	_ =	shalt  }
0x7e: {  	_ =	shalt  }
0x7f: {  	_ =	shalt  }
0x80: {  	_ =	shalt  }
0x81: {  	_ =	shalt  }
0x82: {  	_ =	shalt  }
0x83: {  	_ =	shalt  }
0x84: {  	_ =	shalt  }
0x85: {  	_ =	shalt  }
0x86: {  	_ =	shalt  }
0x87: {  	_ =	shalt  }
.Lfunc_end0:
.L_simem_size_0:
called_computation_lowered:
.L_overlay_start_0:
0x88: {  	s2 =	sld [smem:$0x3FD9]  }
0x89: {  	s3 =	sld [smem:$0x3FFE];
	_ =	sdelay $0x1  }
0x8a: {  	s1 =	srdreg.scid  }
0x8b: {  	s0 =	sand.u32 $0x1, s1  }
0x8c: {  	s17 =	sshll.u32 s0, $0xA;
	s2 =	sadd.s32 s3, s2  }
0x8d: {  	s2 =	sadd.s32 s2, s17  }
0x8e: {  	[smem:$0x3FC6] =	sst s2  }
0x8f: {  	_ = 	snop  }
0x90: {  	s2 =	sld [smem:$0x3FC9]  }
0x91: {  	s18 =	sld [smem:$0x3FD0];
	(tm) =	ssettm $0x1  }
0x92: {  	s4 =	sld [smem:$0x3FFB];
	_ =	sdelay $0x3  }
0x93: {  	_ =	strace s4  }
0x94: {  	s4 =	sld [smem:$0x3FFC];
	_ =	sdelay $0x3  }
0x95: {  	_ =	strace s4  }
0x96: {  	s4 =	sld [smem:$0x3FFD];
	_ =	sdelay $0x3  }
0x97: {  	_ =	strace s4  }
0x98: {  	_ =	strace $0x8FFFFFFF  }
0x99: {  	s19 =	sld [smem:$0x3FDB];
	_ =	sdelay $0x1  }
0x9a: {  	s5 =	simm.s32 $_scs_section_size  }
0x9b: {  	s6 =	simm.s32 $_size__tile_overlayer_lowered;
	s7 =	simm.s32 $_tile_overlayer_lowered  }
0x9c: {  	s22 =	simm.s32 $0x1BFF;
	s21 =	sshll.u32 s7, $0x1;
	s4 =	sadd.s32 s5, s19  }
0x9d: {  	s8 =	simm.s32 $0x0;
	s20 =	sshll.u32 s6, $0x1;
	s6 =	sadd.s32 s21, s4  }
0x9e: {  	[timem:s8], [sflag:s22] =	dma.local [hbm:s6], s20  }
0x9f: {  	_ =	swait.ge [sflag:s22], s20  }
0xa0: {  	s5 =	ssub.s32 $0x0, s20;
	[sflag:s22] =	ssyncset.done $0x0  }
0xa1: {  	[sflag:s22] =	ssyncadd.s32 s5;
	_ =	sdelay $0x1  }
0xa2: {  	s23 =	simm.s32 $0x1B8B  }
0xa3: {  	_ =	swait.ge [sflag:s23], $0x1  }
0xa4: {  	[sflag:s23] =	ssyncset.done $0x0  }
0xa5: {  	s25 =	simm.s32 $0x1B8E;
	s24 =	sld [smem:$0x3FFE];
	[sflag:s23] =	ssyncadd.s32 $0xFFFFFFFF  }
0xa6: {  	s26 =	simm.s32 $execute0_lowered;
	[smem:$0x3FD2] =	sst s25  }
0xa7: {  	s6 =	sshll.u32 s26, $0x1;
	_ =	strace $0x80000046;
	[dreg:$0x1] =	wrdreg $0xFFFFFFFF  }
0xa8: {  	s28 =	simm.s32 $_size_execute0_lowered;
	s4 =	sadd.s32 s4, s6;
	[dreg:$0x0] =	wrdreg $0x0  }
0xa9: {  	s6 =	sshll.u32 s28, $0x1;
	[dreg:$0x2] =	wrdreg s4  }
0xaa: {  	[dreg:$0x3] =	wrdreg s6  }
0xab: {  	[dreg:$0x4] =	wrdreg $0xC0  }
0xac: {  	_ =	task [dreg:s8], $0x5FFFF  }
0xad: {  	[dreg:$0x1] =	wrdreg $0xFFFFFFFF  }
0xae: {  	[dreg:$0x0] =	wrdreg $0x60  }
0xaf: {  	[dreg:$0x2] =	wrdreg s2  }
0xb0: {  	[dreg:$0x3] =	wrdreg s18  }
0xb1: {  	[dreg:$0x4] =	wrdreg s24  }
0xb2: {  	[dreg:$0x5] =	wrdreg $0x30000  }
0xb3: {  	[dreg:$0x6] =	wrdreg $0x9  }
0xb4: {  	_ =	task.clear_ibuf [dreg:s8], $0x7FFFF;
	_ =	strace $0x90000046  }
0xb5: {  	s29 =	simm.s32 $0x9;
	_ =	strace $0x80000048  }
0xb6: {  	_ =	swait.ge [sflag:s29], $0x1  }
0xb7: {  	[sflag:s29] =	ssyncadd.s32 $0xFFFFFFFF  }
0xb8: {  	_ =	strace $0x90000048  }
0xb9: {  	_ =	sfence  }
0xba: {  	s30 =	sld [smem:$0x0];
	_ =	sdelay $0x2  }
0xbb: {  	s31 =	sshll.u32 s1, $0xD;
	s1 =	sshrl.u32 s1, $0x2  }
0xbc: {  	s3 =	sand.u32 $0x4000, s31;
	s1 =	sadd.s32 s1, s30  }
0xbd: {  	s0 =	sor.u32 s3, s0;
	s1 =	sshll.u32 s1, $0x11  }
0xbe: {  	s0 =	sor.u32 s1, s0  }
0xbf: {  	s0 =	sadd.s32 $0x8F2B, s0  }
0xc0: {  	[sflag:s0] =	ssyncadd.remote.s32 $0x1  }
0xc1: {  	_ =	sfence.sel $0xFFFF  }
0xc2: {  	[dreg:$0x0] =	wrdreg $0xFFFFFFFF;
	(pc) =	sbr.abs _section_cstart, $3  }
0xc3: {  	[dreg:$0x1] =	wrdreg $0xFFFFFFFF  }
0xc4: {  	_ =	task.clear_ibuf [dreg:s8], $0x2FFFF;
	_ =	strace $0x9FFFFFFF  }
0xc5: {  	(tm) =	ssettm $0x7FFFFFFF  }
tec
execute0_lowered:
.L_overlay_start_1:
0x0: {  	(tag) =	ssettag $0x1  }
0x1: {  	s0 =	rddreg [dreg:$0x0]  }
0x2: {  	s1 =	rddreg [dreg:$0x2]  }
0x3: {  	s2 =	rddreg [dreg:$0x3];
	s3 =	simm.s32 $0x0;
	s4 =	srdreg.scid  }
0x4: {  	s6 =	stileid.u32;
	s11 =	simm.s32 $0x80;
	s13 =	simm.s32 $0x33C8  }
0x5: {  	s15 =	simm.s32 $0x73C8;
	s17 =	simm.s32 $0xB3C8;
	s19 =	simm.s32 $0xF3C8  }
0x6: {  	s20 =	simm.s32 $0x1;
	s21 =	simm.s32 $0x5;
	s22 =	simm.s32 $0x2  }
0x7: {  	s23 =	simm.s32 $0x6;
	s24 =	simm.s32 $0x3;
	s25 =	simm.s32 $0x7  }
0x8: {  	s28 =	simm.s32 $0x8;
	s29 =	simm.s32 $0x0;
	[smem:$0x7FF] =	sst s3  }
0x9: {  	s4 =	sand.u32 $0x1, s4;
	s1 =	sadd.s32 $0x800, s1;
	s8 =	sshll.u32 s6, $0xB  }
0xa: {  	s26 =	sshll.u32 s6, $0x11;
	p0 =	sne.s32 s6, $0x0;
	_ =	strace $0x80000047  }
0xb: {  	s5 =	ssub.s32 $0x2, s4;
	s9 =	sshll.u32 s4, $0xA;
	s10 =	sshll.u32 s4, $0x10  }
.Ltmp0:
0xc: {  	s31 =	sadd.s32 s26, s1;
	s7 =	sshrl.u32 s5, $0x1;
	(pc) =	sbr.rel .LBB2_1-.Ltmp0, $4  }
0xd: {  	s8 =	sor.u32 s9, s8;
	s30 =	sor.u32 s10, s26;
	s9 =	sshrl.u32 @!p0 s2, $0x3  }
0xe: {  	s26 =	simm.s32 $0x4;
	s5 =	ssub.s32 s5, s7;
	s4 =	sadd.s32 s0, s8  }
0xf: {  	s0 =	sadd.s32 s30, s1;
	s1 =	sadd.s32 s10, s31;
	s10 =	simm.s32 $0x9  }
0x10: {  	s5 =	smax.u32 s5, $0x1;
	s7 =	sadd.s32 $0x1800, s0;
	s8 =	sadd.s32 $0x1000, s0  }
.LBB2_6:
0x11: {  	s29 =	sadd.s32 $0x1, s29  }
0x12: {  	p1 =	sne.s32 s29, s5  }
.Ltmp1:
0x13: {  	_ = 	snop;
	(pc) =	sbr.rel @!p1 .LBB2_7-.Ltmp1, $1  }
0x14: {  	_ =	sdelay $0x3  }
.LBB2_1:
0x15: {  	s0 =	simm.s32 @!p0 $0x1C09;
	s6 =	rddreg [dreg:$0x1]  }
0x16: {  	[spmem:s9], [sflag:s0] =	dma.local @!p0 [hbm:s6], $0x790  }
0x17: {  	s0 =	simm.s32 @!p0 $0x9  }
0x18: {  	_ =	swait.ge @!p0 [sflag:s0], $0x790  }
0x19: {  	[sflag:s0] =	ssyncset.done @!p0 $0x0  }
0x1a: {  	[sflag:s0] =	ssyncadd.s32 @!p0 $0xFFFFF870  }
0x1b: {  	[tilespmem:s3], [sflag:$0x9] =	stream.linear.gather [hbm4b:s4+s3], $0x2000, $0x38;
	[tilespmem:$0x133C8] =	vst v63  }
0x1c: {  	_ =	swait.ge [sflag:s10], $0x2000  }
0x1d: {  	[sflag:s10] =	ssyncset.done $0x0  }
0x1e: {  	s30 =	simm.s32 $0x1000;
	s31 =	simm.s32 $0x0;
	[sflag:s10] =	ssyncadd.s32 $0xFFFFE000  }
.LBB2_2:
0x1f: {  	v0 =	vld [tilespmem:s30+$0xFFFFF000];
	_ =	sdelay $0x1  }
0x20: {  	v1 =	vld [tilespmem:s30+$0x0];
	_ =	sdelay $0x2  }
0x21: {  	vm0 =	vgt.s32 v0, $0x0  }
0x22: {  	v0 =	vnsel vm0, $0x0, v0  }
0x23: {  	vm13 =	vgt.s32 v1, $0x0;
	v0 =	vmin.u32 v0, $0xA  }
0x24: {  	v1 =	vnsel vm13, $0x0, v1;
	v0 =	vmul.u32 $0xB, v0  }
0x25: {  	v1 =	vmin.u32 v1, $0xA  }
0x26: {  	s0 =	sshra.s32 s31, $0x2;
	v0 =	vadd.s32 v1, v0  }
0x27: {  	[tilespmem:s0+$0x2000] =	vst v0  }
0x28: {  	v0 =	vld [tilespmem:s30+$0xFFFFF010];
	_ =	sdelay $0x1  }
0x29: {  	v33 =	vld [tilespmem:s30+$0x10];
	_ =	sdelay $0x2  }
0x2a: {  	vm14 =	vgt.s32 v0, $0x0  }
0x2b: {  	v0 =	vnsel vm14, $0x0, v0  }
0x2c: {  	vm15 =	vgt.s32 v33, $0x0;
	v0 =	vmin.u32 v0, $0xA  }
0x2d: {  	v1 =	vnsel vm15, $0x0, v33;
	v0 =	vmul.u32 $0xB, v0  }
0x2e: {  	v1 =	vmin.u32 v1, $0xA  }
0x2f: {  	v0 =	vadd.s32 v1, v0  }
0x30: {  	[tilespmem:s0+$0x2010] =	vst v0  }
0x31: {  	v0 =	vld [tilespmem:s30+$0xFFFFF020];
	_ =	sdelay $0x1  }
0x32: {  	v34 =	vld [tilespmem:s30+$0x20];
	_ =	sdelay $0x2  }
0x33: {  	vm4 =	vgt.s32 v0, $0x0  }
0x34: {  	v0 =	vnsel vm4, $0x0, v0  }
0x35: {  	vm5 =	vgt.s32 v34, $0x0;
	v0 =	vmin.u32 v0, $0xA  }
0x36: {  	v1 =	vnsel vm5, $0x0, v34;
	v0 =	vmul.u32 $0xB, v0  }
0x37: {  	v1 =	vmin.u32 v1, $0xA  }
0x38: {  	v0 =	vadd.s32 v1, v0  }
0x39: {  	[tilespmem:s0+$0x2020] =	vst v0  }
0x3a: {  	v0 =	vld [tilespmem:s30+$0xFFFFF030];
	_ =	sdelay $0x1  }
0x3b: {  	v35 =	vld [tilespmem:s30+$0x30];
	_ =	sdelay $0x2  }
0x3c: {  	vm6 =	vgt.s32 v0, $0x0  }
0x3d: {  	v0 =	vnsel vm6, $0x0, v0  }
0x3e: {  	vm7 =	vgt.s32 v35, $0x0;
	v0 =	vmin.u32 v0, $0xA  }
0x3f: {  	v1 =	vnsel vm7, $0x0, v35;
	v0 =	vmul.u32 $0xB, v0  }
0x40: {  	v1 =	vmin.u32 v1, $0xA  }
0x41: {  	v0 =	vadd.s32 v1, v0  }
0x42: {  	[tilespmem:s0+$0x2030] =	vst v0  }
0x43: {  	v0 =	vld [tilespmem:s30+$0xFFFFF040];
	_ =	sdelay $0x1  }
0x44: {  	v36 =	vld [tilespmem:s30+$0x40];
	_ =	sdelay $0x2  }
0x45: {  	vm8 =	vgt.s32 v0, $0x0  }
0x46: {  	v0 =	vnsel vm8, $0x0, v0  }
0x47: {  	vm9 =	vgt.s32 v36, $0x0;
	v0 =	vmin.u32 v0, $0xA  }
0x48: {  	v1 =	vnsel vm9, $0x0, v36;
	v0 =	vmul.u32 $0xB, v0  }
0x49: {  	v1 =	vmin.u32 v1, $0xA  }
0x4a: {  	v0 =	vadd.s32 v1, v0  }
0x4b: {  	[tilespmem:s0+$0x2040] =	vst v0  }
0x4c: {  	v0 =	vld [tilespmem:s30+$0xFFFFF050];
	_ =	sdelay $0x1  }
0x4d: {  	v37 =	vld [tilespmem:s30+$0x50];
	_ =	sdelay $0x2  }
0x4e: {  	vm10 =	vgt.s32 v0, $0x0  }
0x4f: {  	v0 =	vnsel vm10, $0x0, v0  }
0x50: {  	vm11 =	vgt.s32 v37, $0x0;
	v0 =	vmin.u32 v0, $0xA  }
0x51: {  	v1 =	vnsel vm11, $0x0, v37;
	v0 =	vmul.u32 $0xB, v0  }
0x52: {  	v1 =	vmin.u32 v1, $0xA  }
0x53: {  	v0 =	vadd.s32 v1, v0  }
0x54: {  	[tilespmem:s0+$0x2050] =	vst v0  }
0x55: {  	v0 =	vld [tilespmem:s30+$0xFFFFF060];
	_ =	sdelay $0x1  }
0x56: {  	v38 =	vld [tilespmem:s30+$0x60];
	_ =	sdelay $0x2  }
0x57: {  	vm12 =	vgt.s32 v0, $0x0  }
0x58: {  	v0 =	vnsel vm12, $0x0, v0  }
0x59: {  	vm13 =	vgt.s32 v38, $0x0;
	v0 =	vmin.u32 v0, $0xA  }
0x5a: {  	v1 =	vnsel vm13, $0x0, v38;
	v0 =	vmul.u32 $0xB, v0  }
0x5b: {  	v1 =	vmin.u32 v1, $0xA  }
0x5c: {  	v0 =	vadd.s32 v1, v0  }
0x5d: {  	[tilespmem:s0+$0x2060] =	vst v0  }
0x5e: {  	v0 =	vld [tilespmem:s30+$0xFFFFF070];
	_ =	sdelay $0x1  }
0x5f: {  	v39 =	vld [tilespmem:s30+$0x70];
	_ =	sdelay $0x2  }
0x60: {  	vm14 =	vgt.s32 v0, $0x0  }
0x61: {  	v0 =	vnsel vm14, $0x0, v0  }
0x62: {  	vm15 =	vgt.s32 v39, $0x0;
	v0 =	vmin.u32 v0, $0xA  }
0x63: {  	v1 =	vnsel vm15, $0x0, v39;
	v0 =	vmul.u32 $0xB, v0  }
0x64: {  	v1 =	vmin.u32 v1, $0xA  }
0x65: {  	v0 =	vadd.s32 v1, v0  }
0x66: {  	[tilespmem:s0+$0x2070] =	vst v0  }
0x67: {  	v0 =	vld [tilespmem:s30+$0xFFFFF400];
	_ =	sdelay $0x1  }
0x68: {  	v40 =	vld [tilespmem:s30+$0x400];
	_ =	sdelay $0x2  }
0x69: {  	vm4 =	vgt.s32 v0, $0x0  }
0x6a: {  	v0 =	vnsel vm4, $0x0, v0  }
0x6b: {  	vm5 =	vgt.s32 v40, $0x0;
	v0 =	vmin.u32 v0, $0xA  }
0x6c: {  	v1 =	vnsel vm5, $0x0, v40;
	v0 =	vmul.u32 $0xB, v0  }
0x6d: {  	v1 =	vmin.u32 v1, $0xA  }
0x6e: {  	v0 =	vadd.s32 v1, v0  }
0x6f: {  	[tilespmem:s0+$0x2080] =	vst v0  }
0x70: {  	v0 =	vld [tilespmem:s30+$0xFFFFF410];
	_ =	sdelay $0x1  }
0x71: {  	v41 =	vld [tilespmem:s30+$0x410];
	_ =	sdelay $0x2  }
0x72: {  	vm6 =	vgt.s32 v0, $0x0  }
0x73: {  	v0 =	vnsel vm6, $0x0, v0  }
0x74: {  	vm7 =	vgt.s32 v41, $0x0;
	v0 =	vmin.u32 v0, $0xA  }
0x75: {  	v1 =	vnsel vm7, $0x0, v41;
	v0 =	vmul.u32 $0xB, v0  }
0x76: {  	v1 =	vmin.u32 v1, $0xA  }
0x77: {  	v0 =	vadd.s32 v1, v0  }
0x78: {  	[tilespmem:s0+$0x2090] =	vst v0  }
0x79: {  	v0 =	vld [tilespmem:s30+$0xFFFFF420];
	_ =	sdelay $0x1  }
0x7a: {  	v42 =	vld [tilespmem:s30+$0x420];
	_ =	sdelay $0x2  }
0x7b: {  	vm8 =	vgt.s32 v0, $0x0  }
0x7c: {  	v0 =	vnsel vm8, $0x0, v0  }
0x7d: {  	vm9 =	vgt.s32 v42, $0x0;
	v0 =	vmin.u32 v0, $0xA  }
0x7e: {  	v1 =	vnsel vm9, $0x0, v42;
	v0 =	vmul.u32 $0xB, v0  }
0x7f: {  	v1 =	vmin.u32 v1, $0xA  }
0x80: {  	v0 =	vadd.s32 v1, v0  }
0x81: {  	[tilespmem:s0+$0x20A0] =	vst v0  }
0x82: {  	v0 =	vld [tilespmem:s30+$0xFFFFF430];
	_ =	sdelay $0x1  }
0x83: {  	v43 =	vld [tilespmem:s30+$0x430];
	_ =	sdelay $0x2  }
0x84: {  	vm10 =	vgt.s32 v0, $0x0  }
0x85: {  	v0 =	vnsel vm10, $0x0, v0  }
0x86: {  	vm11 =	vgt.s32 v43, $0x0;
	v0 =	vmin.u32 v0, $0xA  }
0x87: {  	v1 =	vnsel vm11, $0x0, v43;
	v0 =	vmul.u32 $0xB, v0  }
0x88: {  	v1 =	vmin.u32 v1, $0xA  }
0x89: {  	v0 =	vadd.s32 v1, v0  }
0x8a: {  	[tilespmem:s0+$0x20B0] =	vst v0  }
0x8b: {  	v0 =	vld [tilespmem:s30+$0xFFFFF440];
	_ =	sdelay $0x1  }
0x8c: {  	v44 =	vld [tilespmem:s30+$0x440];
	_ =	sdelay $0x2  }
0x8d: {  	vm12 =	vgt.s32 v0, $0x0  }
0x8e: {  	v0 =	vnsel vm12, $0x0, v0  }
0x8f: {  	vm13 =	vgt.s32 v44, $0x0;
	v0 =	vmin.u32 v0, $0xA  }
0x90: {  	v1 =	vnsel vm13, $0x0, v44;
	v0 =	vmul.u32 $0xB, v0  }
0x91: {  	v1 =	vmin.u32 v1, $0xA  }
0x92: {  	v0 =	vadd.s32 v1, v0  }
0x93: {  	[tilespmem:s0+$0x20C0] =	vst v0  }
0x94: {  	v0 =	vld [tilespmem:s30+$0xFFFFF450];
	_ =	sdelay $0x1  }
0x95: {  	v45 =	vld [tilespmem:s30+$0x450];
	_ =	sdelay $0x2  }
0x96: {  	vm14 =	vgt.s32 v0, $0x0  }
0x97: {  	v0 =	vnsel vm14, $0x0, v0  }
0x98: {  	vm15 =	vgt.s32 v45, $0x0;
	v0 =	vmin.u32 v0, $0xA  }
0x99: {  	v1 =	vnsel vm15, $0x0, v45;
	v0 =	vmul.u32 $0xB, v0  }
0x9a: {  	v1 =	vmin.u32 v1, $0xA  }
0x9b: {  	v0 =	vadd.s32 v1, v0  }
0x9c: {  	[tilespmem:s0+$0x20D0] =	vst v0  }
0x9d: {  	v0 =	vld [tilespmem:s30+$0xFFFFF460];
	_ =	sdelay $0x1  }
0x9e: {  	v46 =	vld [tilespmem:s30+$0x460];
	_ =	sdelay $0x2  }
0x9f: {  	vm4 =	vgt.s32 v0, $0x0  }
0xa0: {  	v0 =	vnsel vm4, $0x0, v0  }
0xa1: {  	vm5 =	vgt.s32 v46, $0x0;
	v0 =	vmin.u32 v0, $0xA  }
0xa2: {  	v1 =	vnsel vm5, $0x0, v46;
	v0 =	vmul.u32 $0xB, v0  }
0xa3: {  	v1 =	vmin.u32 v1, $0xA  }
0xa4: {  	v0 =	vadd.s32 v1, v0  }
0xa5: {  	[tilespmem:s0+$0x20E0] =	vst v0  }
0xa6: {  	v0 =	vld [tilespmem:s30+$0xFFFFF470];
	_ =	sdelay $0x1  }
0xa7: {  	v47 =	vld [tilespmem:s30+$0x470];
	_ =	sdelay $0x2  }
0xa8: {  	vm6 =	vgt.s32 v0, $0x0  }
0xa9: {  	v0 =	vnsel vm6, $0x0, v0  }
0xaa: {  	vm7 =	vgt.s32 v47, $0x0;
	v0 =	vmin.u32 v0, $0xA  }
0xab: {  	v1 =	vnsel vm7, $0x0, v47;
	v0 =	vmul.u32 $0xB, v0  }
0xac: {  	v1 =	vmin.u32 v1, $0xA  }
0xad: {  	v0 =	vadd.s32 v1, v0  }
0xae: {  	[tilespmem:s0+$0x20F0] =	vst v0  }
0xaf: {  	v0 =	vld [tilespmem:s30+$0xFFFFF800];
	_ =	sdelay $0x1  }
0xb0: {  	v48 =	vld [tilespmem:s30+$0x800];
	_ =	sdelay $0x2  }
0xb1: {  	vm8 =	vgt.s32 v0, $0x0  }
0xb2: {  	v0 =	vnsel vm8, $0x0, v0  }
0xb3: {  	vm9 =	vgt.s32 v48, $0x0;
	v0 =	vmin.u32 v0, $0xA  }
0xb4: {  	v1 =	vnsel vm9, $0x0, v48;
	v0 =	vmul.u32 $0xB, v0  }
0xb5: {  	v1 =	vmin.u32 v1, $0xA  }
0xb6: {  	v0 =	vadd.s32 v1, v0  }
0xb7: {  	[tilespmem:s0+$0x2100] =	vst v0  }
0xb8: {  	v0 =	vld [tilespmem:s30+$0xFFFFF810];
	_ =	sdelay $0x1  }
0xb9: {  	v49 =	vld [tilespmem:s30+$0x810];
	_ =	sdelay $0x2  }
0xba: {  	vm10 =	vgt.s32 v0, $0x0  }
0xbb: {  	v0 =	vnsel vm10, $0x0, v0  }
0xbc: {  	vm11 =	vgt.s32 v49, $0x0;
	v0 =	vmin.u32 v0, $0xA  }
0xbd: {  	v1 =	vnsel vm11, $0x0, v49;
	v0 =	vmul.u32 $0xB, v0  }
0xbe: {  	v1 =	vmin.u32 v1, $0xA  }
0xbf: {  	v0 =	vadd.s32 v1, v0  }
0xc0: {  	[tilespmem:s0+$0x2110] =	vst v0  }
0xc1: {  	v0 =	vld [tilespmem:s30+$0xFFFFF820];
	_ =	sdelay $0x1  }
0xc2: {  	v50 =	vld [tilespmem:s30+$0x820];
	_ =	sdelay $0x2  }
0xc3: {  	vm12 =	vgt.s32 v0, $0x0  }
0xc4: {  	v0 =	vnsel vm12, $0x0, v0  }
0xc5: {  	vm13 =	vgt.s32 v50, $0x0;
	v0 =	vmin.u32 v0, $0xA  }
0xc6: {  	v1 =	vnsel vm13, $0x0, v50;
	v0 =	vmul.u32 $0xB, v0  }
0xc7: {  	v1 =	vmin.u32 v1, $0xA  }
0xc8: {  	v0 =	vadd.s32 v1, v0  }
0xc9: {  	[tilespmem:s0+$0x2120] =	vst v0  }
0xca: {  	v0 =	vld [tilespmem:s30+$0xFFFFF830];
	_ =	sdelay $0x1  }
0xcb: {  	v51 =	vld [tilespmem:s30+$0x830];
	_ =	sdelay $0x2  }
0xcc: {  	vm14 =	vgt.s32 v0, $0x0  }
0xcd: {  	v0 =	vnsel vm14, $0x0, v0  }
0xce: {  	vm15 =	vgt.s32 v51, $0x0;
	v0 =	vmin.u32 v0, $0xA  }
0xcf: {  	v1 =	vnsel vm15, $0x0, v51;
	v0 =	vmul.u32 $0xB, v0  }
0xd0: {  	v1 =	vmin.u32 v1, $0xA  }
0xd1: {  	v0 =	vadd.s32 v1, v0  }
0xd2: {  	[tilespmem:s0+$0x2130] =	vst v0  }
0xd3: {  	v0 =	vld [tilespmem:s30+$0xFFFFF840];
	_ =	sdelay $0x1  }
0xd4: {  	v52 =	vld [tilespmem:s30+$0x840];
	_ =	sdelay $0x2  }
0xd5: {  	vm4 =	vgt.s32 v0, $0x0  }
0xd6: {  	v0 =	vnsel vm4, $0x0, v0  }
0xd7: {  	vm5 =	vgt.s32 v52, $0x0;
	v0 =	vmin.u32 v0, $0xA  }
0xd8: {  	v1 =	vnsel vm5, $0x0, v52;
	v0 =	vmul.u32 $0xB, v0  }
0xd9: {  	v1 =	vmin.u32 v1, $0xA  }
0xda: {  	v0 =	vadd.s32 v1, v0  }
0xdb: {  	[tilespmem:s0+$0x2140] =	vst v0  }
0xdc: {  	v0 =	vld [tilespmem:s30+$0xFFFFF850];
	_ =	sdelay $0x1  }
0xdd: {  	v53 =	vld [tilespmem:s30+$0x850];
	_ =	sdelay $0x2  }
0xde: {  	vm6 =	vgt.s32 v0, $0x0  }
0xdf: {  	v0 =	vnsel vm6, $0x0, v0  }
0xe0: {  	vm7 =	vgt.s32 v53, $0x0;
	v0 =	vmin.u32 v0, $0xA  }
0xe1: {  	v1 =	vnsel vm7, $0x0, v53;
	v0 =	vmul.u32 $0xB, v0  }
0xe2: {  	v1 =	vmin.u32 v1, $0xA  }
0xe3: {  	v0 =	vadd.s32 v1, v0  }
0xe4: {  	[tilespmem:s0+$0x2150] =	vst v0  }
0xe5: {  	v0 =	vld [tilespmem:s30+$0xFFFFF860];
	_ =	sdelay $0x1  }
0xe6: {  	v54 =	vld [tilespmem:s30+$0x860];
	_ =	sdelay $0x2  }
0xe7: {  	vm8 =	vgt.s32 v0, $0x0  }
0xe8: {  	v0 =	vnsel vm8, $0x0, v0  }
0xe9: {  	vm9 =	vgt.s32 v54, $0x0;
	v0 =	vmin.u32 v0, $0xA  }
0xea: {  	v1 =	vnsel vm9, $0x0, v54;
	v0 =	vmul.u32 $0xB, v0  }
0xeb: {  	v1 =	vmin.u32 v1, $0xA  }
0xec: {  	v0 =	vadd.s32 v1, v0  }
0xed: {  	[tilespmem:s0+$0x2160] =	vst v0  }
0xee: {  	v0 =	vld [tilespmem:s30+$0xFFFFF870];
	_ =	sdelay $0x1  }
0xef: {  	v55 =	vld [tilespmem:s30+$0x870];
	_ =	sdelay $0x2  }
0xf0: {  	vm10 =	vgt.s32 v0, $0x0  }
0xf1: {  	v0 =	vnsel vm10, $0x0, v0  }
0xf2: {  	vm11 =	vgt.s32 v55, $0x0;
	v0 =	vmin.u32 v0, $0xA  }
0xf3: {  	v1 =	vnsel vm11, $0x0, v55;
	v0 =	vmul.u32 $0xB, v0  }
0xf4: {  	v1 =	vmin.u32 v1, $0xA  }
0xf5: {  	v0 =	vadd.s32 v1, v0  }
0xf6: {  	[tilespmem:s0+$0x2170] =	vst v0  }
0xf7: {  	v0 =	vld [tilespmem:s30+$0xFFFFFC00];
	_ =	sdelay $0x1  }
0xf8: {  	v56 =	vld [tilespmem:s30+$0xC00];
	_ =	sdelay $0x2  }
0xf9: {  	vm12 =	vgt.s32 v0, $0x0  }
0xfa: {  	v0 =	vnsel vm12, $0x0, v0  }
0xfb: {  	vm13 =	vgt.s32 v56, $0x0;
	v0 =	vmin.u32 v0, $0xA  }
0xfc: {  	v1 =	vnsel vm13, $0x0, v56;
	v0 =	vmul.u32 $0xB, v0  }
0xfd: {  	v1 =	vmin.u32 v1, $0xA  }
0xfe: {  	v0 =	vadd.s32 v1, v0  }
0xff: {  	[tilespmem:s0+$0x2180] =	vst v0  }
0x100: {  	v0 =	vld [tilespmem:s30+$0xFFFFFC10];
	_ =	sdelay $0x1  }
0x101: {  	v57 =	vld [tilespmem:s30+$0xC10];
	_ =	sdelay $0x2  }
0x102: {  	vm14 =	vgt.s32 v0, $0x0  }
0x103: {  	v0 =	vnsel vm14, $0x0, v0  }
0x104: {  	vm15 =	vgt.s32 v57, $0x0;
	v0 =	vmin.u32 v0, $0xA  }
0x105: {  	v1 =	vnsel vm15, $0x0, v57;
	v0 =	vmul.u32 $0xB, v0  }
0x106: {  	v1 =	vmin.u32 v1, $0xA  }
0x107: {  	v0 =	vadd.s32 v1, v0  }
0x108: {  	[tilespmem:s0+$0x2190] =	vst v0  }
0x109: {  	v0 =	vld [tilespmem:s30+$0xFFFFFC20];
	_ =	sdelay $0x1  }
0x10a: {  	v58 =	vld [tilespmem:s30+$0xC20];
	_ =	sdelay $0x2  }
0x10b: {  	vm4 =	vgt.s32 v0, $0x0  }
0x10c: {  	v0 =	vnsel vm4, $0x0, v0  }
0x10d: {  	vm5 =	vgt.s32 v58, $0x0;
	v0 =	vmin.u32 v0, $0xA  }
0x10e: {  	v1 =	vnsel vm5, $0x0, v58;
	v0 =	vmul.u32 $0xB, v0  }
0x10f: {  	v1 =	vmin.u32 v1, $0xA  }
0x110: {  	v0 =	vadd.s32 v1, v0  }
0x111: {  	[tilespmem:s0+$0x21A0] =	vst v0  }
0x112: {  	v0 =	vld [tilespmem:s30+$0xFFFFFC30];
	_ =	sdelay $0x1  }
0x113: {  	v59 =	vld [tilespmem:s30+$0xC30];
	_ =	sdelay $0x2  }
0x114: {  	vm6 =	vgt.s32 v0, $0x0  }
0x115: {  	v0 =	vnsel vm6, $0x0, v0  }
0x116: {  	vm7 =	vgt.s32 v59, $0x0;
	v0 =	vmin.u32 v0, $0xA  }
0x117: {  	v1 =	vnsel vm7, $0x0, v59;
	v0 =	vmul.u32 $0xB, v0  }
0x118: {  	v1 =	vmin.u32 v1, $0xA  }
0x119: {  	v0 =	vadd.s32 v1, v0  }
0x11a: {  	[tilespmem:s0+$0x21B0] =	vst v0  }
0x11b: {  	v0 =	vld [tilespmem:s30+$0xFFFFFC40];
	_ =	sdelay $0x1  }
0x11c: {  	v60 =	vld [tilespmem:s30+$0xC40];
	_ =	sdelay $0x2  }
0x11d: {  	vm8 =	vgt.s32 v0, $0x0  }
0x11e: {  	v0 =	vnsel vm8, $0x0, v0  }
0x11f: {  	vm9 =	vgt.s32 v60, $0x0;
	v0 =	vmin.u32 v0, $0xA  }
0x120: {  	v1 =	vnsel vm9, $0x0, v60;
	v0 =	vmul.u32 $0xB, v0  }
0x121: {  	v1 =	vmin.u32 v1, $0xA  }
0x122: {  	v0 =	vadd.s32 v1, v0  }
0x123: {  	[tilespmem:s0+$0x21C0] =	vst v0  }
0x124: {  	v0 =	vld [tilespmem:s30+$0xFFFFFC50];
	_ =	sdelay $0x1  }
0x125: {  	v61 =	vld [tilespmem:s30+$0xC50];
	_ =	sdelay $0x2  }
0x126: {  	vm10 =	vgt.s32 v0, $0x0  }
0x127: {  	v0 =	vnsel vm10, $0x0, v0  }
0x128: {  	vm11 =	vgt.s32 v61, $0x0;
	v0 =	vmin.u32 v0, $0xA  }
0x129: {  	v1 =	vnsel vm11, $0x0, v61;
	v0 =	vmul.u32 $0xB, v0  }
0x12a: {  	v1 =	vmin.u32 v1, $0xA  }
0x12b: {  	v0 =	vadd.s32 v1, v0  }
0x12c: {  	[tilespmem:s0+$0x21D0] =	vst v0  }
0x12d: {  	v0 =	vld [tilespmem:s30+$0xFFFFFC60];
	_ =	sdelay $0x1  }
0x12e: {  	v62 =	vld [tilespmem:s30+$0xC60];
	_ =	sdelay $0x2  }
0x12f: {  	vm12 =	vgt.s32 v0, $0x0  }
0x130: {  	v0 =	vnsel vm12, $0x0, v0  }
0x131: {  	vm13 =	vgt.s32 v62, $0x0;
	v0 =	vmin.u32 v0, $0xA  }
0x132: {  	v1 =	vnsel vm13, $0x0, v62;
	v0 =	vmul.u32 $0xB, v0  }
0x133: {  	v1 =	vmin.u32 v1, $0xA  }
0x134: {  	v0 =	vadd.s32 v1, v0  }
0x135: {  	[tilespmem:s0+$0x21E0] =	vst v0  }
0x136: {  	v0 =	vld [tilespmem:s30+$0xFFFFFC70];
	_ =	sdelay $0x1  }
0x137: {  	v63 =	vld [tilespmem:s30+$0xC70];
	_ =	sdelay $0x2  }
0x138: {  	vm14 =	vgt.s32 v0, $0x0  }
0x139: {  	p1 =	sne.s32 s31, $0x3800;
	v0 =	vnsel vm14, $0x0, v0  }
.Ltmp2:
0x13a: {  	vm15 =	vgt.s32 v63, $0x0;
	v0 =	vmin.u32 v0, $0xA;
	(pc) =	sbr.rel @p1 .LBB2_2-.Ltmp2, $4  }
0x13b: {  	v1 =	vnsel vm15, $0x0, v63;
	v0 =	vmul.u32 $0xB, v0  }
0x13c: {  	v1 =	vmin.u32 v1, $0xA  }
0x13d: {  	v0 =	vadd.s32 v1, v0  }
0x13e: {  	s31 =	sadd.s32 $0x800, s31;
	s30 =	sadd.s32 $0x80, s30;
	[tilespmem:s0+$0x21F0] =	vst v0  }
0x13f: {  	[bflag:$0x0] =	sbarrier.arrive $0xFFFF;
	s0 =	simm.s32 $0x2000  }
0x140: {  	[tilespmem:s13], [sflag:$0x1] =	stream.indirect.gather [spmem:s2], $0x80, s0, s11, $0xb8;
	[tilespmem:$0x133C8] =	vst v63  }
0x141: {  	s14 =	simm.s32 $0x2080  }
0x142: {  	[tilespmem:s15], [sflag:$0x2] =	stream.indirect.gather [spmem:s2], $0x80, s14, s11, $0xb8;
	[tilespmem:$0x133C8] =	vst v63  }
0x143: {  	s16 =	simm.s32 $0x2100;
	s18 =	simm.s32 $0x2180;
	s30 =	smov.u32 s8  }
0x144: {  	[tilespmem:s17], [sflag:$0x3] =	stream.indirect.gather [spmem:s2], $0x80, s16, s11, $0xb8;
	[tilespmem:$0x133C8] =	vst v63  }
0x145: {  	s31 =	smov.u32 s7;
	s6 =	smov.u32 s1;
	s0 =	simm.s32 $0x0  }
0x146: {  	[tilespmem:s19], [sflag:$0x4] =	stream.indirect.gather [spmem:s2], $0x80, s18, s11, $0xb8;
	[tilespmem:$0x133C8] =	vst v63  }
.LBB2_4:
0x147: {  	_ =	swait.ge [sflag:s20], $0x4000  }
0x148: {  	[sflag:s20] =	ssyncset.done $0x0  }
0x149: {  	[sflag:s20] =	ssyncadd.s32 $0xFFFFC000  }
0x14a: {  	[hbm4b:s6+s3] =	stream.linear.scatter [tilespmem:s13], [sflag:$0x5], $0x4000, $0x38;
	[tilespmem:$0x133C8] =	vst v63  }
0x14b: {  	p1 =	seq.s32 s0, $0x3800;
	_ =	swait.ge [sflag:s21], $0x4000  }
0x14c: {  	s12 =	sshra.s32 @!p1 s0, $0x2;
	s16 =	simm.s32 @!p1 $0x80;
	[sflag:s21] =	ssyncset.done $0x0  }
0x14d: {  	s18 =	simm.s32 @!p1 $0x33C8;
	s14 =	sadd.s32 @!p1 $0x2200, s12;
	[sflag:s21] =	ssyncadd.s32 $0xFFFFC000  }
0x14e: {  	[tilespmem:s18], [sflag:$0x1] =	stream.indirect.gather @!p1 [spmem:s2], $0x80, s14, s16, $0xb8;
	[tilespmem:$0x133C8] =	vst v63  }
0x14f: {  	_ =	swait.ge [sflag:s22], $0x4000  }
0x150: {  	[sflag:s22] =	ssyncset.done $0x0  }
0x151: {  	s18 =	sadd.s32 $0xFFFFF000, s31;
	[sflag:s22] =	ssyncadd.s32 $0xFFFFC000  }
0x152: {  	[hbm4b:s18+s3] =	stream.linear.scatter [tilespmem:s15], [sflag:$0x6], $0x4000, $0x38;
	[tilespmem:$0x133C8] =	vst v63  }
0x153: {  	_ =	swait.ge [sflag:s23], $0x4000  }
0x154: {  	[sflag:s23] =	ssyncset.done $0x0  }
0x155: {  	s14 =	sadd.s32 @!p1 $0x2280, s12;
	s18 =	simm.s32 @!p1 $0x73C8;
	[sflag:s23] =	ssyncadd.s32 $0xFFFFC000  }
0x156: {  	[tilespmem:s18], [sflag:$0x2] =	stream.indirect.gather @!p1 [spmem:s2], $0x80, s14, s16, $0xb8;
	[tilespmem:$0x133C8] =	vst v63  }
0x157: {  	_ =	swait.ge [sflag:s24], $0x4000  }
0x158: {  	[sflag:s24] =	ssyncset.done $0x0  }
0x159: {  	[sflag:s24] =	ssyncadd.s32 $0xFFFFC000  }
0x15a: {  	[hbm4b:s30+s3] =	stream.linear.scatter [tilespmem:s17], [sflag:$0x7], $0x4000, $0x38;
	[tilespmem:$0x133C8] =	vst v63  }
0x15b: {  	_ =	swait.ge [sflag:s25], $0x4000  }
0x15c: {  	[sflag:s25] =	ssyncset.done $0x0  }
0x15d: {  	s12 =	sadd.s32 @!p1 $0x2300, s12;
	s14 =	simm.s32 @!p1 $0xB3C8;
	[sflag:s25] =	ssyncadd.s32 $0xFFFFC000  }
0x15e: {  	[tilespmem:s14], [sflag:$0x3] =	stream.indirect.gather @!p1 [spmem:s2], $0x80, s12, s16, $0xb8;
	[tilespmem:$0x133C8] =	vst v63  }
0x15f: {  	_ =	swait.ge [sflag:s26], $0x4000  }
0x160: {  	[sflag:s26] =	ssyncset.done $0x0  }
.Ltmp3:
0x161: {  	[sflag:s26] =	ssyncadd.s32 $0xFFFFC000;
	(pc) =	sbr.rel @p1 .LBB2_6-.Ltmp3, $4  }
0x162: {  	[hbm4b:s31+s3] =	stream.linear.scatter [tilespmem:s19], [sflag:$0x8], $0x4000, $0x38;
	[tilespmem:$0x133C8] =	vst v63  }
0x163: {  	_ =	swait.ge [sflag:s28], $0x4000  }
0x164: {  	[sflag:s28] =	ssyncset.done $0x0  }
0x165: {  	[sflag:s28] =	ssyncadd.s32 $0xFFFFC000  }
.Ltmp4:
0x166: {  	(pc) =	sbr.rel .LBB2_4-.Ltmp4, $4  }
0x167: {  	_ = 	snop  }
0x168: {  	s12 =	sshra.s32 s0, $0x2;
	s0 =	sadd.s32 $0x800, s0;
	s6 =	sadd.s32 $0x2000, s6  }
0x169: {  	s31 =	sadd.s32 $0x2000, s31;
	s30 =	sadd.s32 $0x2000, s30;
	s12 =	sadd.s32 $0x2380, s12  }
0x16a: {  	[tilespmem:s19], [sflag:$0x4] =	stream.indirect.gather [spmem:s2], $0x80, s12, s11, $0xb8;
	[tilespmem:$0x133C8] =	vst v63  }
.LBB2_7:
0x16b: {  	_ =	sfence.sel $0x180000  }
0x16c: {  	[bflag:$0x0] =	sbarrier.arrive $0xFFFF  }
0x16d: {  	_ =	strace $0x90000047  }
0x16e: {  	[bflag:$0x2] =	sbarrier.arrive $0xFFFF  }
0x16f: {  	s0 =	rddreg [dreg:$0x4]  }
0x170: {  	s0 =	sadd.s32 @!p0 $0x100000, s0  }
0x171: {  	[sflag:s0] =	ssyncadd.tile.s32 @!p0 $0x1;
	_ =	shalt  }
.Lfunc_end2:
_tile_overlayer_lowered:
.L_overlay_start_2:
0x172: {  	(tag) =	ssettag $0x2  }
0x173: {  	s0 =	rddreg [dreg:$0x0];
	s2 =	stileid.u32  }
0x174: {  	s1 =	rddreg [dreg:$0x1];
	p0 =	sne.s32 s2, $0x0  }
0x175: {  	s3 =	rddreg [dreg:$0x2];
	[bflag:$0x3] =	sbarrier.arrive $0xFFFF;
	s2 =	simm.s32 @!p0 $0x1C09  }
0x176: {  	[timem:s3], [sflag:s2] =	dma.local @!p0 [hbm:s0], s1  }
0x177: {  	s0 =	simm.s32 @!p0 $0x9  }
0x178: {  	_ =	swait.ge @!p0 [sflag:s0], s1  }
0x179: {  	s1 =	ssub.s32 @!p0 $0x0, s1;
	[sflag:s0] =	ssyncset.done @!p0 $0x0  }
0x17a: {  	[sflag:s0] =	ssyncadd.s32 @!p0 s1  }
0x17b: {  	[bflag:$0x3] =	sbarrier.arrive $0xFFFF  }
0x17c: {  	_ =	shalt  }

</sc_bundles>
